<compile_context>
chip_gen: v7x
topology: tpu7x:2x2x1
jax: 0.10.2.dev20260603
libtpu: 0.0.44.dev20260713+nightly
codegen_flags: <defaults>
</compile_context>

<pallas_src>
import jax
import jax.numpy as jnp
from jax import lax
from jax.experimental import pallas as pl
from jax.experimental.pallas import tpu as pltpu
from jax.experimental.pallas import tpu_sc as plsc

_B, _N, _D = 4096, 50, 128
_NP = 56
_NC, _NS = 2, 16
_NW = _NC * _NS
_BAT_W = _B // _NW
_IDS_W = _BAT_W * _NP
_CB = 4
_CHW = _CB * _NP
_NCH = _BAT_W // _CB
_REP = 512


def _body(ids_hbm, act_hbm, table_hbm, ratio_hbm, out_hbm,
          idx_all, act_all, aidx0, aidx1, ib0, ib1,
          gsem, esem, asem, wsem):
    ibs, aidxs = (ib0, ib1), (aidx0, aidx1)
    wid = lax.axis_index("s") * _NC + lax.axis_index("c")
    w_base = wid * _IDS_W
    b_base = wid * _BAT_W
    pltpu.sync_copy(ids_hbm.at[pl.ds(w_base, _IDS_W)], idx_all)
    pltpu.sync_copy(act_hbm.at[pl.ds(w_base, _IDS_W)], act_all)

    lane = lax.iota(jnp.int32, 16)

    def g_copy(c, s):
        return pltpu.make_async_copy(
            table_hbm.at[idx_all.at[pl.ds(c * _CHW, _CHW)]],
            ibs[s], gsem.at[s])

    def e_copy(c, q, s):
        return pltpu.make_async_copy(
            ibs[s].at[pl.ds(q * _NP, _N)],
            out_hbm.at[:, 0, b_base + c * _CB + q], esem.at[s])

    def a_copy(c, s):
        return pltpu.make_async_copy(
            ratio_hbm.at[aidxs[s]], ibs[s], asem.at[s])

    def w_copy(c, q, s):
        return pltpu.make_async_copy(
            ibs[s].at[pl.ds(q * _NP, _N)],
            out_hbm.at[:, 1, b_base + c * _CB + q], wsem.at[s])

    def w_drain(s):
        for q in range(_CB):
            w_copy(0, q, s).wait()

    def chunk(c, s):
        for q in range(_CHW // 16):
            pos = wid * 17 + c * _CHW + 16 * q + lane
            aidxs[s][pl.ds(16 * q, 16)] = \
                act_all[pl.ds(c * _CHW + 16 * q, 16)] * _REP \
                + (pos & (_REP - 1))

        @pl.when(c >= 1)
        def _():
            w_drain(1 - s)

        @pl.when(c + 1 < _NCH)
        def _():
            g_copy(c + 1, 1 - s).start()
        g_copy(c, s).wait()
        for q in range(_CB):
            e_copy(c, q, s).start()
        for q in range(_CB):
            e_copy(c, q, s).wait()
        a_copy(c, s).start(add=True)
        a_copy(c, s).wait()
        for q in range(_CB):
            w_copy(c, q, s).start()

    g_copy(0, 0).start()

    def t_body(t, carry):
        chunk(2 * t, 0)
        chunk(2 * t + 1, 1)
        return carry

    lax.fori_loop(0, _NCH // 2, t_body, 0)
    w_drain(1)


@jax.jit
def _run(ids_flat, act_flat, item_emb_table, ratio_rep):
    mesh = plsc.VectorSubcoreMesh(core_axis_name="c", subcore_axis_name="s")
    k = pl.kernel(
        _body,
        out_type=jax.ShapeDtypeStruct((_N, 2, _B, _D), jnp.float32),
        mesh=mesh,
        scratch_types=[
            pltpu.VMEM((_IDS_W,), jnp.int32),
            pltpu.VMEM((_IDS_W,), jnp.int32),
            pltpu.VMEM((_CHW,), jnp.int32),
            pltpu.VMEM((_CHW,), jnp.int32),
            pltpu.VMEM((_CHW, _D), jnp.float32),
            pltpu.VMEM((_CHW, _D), jnp.float32),
            pltpu.SemaphoreType.DMA((2,)),
            pltpu.SemaphoreType.DMA((2,)),
            pltpu.SemaphoreType.DMA((2,)),
            pltpu.SemaphoreType.DMA((2,)),
        ],
    )
    return k(ids_flat, act_flat, item_emb_table, ratio_rep)


def kernel(item_ids, item_actions, item_emb_table, ratio_emb_table):
    nrows = item_emb_table.shape[0]
    filler = (jnp.arange(_B * (_NP - _N), dtype=jnp.int32) % nrows
              ).reshape(_B, _NP - _N)
    ids_flat = jnp.concatenate(
        [item_ids.astype(jnp.int32), filler], axis=1).reshape(_B * _NP)
    act_flat = jnp.concatenate(
        [item_actions.astype(jnp.int32),
         jnp.zeros((_B, _NP - _N), jnp.int32)], axis=1).reshape(_B * _NP)
    ratio_rep = jnp.broadcast_to(
        ratio_emb_table.astype(jnp.float32)[:, None, :],
        (16, _REP, _D)).reshape(16 * _REP, _D)
    out = _run(ids_flat, act_flat,
               item_emb_table.astype(jnp.float32), ratio_rep)
    return jnp.transpose(out.reshape(2 * _N, _B, _D), (1, 0, 2))

# --- scband reference (transcript-rebuilt; emitter-appended) ---
"""Pipeline reference for scband-inter-embedding-module-21440476742325 (READ-ONLY COPY).

The authoritative reference and input builder live on the scoring server;
editing this copy changes nothing except your own understanding.
"""

import jax, jax.numpy as jnp
import numpy as np

NUM_ITEMS = 100000
EMB_DIM = 128
NUM_ACTIONS = 16
B, N = 4096, 50

def setup_inputs(seed: int = 0) -> dict:
    key = jax.random.key(seed)
    k1, k2, k3, k4 = jax.random.split(key, 4)
    item_ids = jax.random.randint(k1, (B, N), 0, NUM_ITEMS + 1)
    item_actions = jax.random.randint(k2, (B, N), 0, NUM_ACTIONS)
    # truncated-normal-like init (std=0.02), padding_idx=0 zeroed
    item_emb_table = jnp.clip(jax.random.normal(k3, (NUM_ITEMS + 1, EMB_DIM), dtype=jnp.float32), -2.0, 2.0) * 0.02
    item_emb_table = item_emb_table.at[0].set(0.0)
    ratio_emb_table = jnp.clip(jax.random.normal(k4, (NUM_ACTIONS, EMB_DIM), dtype=jnp.float32), -2.0, 2.0) * 0.02
    ratio_emb_table = ratio_emb_table.at[0].set(0.0)
    return {"item_ids": item_ids, "item_actions": item_actions,
            "item_emb_table": item_emb_table, "ratio_emb_table": ratio_emb_table}

def reference(item_ids, item_actions, item_emb_table, ratio_emb_table):
    # item_emb = self._item_emb(item_ids)
    item_emb = jnp.take(item_emb_table, item_ids, axis=0)
    # actions_emb = self._ratio_emb(item_actions)
    actions_emb = jnp.take(ratio_emb_table, item_actions, axis=0)
    Bq, Nq, D = item_emb.shape
    # modify_action == True branch: interleave item_emb and (actions_emb + item_emb)
    ret_emb = jnp.stack([item_emb, actions_emb + item_emb], axis=2).reshape(Bq, 2 * Nq, D)
    return ret_emb

if __name__ == "__main__":
    import jax
    _d = setup_inputs()
    print(jax.jit(kernel)(*tuple(_d.values())))

</pallas_src>

<mosaic_0001>
#map = affine_map<(d0, d1) -> (0)>
#map1 = affine_map<(d0, d1) -> (0, 0)>
#map2 = affine_map<(d0, d1) -> (0, 0, 0, 0)>
module attributes {stable_mosaic.version = 14 : i64} {
  func.func @_body(%arg0: i32, %arg1: i32, %arg2: memref<229376xi32, #tpu.memory_space<hbm>>, %arg3: memref<229376xi32, #tpu.memory_space<hbm>>, %arg4: memref<100001x128xf32, #tpu.memory_space<hbm>>, %arg5: memref<8192x128xf32, #tpu.memory_space<hbm>>, %arg6: memref<50x2x4096x128xf32, #tpu.memory_space<hbm>>, %arg7: memref<7168xi32, #tpu.memory_space<vmem>>, %arg8: memref<7168xi32, #tpu.memory_space<vmem>>, %arg9: memref<224xi32, #tpu.memory_space<vmem>>, %arg10: memref<224xi32, #tpu.memory_space<vmem>>, %arg11: memref<224x128xf32, #tpu.memory_space<vmem>>, %arg12: memref<224x128xf32, #tpu.memory_space<vmem>>, %arg13: memref<2x!tpu.dma_semaphore, #tpu.memory_space<semaphore_mem>>, %arg14: memref<2x!tpu.dma_semaphore, #tpu.memory_space<semaphore_mem>>, %arg15: memref<2x!tpu.dma_semaphore, #tpu.memory_space<semaphore_mem>>, %arg16: memref<2x!tpu.dma_semaphore, #tpu.memory_space<semaphore_mem>>) attributes {dimension_semantics = [#tpu.dimension_semantics<core_parallel>, #tpu.dimension_semantics<subcore_parallel>], iteration_bounds = array<i64: 2, 16>, scalar_prefetch = 0 : i64, scratch_operands = 10 : i64, tpu.core_type = #tpu.core_type<sc_vector_subcore>, window_params = [{transform_indices = #map}, {transform_indices = #map}, {transform_indices = #map1}, {transform_indices = #map1}, {transform_indices = #map2}]} {
    %mul3A = arith.constant 2 : i32
    %mul3A_0 = arith.muli %arg1, %mul3A : i32
    %add3A = arith.addi %mul3A_0, %arg0 : i32
    %mul3A_1 = arith.constant 7168 : i32
    %mul3A_2 = arith.muli %add3A, %mul3A_1 : i32
    %mul3A_3 = arith.constant 128 : i32
    %mul3A_4 = arith.muli %add3A, %mul3A_3 : i32
    "tpu.region"() ({
      %run_scoped3A = tpu.sem_alloc : memref<!tpu.dma_semaphore, #tpu.memory_space<semaphore_mem>>
      %dma_start3A_104 = tpu.memref_slice %arg2[%mul3A_2] : memref<229376xi32, #tpu.memory_space<hbm>> -> memref<7168xi32, #tpu.memory_space<hbm>>
      %dma_start3A_105 = tpu.memref_slice %arg2[%mul3A_2] : memref<229376xi32, #tpu.memory_space<hbm>> -> memref<7168xi32, #tpu.memory_space<hbm>>
      tpu.enqueue_dma source(%dma_start3A_105 : memref<7168xi32, #tpu.memory_space<hbm>>) target(%arg7 : memref<7168xi32, #tpu.memory_space<vmem>>) target_semaphore(%run_scoped3A : memref<!tpu.dma_semaphore, #tpu.memory_space<semaphore_mem>>)
      %dma_wait3A_106 = tpu.memref_slice %arg2[%mul3A_2] : memref<229376xi32, #tpu.memory_space<hbm>> -> memref<7168xi32, #tpu.memory_space<hbm>>
      %dma_wait3A_107 = tpu.memref_slice %arg2[%mul3A_2] : memref<229376xi32, #tpu.memory_space<hbm>> -> memref<7168xi32, #tpu.memory_space<hbm>>
      tpu.wait_dma2 semaphore(%run_scoped3A : memref<!tpu.dma_semaphore, #tpu.memory_space<semaphore_mem>>) src(%dma_wait3A_107 : memref<7168xi32, #tpu.memory_space<hbm>>) dst(%arg7 : memref<7168xi32, #tpu.memory_space<vmem>>)
      tpu.yield
    }) : () -> ()
    "tpu.region"() ({
      %run_scoped3A = tpu.sem_alloc : memref<!tpu.dma_semaphore, #tpu.memory_space<semaphore_mem>>
      %dma_start3A_104 = tpu.memref_slice %arg3[%mul3A_2] : memref<229376xi32, #tpu.memory_space<hbm>> -> memref<7168xi32, #tpu.memory_space<hbm>>
      %dma_start3A_105 = tpu.memref_slice %arg3[%mul3A_2] : memref<229376xi32, #tpu.memory_space<hbm>> -> memref<7168xi32, #tpu.memory_space<hbm>>
      tpu.enqueue_dma source(%dma_start3A_105 : memref<7168xi32, #tpu.memory_space<hbm>>) target(%arg8 : memref<7168xi32, #tpu.memory_space<vmem>>) target_semaphore(%run_scoped3A : memref<!tpu.dma_semaphore, #tpu.memory_space<semaphore_mem>>)
      %dma_wait3A_106 = tpu.memref_slice %arg3[%mul3A_2] : memref<229376xi32, #tpu.memory_space<hbm>> -> memref<7168xi32, #tpu.memory_space<hbm>>
      %dma_wait3A_107 = tpu.memref_slice %arg3[%mul3A_2] : memref<229376xi32, #tpu.memory_space<hbm>> -> memref<7168xi32, #tpu.memory_space<hbm>>
      tpu.wait_dma2 semaphore(%run_scoped3A : memref<!tpu.dma_semaphore, #tpu.memory_space<semaphore_mem>>) src(%dma_wait3A_107 : memref<7168xi32, #tpu.memory_space<hbm>>) dst(%arg8 : memref<7168xi32, #tpu.memory_space<vmem>>)
      tpu.yield
    }) : () -> ()
    %iota3A = tpu.iota {dimensions = array<i32: 0>} : vector<16xi32>
    %dma_start3A = arith.constant 0 : i32
    %dma_start3A_5 = arith.constant 0 : i32
    %dma_start3A_6 = tpu.memref_slice %arg7[%dma_start3A_5] : memref<7168xi32, #tpu.memory_space<vmem>> -> memref<224xi32, #tpu.memory_space<vmem>>
    %dma_start3A_7 = arith.constant 0 : i32
    %dma_start3A_8 = arith.constant 0 : i32
    %dma_start3A_9 = tpu.memref_slice %arg4[%dma_start3A_7, %dma_start3A_8] : memref<100001x128xf32, #tpu.memory_space<hbm>> -> memref<100001x128xf32, #tpu.memory_space<hbm>>
    %dma_start3A_10 = tpu.memref_slice %arg13[%dma_start3A] : memref<2x!tpu.dma_semaphore, #tpu.memory_space<semaphore_mem>> -> memref<1x!tpu.dma_semaphore, #tpu.memory_space<semaphore_mem>>
    %dma_start3A_11 = tpu.memref_squeeze %dma_start3A_10 : memref<1x!tpu.dma_semaphore, #tpu.memory_space<semaphore_mem>> -> memref<!tpu.dma_semaphore, #tpu.memory_space<semaphore_mem>>
    tpu.enqueue_indirect_dma source(%dma_start3A_9 : memref<100001x128xf32, #tpu.memory_space<hbm>>) target(%arg11 : memref<224x128xf32, #tpu.memory_space<vmem>>) offsets(%dma_start3A_6 : memref<224xi32, #tpu.memory_space<vmem>>) semaphore(%dma_start3A_11 : memref<!tpu.dma_semaphore, #tpu.memory_space<semaphore_mem>>)
    %scan3A = arith.constant 0 : i32
    %scan3A_12 = arith.constant 0 : i32
    %scan3A_13 = arith.constant 16 : i32
    %scan3A_14 = arith.addi %scan3A_12, %scan3A_13 : i32
    %scan3A_15 = arith.constant 1 : i32
    scf.for %scan3A_104 = %scan3A_12 to %scan3A_14 step %scan3A_15  : i32 {
      %mul3A_105 = arith.constant 2 : i32
      %mul3A_106 = arith.muli %mul3A_105, %scan3A_104 : i32
      %mul3A_107 = arith.constant 17 : i32
      %mul3A_108 = arith.muli %add3A, %mul3A_107 : i32
      %mul3A_109 = arith.constant 224 : i32
      %mul3A_110 = arith.muli %mul3A_106, %mul3A_109 : i32
      %add3A_111 = arith.addi %mul3A_108, %mul3A_110 : i32
      %add3A_112 = arith.constant 0 : i32
      %add3A_113 = arith.addi %add3A_111, %add3A_112 : i32
      %add3A_114 = vector.broadcast %add3A_113 : i32 to vector<16xi32>
      %add3A_115 = arith.addi %add3A_114, %iota3A : vector<16xi32>
      %mul3A_116 = arith.constant 224 : i32
      %mul3A_117 = arith.muli %mul3A_106, %mul3A_116 : i32
      %add3A_118 = arith.constant 0 : i32
      %add3A_119 = arith.addi %mul3A_117, %add3A_118 : i32
      %get3A = arith.index_cast %add3A_119 : i32 to index
      %get3A_120 = tpu.vector_load %arg8[%get3A] {strides = array<i32>} : memref<7168xi32, #tpu.memory_space<vmem>>, vector<16xi32>,
      %get3A_121 = vector.shape_cast %get3A_120 : vector<16xi32> to vector<16xi32>
      %mul3A_122 = arith.constant 512 : i32
      %mul3A_123 = vector.broadcast %mul3A_122 : i32 to vector<16xi32>
      %mul3A_124 = arith.muli %get3A_121, %mul3A_123 : vector<16xi32>
      %and3A = arith.constant 511 : i32
      %and3A_125 = vector.broadcast %and3A : i32 to vector<16xi32>
      %and3A_126 = arith.andi %add3A_115, %and3A_125 : vector<16xi32>
      %add3A_127 = arith.addi %mul3A_124, %and3A_126 : vector<16xi32>
      %swap3A = arith.constant 0 : index
      %swap3A_128 = tpu.vector_load %arg9[%swap3A] {strides = array<i32>} : memref<224xi32, #tpu.memory_space<vmem>>, vector<16xi32>,
      %swap3A_129 = vector.shape_cast %swap3A_128 : vector<16xi32> to vector<16xi32>
      %swap3A_130 = vector.shape_cast %add3A_127 : vector<16xi32> to vector<16xi32>
      tpu.vector_store %arg9[%swap3A], %swap3A_130 {strides = array<i32>} : memref<224xi32, #tpu.memory_space<vmem>>, vector<16xi32>,
      %mul3A_131 = arith.constant 17 : i32
      %mul3A_132 = arith.muli %add3A, %mul3A_131 : i32
      %mul3A_133 = arith.constant 224 : i32
      %mul3A_134 = arith.muli %mul3A_106, %mul3A_133 : i32
      %add3A_135 = arith.addi %mul3A_132, %mul3A_134 : i32
      %add3A_136 = arith.constant 16 : i32
      %add3A_137 = arith.addi %add3A_135, %add3A_136 : i32
      %add3A_138 = vector.broadcast %add3A_137 : i32 to vector<16xi32>
      %add3A_139 = arith.addi %add3A_138, %iota3A : vector<16xi32>
      %mul3A_140 = arith.constant 224 : i32
      %mul3A_141 = arith.muli %mul3A_106, %mul3A_140 : i32
      %add3A_142 = arith.constant 16 : i32
      %add3A_143 = arith.addi %mul3A_141, %add3A_142 : i32
      %get3A_144 = arith.index_cast %add3A_143 : i32 to index
      %get3A_145 = tpu.vector_load %arg8[%get3A_144] {strides = array<i32>} : memref<7168xi32, #tpu.memory_space<vmem>>, vector<16xi32>,
      %get3A_146 = vector.shape_cast %get3A_145 : vector<16xi32> to vector<16xi32>
      %mul3A_147 = arith.constant 512 : i32
      %mul3A_148 = vector.broadcast %mul3A_147 : i32 to vector<16xi32>
      %mul3A_149 = arith.muli %get3A_146, %mul3A_148 : vector<16xi32>
      %and3A_150 = arith.constant 511 : i32
      %and3A_151 = vector.broadcast %and3A_150 : i32 to vector<16xi32>
      %and3A_152 = arith.andi %add3A_139, %and3A_151 : vector<16xi32>
      %add3A_153 = arith.addi %mul3A_149, %and3A_152 : vector<16xi32>
      %swap3A_154 = arith.constant 16 : index
      %swap3A_155 = tpu.vector_load %arg9[%swap3A_154] {strides = array<i32>} : memref<224xi32, #tpu.memory_space<vmem>>, vector<16xi32>,
      %swap3A_156 = vector.shape_cast %swap3A_155 : vector<16xi32> to vector<16xi32>
      %swap3A_157 = vector.shape_cast %add3A_153 : vector<16xi32> to vector<16xi32>
      tpu.vector_store %arg9[%swap3A_154], %swap3A_157 {strides = array<i32>} : memref<224xi32, #tpu.memory_space<vmem>>, vector<16xi32>,
      %mul3A_158 = arith.constant 17 : i32
      %mul3A_159 = arith.muli %add3A, %mul3A_158 : i32
      %mul3A_160 = arith.constant 224 : i32
      %mul3A_161 = arith.muli %mul3A_106, %mul3A_160 : i32
      %add3A_162 = arith.addi %mul3A_159, %mul3A_161 : i32
      %add3A_163 = arith.constant 32 : i32
      %add3A_164 = arith.addi %add3A_162, %add3A_163 : i32
      %add3A_165 = vector.broadcast %add3A_164 : i32 to vector<16xi32>
      %add3A_166 = arith.addi %add3A_165, %iota3A : vector<16xi32>
      %mul3A_167 = arith.constant 224 : i32
      %mul3A_168 = arith.muli %mul3A_106, %mul3A_167 : i32
      %add3A_169 = arith.constant 32 : i32
      %add3A_170 = arith.addi %mul3A_168, %add3A_169 : i32
      %get3A_171 = arith.index_cast %add3A_170 : i32 to index
      %get3A_172 = tpu.vector_load %arg8[%get3A_171] {strides = array<i32>} : memref<7168xi32, #tpu.memory_space<vmem>>, vector<16xi32>,
      %get3A_173 = vector.shape_cast %get3A_172 : vector<16xi32> to vector<16xi32>
      %mul3A_174 = arith.constant 512 : i32
      %mul3A_175 = vector.broadcast %mul3A_174 : i32 to vector<16xi32>
      %mul3A_176 = arith.muli %get3A_173, %mul3A_175 : vector<16xi32>
      %and3A_177 = arith.constant 511 : i32
      %and3A_178 = vector.broadcast %and3A_177 : i32 to vector<16xi32>
      %and3A_179 = arith.andi %add3A_166, %and3A_178 : vector<16xi32>
      %add3A_180 = arith.addi %mul3A_176, %and3A_179 : vector<16xi32>
      %swap3A_181 = arith.constant 32 : index
      %swap3A_182 = tpu.vector_load %arg9[%swap3A_181] {strides = array<i32>} : memref<224xi32, #tpu.memory_space<vmem>>, vector<16xi32>,
      %swap3A_183 = vector.shape_cast %swap3A_182 : vector<16xi32> to vector<16xi32>
      %swap3A_184 = vector.shape_cast %add3A_180 : vector<16xi32> to vector<16xi32>
      tpu.vector_store %arg9[%swap3A_181], %swap3A_184 {strides = array<i32>} : memref<224xi32, #tpu.memory_space<vmem>>, vector<16xi32>,
      %mul3A_185 = arith.constant 17 : i32
      %mul3A_186 = arith.muli %add3A, %mul3A_185 : i32
      %mul3A_187 = arith.constant 224 : i32
      %mul3A_188 = arith.muli %mul3A_106, %mul3A_187 : i32
      %add3A_189 = arith.addi %mul3A_186, %mul3A_188 : i32
      %add3A_190 = arith.constant 48 : i32
      %add3A_191 = arith.addi %add3A_189, %add3A_190 : i32
      %add3A_192 = vector.broadcast %add3A_191 : i32 to vector<16xi32>
      %add3A_193 = arith.addi %add3A_192, %iota3A : vector<16xi32>
      %mul3A_194 = arith.constant 224 : i32
      %mul3A_195 = arith.muli %mul3A_106, %mul3A_194 : i32
      %add3A_196 = arith.constant 48 : i32
      %add3A_197 = arith.addi %mul3A_195, %add3A_196 : i32
      %get3A_198 = arith.index_cast %add3A_197 : i32 to index
      %get3A_199 = tpu.vector_load %arg8[%get3A_198] {strides = array<i32>} : memref<7168xi32, #tpu.memory_space<vmem>>, vector<16xi32>,
      %get3A_200 = vector.shape_cast %get3A_199 : vector<16xi32> to vector<16xi32>
      %mul3A_201 = arith.constant 512 : i32
      %mul3A_202 = vector.broadcast %mul3A_201 : i32 to vector<16xi32>
      %mul3A_203 = arith.muli %get3A_200, %mul3A_202 : vector<16xi32>
      %and3A_204 = arith.constant 511 : i32
      %and3A_205 = vector.broadcast %and3A_204 : i32 to vector<16xi32>
      %and3A_206 = arith.andi %add3A_193, %and3A_205 : vector<16xi32>
      %add3A_207 = arith.addi %mul3A_203, %and3A_206 : vector<16xi32>
      %swap3A_208 = arith.constant 48 : index
      %swap3A_209 = tpu.vector_load %arg9[%swap3A_208] {strides = array<i32>} : memref<224xi32, #tpu.memory_space<vmem>>, vector<16xi32>,
      %swap3A_210 = vector.shape_cast %swap3A_209 : vector<16xi32> to vector<16xi32>
      %swap3A_211 = vector.shape_cast %add3A_207 : vector<16xi32> to vector<16xi32>
      tpu.vector_store %arg9[%swap3A_208], %swap3A_211 {strides = array<i32>} : memref<224xi32, #tpu.memory_space<vmem>>, vector<16xi32>,
      %mul3A_212 = arith.constant 17 : i32
      %mul3A_213 = arith.muli %add3A, %mul3A_212 : i32
      %mul3A_214 = arith.constant 224 : i32
      %mul3A_215 = arith.muli %mul3A_106, %mul3A_214 : i32
      %add3A_216 = arith.addi %mul3A_213, %mul3A_215 : i32
      %add3A_217 = arith.constant 64 : i32
      %add3A_218 = arith.addi %add3A_216, %add3A_217 : i32
      %add3A_219 = vector.broadcast %add3A_218 : i32 to vector<16xi32>
      %add3A_220 = arith.addi %add3A_219, %iota3A : vector<16xi32>
      %mul3A_221 = arith.constant 224 : i32
      %mul3A_222 = arith.muli %mul3A_106, %mul3A_221 : i32
      %add3A_223 = arith.constant 64 : i32
      %add3A_224 = arith.addi %mul3A_222, %add3A_223 : i32
      %get3A_225 = arith.index_cast %add3A_224 : i32 to index
      %get3A_226 = tpu.vector_load %arg8[%get3A_225] {strides = array<i32>} : memref<7168xi32, #tpu.memory_space<vmem>>, vector<16xi32>,
      %get3A_227 = vector.shape_cast %get3A_226 : vector<16xi32> to vector<16xi32>
      %mul3A_228 = arith.constant 512 : i32
      %mul3A_229 = vector.broadcast %mul3A_228 : i32 to vector<16xi32>
      %mul3A_230 = arith.muli %get3A_227, %mul3A_229 : vector<16xi32>
      %and3A_231 = arith.constant 511 : i32
      %and3A_232 = vector.broadcast %and3A_231 : i32 to vector<16xi32>
      %and3A_233 = arith.andi %add3A_220, %and3A_232 : vector<16xi32>
      %add3A_234 = arith.addi %mul3A_230, %and3A_233 : vector<16xi32>
      %swap3A_235 = arith.constant 64 : index
      %swap3A_236 = tpu.vector_load %arg9[%swap3A_235] {strides = array<i32>} : memref<224xi32, #tpu.memory_space<vmem>>, vector<16xi32>,
      %swap3A_237 = vector.shape_cast %swap3A_236 : vector<16xi32> to vector<16xi32>
      %swap3A_238 = vector.shape_cast %add3A_234 : vector<16xi32> to vector<16xi32>
      tpu.vector_store %arg9[%swap3A_235], %swap3A_238 {strides = array<i32>} : memref<224xi32, #tpu.memory_space<vmem>>, vector<16xi32>,
      %mul3A_239 = arith.constant 17 : i32
      %mul3A_240 = arith.muli %add3A, %mul3A_239 : i32
      %mul3A_241 = arith.constant 224 : i32
      %mul3A_242 = arith.muli %mul3A_106, %mul3A_241 : i32
      %add3A_243 = arith.addi %mul3A_240, %mul3A_242 : i32
      %add3A_244 = arith.constant 80 : i32
      %add3A_245 = arith.addi %add3A_243, %add3A_244 : i32
      %add3A_246 = vector.broadcast %add3A_245 : i32 to vector<16xi32>
      %add3A_247 = arith.addi %add3A_246, %iota3A : vector<16xi32>
      %mul3A_248 = arith.constant 224 : i32
      %mul3A_249 = arith.muli %mul3A_106, %mul3A_248 : i32
      %add3A_250 = arith.constant 80 : i32
      %add3A_251 = arith.addi %mul3A_249, %add3A_250 : i32
      %get3A_252 = arith.index_cast %add3A_251 : i32 to index
      %get3A_253 = tpu.vector_load %arg8[%get3A_252] {strides = array<i32>} : memref<7168xi32, #tpu.memory_space<vmem>>, vector<16xi32>,
      %get3A_254 = vector.shape_cast %get3A_253 : vector<16xi32> to vector<16xi32>
      %mul3A_255 = arith.constant 512 : i32
      %mul3A_256 = vector.broadcast %mul3A_255 : i32 to vector<16xi32>
      %mul3A_257 = arith.muli %get3A_254, %mul3A_256 : vector<16xi32>
      %and3A_258 = arith.constant 511 : i32
      %and3A_259 = vector.broadcast %and3A_258 : i32 to vector<16xi32>
      %and3A_260 = arith.andi %add3A_247, %and3A_259 : vector<16xi32>
      %add3A_261 = arith.addi %mul3A_257, %and3A_260 : vector<16xi32>
      %swap3A_262 = arith.constant 80 : index
      %swap3A_263 = tpu.vector_load %arg9[%swap3A_262] {strides = array<i32>} : memref<224xi32, #tpu.memory_space<vmem>>, vector<16xi32>,
      %swap3A_264 = vector.shape_cast %swap3A_263 : vector<16xi32> to vector<16xi32>
      %swap3A_265 = vector.shape_cast %add3A_261 : vector<16xi32> to vector<16xi32>
      tpu.vector_store %arg9[%swap3A_262], %swap3A_265 {strides = array<i32>} : memref<224xi32, #tpu.memory_space<vmem>>, vector<16xi32>,
      %mul3A_266 = arith.constant 17 : i32
      %mul3A_267 = arith.muli %add3A, %mul3A_266 : i32
      %mul3A_268 = arith.constant 224 : i32
      %mul3A_269 = arith.muli %mul3A_106, %mul3A_268 : i32
      %add3A_270 = arith.addi %mul3A_267, %mul3A_269 : i32
      %add3A_271 = arith.constant 96 : i32
      %add3A_272 = arith.addi %add3A_270, %add3A_271 : i32
      %add3A_273 = vector.broadcast %add3A_272 : i32 to vector<16xi32>
      %add3A_274 = arith.addi %add3A_273, %iota3A : vector<16xi32>
      %mul3A_275 = arith.constant 224 : i32
      %mul3A_276 = arith.muli %mul3A_106, %mul3A_275 : i32
      %add3A_277 = arith.constant 96 : i32
      %add3A_278 = arith.addi %mul3A_276, %add3A_277 : i32
      %get3A_279 = arith.index_cast %add3A_278 : i32 to index
      %get3A_280 = tpu.vector_load %arg8[%get3A_279] {strides = array<i32>} : memref<7168xi32, #tpu.memory_space<vmem>>, vector<16xi32>,
      %get3A_281 = vector.shape_cast %get3A_280 : vector<16xi32> to vector<16xi32>
      %mul3A_282 = arith.constant 512 : i32
      %mul3A_283 = vector.broadcast %mul3A_282 : i32 to vector<16xi32>
      %mul3A_284 = arith.muli %get3A_281, %mul3A_283 : vector<16xi32>
      %and3A_285 = arith.constant 511 : i32
      %and3A_286 = vector.broadcast %and3A_285 : i32 to vector<16xi32>
      %and3A_287 = arith.andi %add3A_274, %and3A_286 : vector<16xi32>
      %add3A_288 = arith.addi %mul3A_284, %and3A_287 : vector<16xi32>
      %swap3A_289 = arith.constant 96 : index
      %swap3A_290 = tpu.vector_load %arg9[%swap3A_289] {strides = array<i32>} : memref<224xi32, #tpu.memory_space<vmem>>, vector<16xi32>,
      %swap3A_291 = vector.shape_cast %swap3A_290 : vector<16xi32> to vector<16xi32>
      %swap3A_292 = vector.shape_cast %add3A_288 : vector<16xi32> to vector<16xi32>
      tpu.vector_store %arg9[%swap3A_289], %swap3A_292 {strides = array<i32>} : memref<224xi32, #tpu.memory_space<vmem>>, vector<16xi32>,
      %mul3A_293 = arith.constant 17 : i32
      %mul3A_294 = arith.muli %add3A, %mul3A_293 : i32
      %mul3A_295 = arith.constant 224 : i32
      %mul3A_296 = arith.muli %mul3A_106, %mul3A_295 : i32
      %add3A_297 = arith.addi %mul3A_294, %mul3A_296 : i32
      %add3A_298 = arith.constant 112 : i32
      %add3A_299 = arith.addi %add3A_297, %add3A_298 : i32
      %add3A_300 = vector.broadcast %add3A_299 : i32 to vector<16xi32>
      %add3A_301 = arith.addi %add3A_300, %iota3A : vector<16xi32>
      %mul3A_302 = arith.constant 224 : i32
      %mul3A_303 = arith.muli %mul3A_106, %mul3A_302 : i32
      %add3A_304 = arith.constant 112 : i32
      %add3A_305 = arith.addi %mul3A_303, %add3A_304 : i32
      %get3A_306 = arith.index_cast %add3A_305 : i32 to index
      %get3A_307 = tpu.vector_load %arg8[%get3A_306] {strides = array<i32>} : memref<7168xi32, #tpu.memory_space<vmem>>, vector<16xi32>,
      %get3A_308 = vector.shape_cast %get3A_307 : vector<16xi32> to vector<16xi32>
      %mul3A_309 = arith.constant 512 : i32
      %mul3A_310 = vector.broadcast %mul3A_309 : i32 to vector<16xi32>
      %mul3A_311 = arith.muli %get3A_308, %mul3A_310 : vector<16xi32>
      %and3A_312 = arith.constant 511 : i32
      %and3A_313 = vector.broadcast %and3A_312 : i32 to vector<16xi32>
      %and3A_314 = arith.andi %add3A_301, %and3A_313 : vector<16xi32>
      %add3A_315 = arith.addi %mul3A_311, %and3A_314 : vector<16xi32>
      %swap3A_316 = arith.constant 112 : index
      %swap3A_317 = tpu.vector_load %arg9[%swap3A_316] {strides = array<i32>} : memref<224xi32, #tpu.memory_space<vmem>>, vector<16xi32>,
      %swap3A_318 = vector.shape_cast %swap3A_317 : vector<16xi32> to vector<16xi32>
      %swap3A_319 = vector.shape_cast %add3A_315 : vector<16xi32> to vector<16xi32>
      tpu.vector_store %arg9[%swap3A_316], %swap3A_319 {strides = array<i32>} : memref<224xi32, #tpu.memory_space<vmem>>, vector<16xi32>,
      %mul3A_320 = arith.constant 17 : i32
      %mul3A_321 = arith.muli %add3A, %mul3A_320 : i32
      %mul3A_322 = arith.constant 224 : i32
      %mul3A_323 = arith.muli %mul3A_106, %mul3A_322 : i32
      %add3A_324 = arith.addi %mul3A_321, %mul3A_323 : i32
      %add3A_325 = arith.constant 128 : i32
      %add3A_326 = arith.addi %add3A_324, %add3A_325 : i32
      %add3A_327 = vector.broadcast %add3A_326 : i32 to vector<16xi32>
      %add3A_328 = arith.addi %add3A_327, %iota3A : vector<16xi32>
      %mul3A_329 = arith.constant 224 : i32
      %mul3A_330 = arith.muli %mul3A_106, %mul3A_329 : i32
      %add3A_331 = arith.constant 128 : i32
      %add3A_332 = arith.addi %mul3A_330, %add3A_331 : i32
      %get3A_333 = arith.index_cast %add3A_332 : i32 to index
      %get3A_334 = tpu.vector_load %arg8[%get3A_333] {strides = array<i32>} : memref<7168xi32, #tpu.memory_space<vmem>>, vector<16xi32>,
      %get3A_335 = vector.shape_cast %get3A_334 : vector<16xi32> to vector<16xi32>
      %mul3A_336 = arith.constant 512 : i32
      %mul3A_337 = vector.broadcast %mul3A_336 : i32 to vector<16xi32>
      %mul3A_338 = arith.muli %get3A_335, %mul3A_337 : vector<16xi32>
      %and3A_339 = arith.constant 511 : i32
      %and3A_340 = vector.broadcast %and3A_339 : i32 to vector<16xi32>
      %and3A_341 = arith.andi %add3A_328, %and3A_340 : vector<16xi32>
      %add3A_342 = arith.addi %mul3A_338, %and3A_341 : vector<16xi32>
      %swap3A_343 = arith.constant 128 : index
      %swap3A_344 = tpu.vector_load %arg9[%swap3A_343] {strides = array<i32>} : memref<224xi32, #tpu.memory_space<vmem>>, vector<16xi32>,
      %swap3A_345 = vector.shape_cast %swap3A_344 : vector<16xi32> to vector<16xi32>
      %swap3A_346 = vector.shape_cast %add3A_342 : vector<16xi32> to vector<16xi32>
      tpu.vector_store %arg9[%swap3A_343], %swap3A_346 {strides = array<i32>} : memref<224xi32, #tpu.memory_space<vmem>>, vector<16xi32>,
      %mul3A_347 = arith.constant 17 : i32
      %mul3A_348 = arith.muli %add3A, %mul3A_347 : i32
      %mul3A_349 = arith.constant 224 : i32
      %mul3A_350 = arith.muli %mul3A_106, %mul3A_349 : i32
      %add3A_351 = arith.addi %mul3A_348, %mul3A_350 : i32
      %add3A_352 = arith.constant 144 : i32
      %add3A_353 = arith.addi %add3A_351, %add3A_352 : i32
      %add3A_354 = vector.broadcast %add3A_353 : i32 to vector<16xi32>
      %add3A_355 = arith.addi %add3A_354, %iota3A : vector<16xi32>
      %mul3A_356 = arith.constant 224 : i32
      %mul3A_357 = arith.muli %mul3A_106, %mul3A_356 : i32
      %add3A_358 = arith.constant 144 : i32
      %add3A_359 = arith.addi %mul3A_357, %add3A_358 : i32
      %get3A_360 = arith.index_cast %add3A_359 : i32 to index
      %get3A_361 = tpu.vector_load %arg8[%get3A_360] {strides = array<i32>} : memref<7168xi32, #tpu.memory_space<vmem>>, vector<16xi32>,
      %get3A_362 = vector.shape_cast %get3A_361 : vector<16xi32> to vector<16xi32>
      %mul3A_363 = arith.constant 512 : i32
      %mul3A_364 = vector.broadcast %mul3A_363 : i32 to vector<16xi32>
      %mul3A_365 = arith.muli %get3A_362, %mul3A_364 : vector<16xi32>
      %and3A_366 = arith.constant 511 : i32
      %and3A_367 = vector.broadcast %and3A_366 : i32 to vector<16xi32>
      %and3A_368 = arith.andi %add3A_355, %and3A_367 : vector<16xi32>
      %add3A_369 = arith.addi %mul3A_365, %and3A_368 : vector<16xi32>
      %swap3A_370 = arith.constant 144 : index
      %swap3A_371 = tpu.vector_load %arg9[%swap3A_370] {strides = array<i32>} : memref<224xi32, #tpu.memory_space<vmem>>, vector<16xi32>,
      %swap3A_372 = vector.shape_cast %swap3A_371 : vector<16xi32> to vector<16xi32>
      %swap3A_373 = vector.shape_cast %add3A_369 : vector<16xi32> to vector<16xi32>
      tpu.vector_store %arg9[%swap3A_370], %swap3A_373 {strides = array<i32>} : memref<224xi32, #tpu.memory_space<vmem>>, vector<16xi32>,
      %mul3A_374 = arith.constant 17 : i32
      %mul3A_375 = arith.muli %add3A, %mul3A_374 : i32
      %mul3A_376 = arith.constant 224 : i32
      %mul3A_377 = arith.muli %mul3A_106, %mul3A_376 : i32
      %add3A_378 = arith.addi %mul3A_375, %mul3A_377 : i32
      %add3A_379 = arith.constant 160 : i32
      %add3A_380 = arith.addi %add3A_378, %add3A_379 : i32
      %add3A_381 = vector.broadcast %add3A_380 : i32 to vector<16xi32>
      %add3A_382 = arith.addi %add3A_381, %iota3A : vector<16xi32>
      %mul3A_383 = arith.constant 224 : i32
      %mul3A_384 = arith.muli %mul3A_106, %mul3A_383 : i32
      %add3A_385 = arith.constant 160 : i32
      %add3A_386 = arith.addi %mul3A_384, %add3A_385 : i32
      %get3A_387 = arith.index_cast %add3A_386 : i32 to index
      %get3A_388 = tpu.vector_load %arg8[%get3A_387] {strides = array<i32>} : memref<7168xi32, #tpu.memory_space<vmem>>, vector<16xi32>,
      %get3A_389 = vector.shape_cast %get3A_388 : vector<16xi32> to vector<16xi32>
      %mul3A_390 = arith.constant 512 : i32
      %mul3A_391 = vector.broadcast %mul3A_390 : i32 to vector<16xi32>
      %mul3A_392 = arith.muli %get3A_389, %mul3A_391 : vector<16xi32>
      %and3A_393 = arith.constant 511 : i32
      %and3A_394 = vector.broadcast %and3A_393 : i32 to vector<16xi32>
      %and3A_395 = arith.andi %add3A_382, %and3A_394 : vector<16xi32>
      %add3A_396 = arith.addi %mul3A_392, %and3A_395 : vector<16xi32>
      %swap3A_397 = arith.constant 160 : index
      %swap3A_398 = tpu.vector_load %arg9[%swap3A_397] {strides = array<i32>} : memref<224xi32, #tpu.memory_space<vmem>>, vector<16xi32>,
      %swap3A_399 = vector.shape_cast %swap3A_398 : vector<16xi32> to vector<16xi32>
      %swap3A_400 = vector.shape_cast %add3A_396 : vector<16xi32> to vector<16xi32>
      tpu.vector_store %arg9[%swap3A_397], %swap3A_400 {strides = array<i32>} : memref<224xi32, #tpu.memory_space<vmem>>, vector<16xi32>,
      %mul3A_401 = arith.constant 17 : i32
      %mul3A_402 = arith.muli %add3A, %mul3A_401 : i32
      %mul3A_403 = arith.constant 224 : i32
      %mul3A_404 = arith.muli %mul3A_106, %mul3A_403 : i32
      %add3A_405 = arith.addi %mul3A_402, %mul3A_404 : i32
      %add3A_406 = arith.constant 176 : i32
      %add3A_407 = arith.addi %add3A_405, %add3A_406 : i32
      %add3A_408 = vector.broadcast %add3A_407 : i32 to vector<16xi32>
      %add3A_409 = arith.addi %add3A_408, %iota3A : vector<16xi32>
      %mul3A_410 = arith.constant 224 : i32
      %mul3A_411 = arith.muli %mul3A_106, %mul3A_410 : i32
      %add3A_412 = arith.constant 176 : i32
      %add3A_413 = arith.addi %mul3A_411, %add3A_412 : i32
      %get3A_414 = arith.index_cast %add3A_413 : i32 to index
      %get3A_415 = tpu.vector_load %arg8[%get3A_414] {strides = array<i32>} : memref<7168xi32, #tpu.memory_space<vmem>>, vector<16xi32>,
      %get3A_416 = vector.shape_cast %get3A_415 : vector<16xi32> to vector<16xi32>
      %mul3A_417 = arith.constant 512 : i32
      %mul3A_418 = vector.broadcast %mul3A_417 : i32 to vector<16xi32>
      %mul3A_419 = arith.muli %get3A_416, %mul3A_418 : vector<16xi32>
      %and3A_420 = arith.constant 511 : i32
      %and3A_421 = vector.broadcast %and3A_420 : i32 to vector<16xi32>
      %and3A_422 = arith.andi %add3A_409, %and3A_421 : vector<16xi32>
      %add3A_423 = arith.addi %mul3A_419, %and3A_422 : vector<16xi32>
      %swap3A_424 = arith.constant 176 : index
      %swap3A_425 = tpu.vector_load %arg9[%swap3A_424] {strides = array<i32>} : memref<224xi32, #tpu.memory_space<vmem>>, vector<16xi32>,
      %swap3A_426 = vector.shape_cast %swap3A_425 : vector<16xi32> to vector<16xi32>
      %swap3A_427 = vector.shape_cast %add3A_423 : vector<16xi32> to vector<16xi32>
      tpu.vector_store %arg9[%swap3A_424], %swap3A_427 {strides = array<i32>} : memref<224xi32, #tpu.memory_space<vmem>>, vector<16xi32>,
      %mul3A_428 = arith.constant 17 : i32
      %mul3A_429 = arith.muli %add3A, %mul3A_428 : i32
      %mul3A_430 = arith.constant 224 : i32
      %mul3A_431 = arith.muli %mul3A_106, %mul3A_430 : i32
      %add3A_432 = arith.addi %mul3A_429, %mul3A_431 : i32
      %add3A_433 = arith.constant 192 : i32
      %add3A_434 = arith.addi %add3A_432, %add3A_433 : i32
      %add3A_435 = vector.broadcast %add3A_434 : i32 to vector<16xi32>
      %add3A_436 = arith.addi %add3A_435, %iota3A : vector<16xi32>
      %mul3A_437 = arith.constant 224 : i32
      %mul3A_438 = arith.muli %mul3A_106, %mul3A_437 : i32
      %add3A_439 = arith.constant 192 : i32
      %add3A_440 = arith.addi %mul3A_438, %add3A_439 : i32
      %get3A_441 = arith.index_cast %add3A_440 : i32 to index
      %get3A_442 = tpu.vector_load %arg8[%get3A_441] {strides = array<i32>} : memref<7168xi32, #tpu.memory_space<vmem>>, vector<16xi32>,
      %get3A_443 = vector.shape_cast %get3A_442 : vector<16xi32> to vector<16xi32>
      %mul3A_444 = arith.constant 512 : i32
      %mul3A_445 = vector.broadcast %mul3A_444 : i32 to vector<16xi32>
      %mul3A_446 = arith.muli %get3A_443, %mul3A_445 : vector<16xi32>
      %and3A_447 = arith.constant 511 : i32
      %and3A_448 = vector.broadcast %and3A_447 : i32 to vector<16xi32>
      %and3A_449 = arith.andi %add3A_436, %and3A_448 : vector<16xi32>
      %add3A_450 = arith.addi %mul3A_446, %and3A_449 : vector<16xi32>
      %swap3A_451 = arith.constant 192 : index
      %swap3A_452 = tpu.vector_load %arg9[%swap3A_451] {strides = array<i32>} : memref<224xi32, #tpu.memory_space<vmem>>, vector<16xi32>,
      %swap3A_453 = vector.shape_cast %swap3A_452 : vector<16xi32> to vector<16xi32>
      %swap3A_454 = vector.shape_cast %add3A_450 : vector<16xi32> to vector<16xi32>
      tpu.vector_store %arg9[%swap3A_451], %swap3A_454 {strides = array<i32>} : memref<224xi32, #tpu.memory_space<vmem>>, vector<16xi32>,
      %mul3A_455 = arith.constant 17 : i32
      %mul3A_456 = arith.muli %add3A, %mul3A_455 : i32
      %mul3A_457 = arith.constant 224 : i32
      %mul3A_458 = arith.muli %mul3A_106, %mul3A_457 : i32
      %add3A_459 = arith.addi %mul3A_456, %mul3A_458 : i32
      %add3A_460 = arith.constant 208 : i32
      %add3A_461 = arith.addi %add3A_459, %add3A_460 : i32
      %add3A_462 = vector.broadcast %add3A_461 : i32 to vector<16xi32>
      %add3A_463 = arith.addi %add3A_462, %iota3A : vector<16xi32>
      %mul3A_464 = arith.constant 224 : i32
      %mul3A_465 = arith.muli %mul3A_106, %mul3A_464 : i32
      %add3A_466 = arith.constant 208 : i32
      %add3A_467 = arith.addi %mul3A_465, %add3A_466 : i32
      %get3A_468 = arith.index_cast %add3A_467 : i32 to index
      %get3A_469 = tpu.vector_load %arg8[%get3A_468] {strides = array<i32>} : memref<7168xi32, #tpu.memory_space<vmem>>, vector<16xi32>,
      %get3A_470 = vector.shape_cast %get3A_469 : vector<16xi32> to vector<16xi32>
      %mul3A_471 = arith.constant 512 : i32
      %mul3A_472 = vector.broadcast %mul3A_471 : i32 to vector<16xi32>
      %mul3A_473 = arith.muli %get3A_470, %mul3A_472 : vector<16xi32>
      %and3A_474 = arith.constant 511 : i32
      %and3A_475 = vector.broadcast %and3A_474 : i32 to vector<16xi32>
      %and3A_476 = arith.andi %add3A_463, %and3A_475 : vector<16xi32>
      %add3A_477 = arith.addi %mul3A_473, %and3A_476 : vector<16xi32>
      %swap3A_478 = arith.constant 208 : index
      %swap3A_479 = tpu.vector_load %arg9[%swap3A_478] {strides = array<i32>} : memref<224xi32, #tpu.memory_space<vmem>>, vector<16xi32>,
      %swap3A_480 = vector.shape_cast %swap3A_479 : vector<16xi32> to vector<16xi32>
      %swap3A_481 = vector.shape_cast %add3A_477 : vector<16xi32> to vector<16xi32>
      tpu.vector_store %arg9[%swap3A_478], %swap3A_481 {strides = array<i32>} : memref<224xi32, #tpu.memory_space<vmem>>, vector<16xi32>,
      %ge3A = arith.constant 1 : i32
      %ge3A_482 = arith.cmpi sge, %mul3A_106, %ge3A : i32
      %convert_element_type3A = arith.extui %ge3A_482 : i1 to i32
      %cond3A = arith.constant 0 : i32
      %cond3A_483 = arith.cmpi ne, %convert_element_type3A, %cond3A : i32
      scf.if %cond3A_483 {
        %add3A_1478 = arith.constant 0 : i32
        %add3A_1479 = arith.addi %mul3A_4, %add3A_1478 : i32
        %add3A_1480 = arith.constant 0 : i32
        %add3A_1481 = arith.addi %add3A_1479, %add3A_1480 : i32
        %dma_wait3A_1482 = arith.constant 1 : i32
        %dma_wait3A_1483 = arith.constant 1 : i32
        %dma_wait3A_1484 = arith.constant 0 : i32
        %dma_wait3A_1485 = arith.constant 0 : i32
        %dma_wait3A_1486 = tpu.memref_slice %arg12[%dma_wait3A_1484, %dma_wait3A_1485] : memref<224x128xf32, #tpu.memory_space<vmem>> -> memref<50x128xf32, #tpu.memory_space<vmem>>
        %dma_wait3A_1487 = arith.constant 0 : i32
        %dma_wait3A_1488 = arith.constant 0 : i32
        %dma_wait3A_1489 = tpu.memref_slice %arg6[%dma_wait3A_1487, %dma_wait3A_1482, %add3A_1481, %dma_wait3A_1488] : memref<50x2x4096x128xf32, #tpu.memory_space<hbm>> -> memref<50x1x1x128xf32, #tpu.memory_space<hbm>>
        %dma_wait3A_1490 = tpu.memref_squeeze %dma_wait3A_1489 : memref<50x1x1x128xf32, #tpu.memory_space<hbm>> -> memref<50x128xf32, #tpu.memory_space<hbm>>
        %dma_wait3A_1491 = tpu.memref_slice %arg16[%dma_wait3A_1483] : memref<2x!tpu.dma_semaphore, #tpu.memory_space<semaphore_mem>> -> memref<1x!tpu.dma_semaphore, #tpu.memory_space<semaphore_mem>>
        %dma_wait3A_1492 = tpu.memref_squeeze %dma_wait3A_1491 : memref<1x!tpu.dma_semaphore, #tpu.memory_space<semaphore_mem>> -> memref<!tpu.dma_semaphore, #tpu.memory_space<semaphore_mem>>
        %dma_wait3A_1493 = arith.constant 0 : i32
        %dma_wait3A_1494 = arith.constant 0 : i32
        %dma_wait3A_1495 = tpu.memref_slice %arg6[%dma_wait3A_1493, %dma_wait3A_1482, %add3A_1481, %dma_wait3A_1494] : memref<50x2x4096x128xf32, #tpu.memory_space<hbm>> -> memref<50x1x1x128xf32, #tpu.memory_space<hbm>>
        %dma_wait3A_1496 = tpu.memref_squeeze %dma_wait3A_1495 : memref<50x1x1x128xf32, #tpu.memory_space<hbm>> -> memref<50x128xf32, #tpu.memory_space<hbm>>
        %dma_wait3A_1497 = arith.constant 0 : i32
        %dma_wait3A_1498 = arith.constant 0 : i32
        %dma_wait3A_1499 = tpu.memref_slice %arg12[%dma_wait3A_1497, %dma_wait3A_1498] : memref<224x128xf32, #tpu.memory_space<vmem>> -> memref<50x128xf32, #tpu.memory_space<vmem>>
        tpu.wait_dma2 semaphore(%dma_wait3A_1492 : memref<!tpu.dma_semaphore, #tpu.memory_space<semaphore_mem>>) src(%dma_wait3A_1499 : memref<50x128xf32, #tpu.memory_space<vmem>>) dst(%dma_wait3A_1496 : memref<50x128xf32, #tpu.memory_space<hbm>>)
        %add3A_1500 = arith.constant 0 : i32
        %add3A_1501 = arith.addi %mul3A_4, %add3A_1500 : i32
        %add3A_1502 = arith.constant 1 : i32
        %add3A_1503 = arith.addi %add3A_1501, %add3A_1502 : i32
        %dma_wait3A_1504 = arith.constant 1 : i32
        %dma_wait3A_1505 = arith.constant 1 : i32
        %dma_wait3A_1506 = arith.constant 56 : i32
        %dma_wait3A_1507 = arith.constant 0 : i32
        %dma_wait3A_1508 = tpu.memref_slice %arg12[%dma_wait3A_1506, %dma_wait3A_1507] : memref<224x128xf32, #tpu.memory_space<vmem>> -> memref<50x128xf32, #tpu.memory_space<vmem>>
        %dma_wait3A_1509 = arith.constant 0 : i32
        %dma_wait3A_1510 = arith.constant 0 : i32
        %dma_wait3A_1511 = tpu.memref_slice %arg6[%dma_wait3A_1509, %dma_wait3A_1504, %add3A_1503, %dma_wait3A_1510] : memref<50x2x4096x128xf32, #tpu.memory_space<hbm>> -> memref<50x1x1x128xf32, #tpu.memory_space<hbm>>
        %dma_wait3A_1512 = tpu.memref_squeeze %dma_wait3A_1511 : memref<50x1x1x128xf32, #tpu.memory_space<hbm>> -> memref<50x128xf32, #tpu.memory_space<hbm>>
        %dma_wait3A_1513 = tpu.memref_slice %arg16[%dma_wait3A_1505] : memref<2x!tpu.dma_semaphore, #tpu.memory_space<semaphore_mem>> -> memref<1x!tpu.dma_semaphore, #tpu.memory_space<semaphore_mem>>
        %dma_wait3A_1514 = tpu.memref_squeeze %dma_wait3A_1513 : memref<1x!tpu.dma_semaphore, #tpu.memory_space<semaphore_mem>> -> memref<!tpu.dma_semaphore, #tpu.memory_space<semaphore_mem>>
        %dma_wait3A_1515 = arith.constant 0 : i32
        %dma_wait3A_1516 = arith.constant 0 : i32
        %dma_wait3A_1517 = tpu.memref_slice %arg6[%dma_wait3A_1515, %dma_wait3A_1504, %add3A_1503, %dma_wait3A_1516] : memref<50x2x4096x128xf32, #tpu.memory_space<hbm>> -> memref<50x1x1x128xf32, #tpu.memory_space<hbm>>
        %dma_wait3A_1518 = tpu.memref_squeeze %dma_wait3A_1517 : memref<50x1x1x128xf32, #tpu.memory_space<hbm>> -> memref<50x128xf32, #tpu.memory_space<hbm>>
        %dma_wait3A_1519 = arith.constant 56 : i32
        %dma_wait3A_1520 = arith.constant 0 : i32
        %dma_wait3A_1521 = tpu.memref_slice %arg12[%dma_wait3A_1519, %dma_wait3A_1520] : memref<224x128xf32, #tpu.memory_space<vmem>> -> memref<50x128xf32, #tpu.memory_space<vmem>>
        tpu.wait_dma2 semaphore(%dma_wait3A_1514 : memref<!tpu.dma_semaphore, #tpu.memory_space<semaphore_mem>>) src(%dma_wait3A_1521 : memref<50x128xf32, #tpu.memory_space<vmem>>) dst(%dma_wait3A_1518 : memref<50x128xf32, #tpu.memory_space<hbm>>)
        %add3A_1522 = arith.constant 0 : i32
        %add3A_1523 = arith.addi %mul3A_4, %add3A_1522 : i32
        %add3A_1524 = arith.constant 2 : i32
        %add3A_1525 = arith.addi %add3A_1523, %add3A_1524 : i32
        %dma_wait3A_1526 = arith.constant 1 : i32
        %dma_wait3A_1527 = arith.constant 1 : i32
        %dma_wait3A_1528 = arith.constant 112 : i32
        %dma_wait3A_1529 = arith.constant 0 : i32
        %dma_wait3A_1530 = tpu.memref_slice %arg12[%dma_wait3A_1528, %dma_wait3A_1529] : memref<224x128xf32, #tpu.memory_space<vmem>> -> memref<50x128xf32, #tpu.memory_space<vmem>>
        %dma_wait3A_1531 = arith.constant 0 : i32
        %dma_wait3A_1532 = arith.constant 0 : i32
        %dma_wait3A_1533 = tpu.memref_slice %arg6[%dma_wait3A_1531, %dma_wait3A_1526, %add3A_1525, %dma_wait3A_1532] : memref<50x2x4096x128xf32, #tpu.memory_space<hbm>> -> memref<50x1x1x128xf32, #tpu.memory_space<hbm>>
        %dma_wait3A_1534 = tpu.memref_squeeze %dma_wait3A_1533 : memref<50x1x1x128xf32, #tpu.memory_space<hbm>> -> memref<50x128xf32, #tpu.memory_space<hbm>>
        %dma_wait3A_1535 = tpu.memref_slice %arg16[%dma_wait3A_1527] : memref<2x!tpu.dma_semaphore, #tpu.memory_space<semaphore_mem>> -> memref<1x!tpu.dma_semaphore, #tpu.memory_space<semaphore_mem>>
        %dma_wait3A_1536 = tpu.memref_squeeze %dma_wait3A_1535 : memref<1x!tpu.dma_semaphore, #tpu.memory_space<semaphore_mem>> -> memref<!tpu.dma_semaphore, #tpu.memory_space<semaphore_mem>>
        %dma_wait3A_1537 = arith.constant 0 : i32
        %dma_wait3A_1538 = arith.constant 0 : i32
        %dma_wait3A_1539 = tpu.memref_slice %arg6[%dma_wait3A_1537, %dma_wait3A_1526, %add3A_1525, %dma_wait3A_1538] : memref<50x2x4096x128xf32, #tpu.memory_space<hbm>> -> memref<50x1x1x128xf32, #tpu.memory_space<hbm>>
        %dma_wait3A_1540 = tpu.memref_squeeze %dma_wait3A_1539 : memref<50x1x1x128xf32, #tpu.memory_space<hbm>> -> memref<50x128xf32, #tpu.memory_space<hbm>>
        %dma_wait3A_1541 = arith.constant 112 : i32
        %dma_wait3A_1542 = arith.constant 0 : i32
        %dma_wait3A_1543 = tpu.memref_slice %arg12[%dma_wait3A_1541, %dma_wait3A_1542] : memref<224x128xf32, #tpu.memory_space<vmem>> -> memref<50x128xf32, #tpu.memory_space<vmem>>
        tpu.wait_dma2 semaphore(%dma_wait3A_1536 : memref<!tpu.dma_semaphore, #tpu.memory_space<semaphore_mem>>) src(%dma_wait3A_1543 : memref<50x128xf32, #tpu.memory_space<vmem>>) dst(%dma_wait3A_1540 : memref<50x128xf32, #tpu.memory_space<hbm>>)
        %add3A_1544 = arith.constant 0 : i32
        %add3A_1545 = arith.addi %mul3A_4, %add3A_1544 : i32
        %add3A_1546 = arith.constant 3 : i32
        %add3A_1547 = arith.addi %add3A_1545, %add3A_1546 : i32
        %dma_wait3A_1548 = arith.constant 1 : i32
        %dma_wait3A_1549 = arith.constant 1 : i32
        %dma_wait3A_1550 = arith.constant 168 : i32
        %dma_wait3A_1551 = arith.constant 0 : i32
        %dma_wait3A_1552 = tpu.memref_slice %arg12[%dma_wait3A_1550, %dma_wait3A_1551] : memref<224x128xf32, #tpu.memory_space<vmem>> -> memref<50x128xf32, #tpu.memory_space<vmem>>
        %dma_wait3A_1553 = arith.constant 0 : i32
        %dma_wait3A_1554 = arith.constant 0 : i32
        %dma_wait3A_1555 = tpu.memref_slice %arg6[%dma_wait3A_1553, %dma_wait3A_1548, %add3A_1547, %dma_wait3A_1554] : memref<50x2x4096x128xf32, #tpu.memory_space<hbm>> -> memref<50x1x1x128xf32, #tpu.memory_space<hbm>>
        %dma_wait3A_1556 = tpu.memref_squeeze %dma_wait3A_1555 : memref<50x1x1x128xf32, #tpu.memory_space<hbm>> -> memref<50x128xf32, #tpu.memory_space<hbm>>
        %dma_wait3A_1557 = tpu.memref_slice %arg16[%dma_wait3A_1549] : memref<2x!tpu.dma_semaphore, #tpu.memory_space<semaphore_mem>> -> memref<1x!tpu.dma_semaphore, #tpu.memory_space<semaphore_mem>>
        %dma_wait3A_1558 = tpu.memref_squeeze %dma_wait3A_1557 : memref<1x!tpu.dma_semaphore, #tpu.memory_space<semaphore_mem>> -> memref<!tpu.dma_semaphore, #tpu.memory_space<semaphore_mem>>
        %dma_wait3A_1559 = arith.constant 0 : i32
        %dma_wait3A_1560 = arith.constant 0 : i32
        %dma_wait3A_1561 = tpu.memref_slice %arg6[%dma_wait3A_1559, %dma_wait3A_1548, %add3A_1547, %dma_wait3A_1560] : memref<50x2x4096x128xf32, #tpu.memory_space<hbm>> -> memref<50x1x1x128xf32, #tpu.memory_space<hbm>>
        %dma_wait3A_1562 = tpu.memref_squeeze %dma_wait3A_1561 : memref<50x1x1x128xf32, #tpu.memory_space<hbm>> -> memref<50x128xf32, #tpu.memory_space<hbm>>
        %dma_wait3A_1563 = arith.constant 168 : i32
        %dma_wait3A_1564 = arith.constant 0 : i32
        %dma_wait3A_1565 = tpu.memref_slice %arg12[%dma_wait3A_1563, %dma_wait3A_1564] : memref<224x128xf32, #tpu.memory_space<vmem>> -> memref<50x128xf32, #tpu.memory_space<vmem>>
        tpu.wait_dma2 semaphore(%dma_wait3A_1558 : memref<!tpu.dma_semaphore, #tpu.memory_space<semaphore_mem>>) src(%dma_wait3A_1565 : memref<50x128xf32, #tpu.memory_space<vmem>>) dst(%dma_wait3A_1562 : memref<50x128xf32, #tpu.memory_space<hbm>>)
      } else {
      }
      %add3A_484 = arith.constant 1 : i32
      %add3A_485 = arith.addi %mul3A_106, %add3A_484 : i32
      %lt3A = arith.constant 32 : i32
      %lt3A_486 = arith.cmpi slt, %add3A_485, %lt3A : i32
      %convert_element_type3A_487 = arith.extui %lt3A_486 : i1 to i32
      %cond3A_488 = arith.constant 0 : i32
      %cond3A_489 = arith.cmpi ne, %convert_element_type3A_487, %cond3A_488 : i32
      scf.if %cond3A_489 {
        %add3A_1478 = arith.constant 1 : i32
        %add3A_1479 = arith.addi %mul3A_106, %add3A_1478 : i32
        %mul3A_1480 = arith.constant 224 : i32
        %mul3A_1481 = arith.muli %add3A_1479, %mul3A_1480 : i32
        %dma_start3A_1482 = arith.constant 1 : i32
        %dma_start3A_1483 = tpu.memref_slice %arg7[%mul3A_1481] : memref<7168xi32, #tpu.memory_space<vmem>> -> memref<224xi32, #tpu.memory_space<vmem>>
        %dma_start3A_1484 = arith.constant 0 : i32
        %dma_start3A_1485 = arith.constant 0 : i32
        %dma_start3A_1486 = tpu.memref_slice %arg4[%dma_start3A_1484, %dma_start3A_1485] : memref<100001x128xf32, #tpu.memory_space<hbm>> -> memref<100001x128xf32, #tpu.memory_space<hbm>>
        %dma_start3A_1487 = tpu.memref_slice %arg13[%dma_start3A_1482] : memref<2x!tpu.dma_semaphore, #tpu.memory_space<semaphore_mem>> -> memref<1x!tpu.dma_semaphore, #tpu.memory_space<semaphore_mem>>
        %dma_start3A_1488 = tpu.memref_squeeze %dma_start3A_1487 : memref<1x!tpu.dma_semaphore, #tpu.memory_space<semaphore_mem>> -> memref<!tpu.dma_semaphore, #tpu.memory_space<semaphore_mem>>
        tpu.enqueue_indirect_dma source(%dma_start3A_1486 : memref<100001x128xf32, #tpu.memory_space<hbm>>) target(%arg12 : memref<224x128xf32, #tpu.memory_space<vmem>>) offsets(%dma_start3A_1483 : memref<224xi32, #tpu.memory_space<vmem>>) semaphore(%dma_start3A_1488 : memref<!tpu.dma_semaphore, #tpu.memory_space<semaphore_mem>>)
      } else {
      }
      %mul3A_490 = arith.constant 224 : i32
      %mul3A_491 = arith.muli %mul3A_106, %mul3A_490 : i32
      %dma_wait3A_492 = arith.constant 0 : i32
      %dma_wait3A_493 = tpu.memref_slice %arg7[%mul3A_491] : memref<7168xi32, #tpu.memory_space<vmem>> -> memref<224xi32, #tpu.memory_space<vmem>>
      %dma_wait3A_494 = arith.constant 0 : i32
      %dma_wait3A_495 = arith.constant 0 : i32
      %dma_wait3A_496 = tpu.memref_slice %arg4[%dma_wait3A_494, %dma_wait3A_495] : memref<100001x128xf32, #tpu.memory_space<hbm>> -> memref<100001x128xf32, #tpu.memory_space<hbm>>
      %dma_wait3A_497 = tpu.memref_slice %arg13[%dma_wait3A_492] : memref<2x!tpu.dma_semaphore, #tpu.memory_space<semaphore_mem>> -> memref<1x!tpu.dma_semaphore, #tpu.memory_space<semaphore_mem>>
      %dma_wait3A_498 = tpu.memref_squeeze %dma_wait3A_497 : memref<1x!tpu.dma_semaphore, #tpu.memory_space<semaphore_mem>> -> memref<!tpu.dma_semaphore, #tpu.memory_space<semaphore_mem>>
      tpu.wait_indirect_dma semaphore(%dma_wait3A_498 : memref<!tpu.dma_semaphore, #tpu.memory_space<semaphore_mem>>) src(%dma_wait3A_496 : memref<100001x128xf32, #tpu.memory_space<hbm>>) dst(%arg11 : memref<224x128xf32, #tpu.memory_space<vmem>>)
      %mul3A_499 = arith.constant 4 : i32
      %mul3A_500 = arith.muli %mul3A_106, %mul3A_499 : i32
      %add3A_501 = arith.addi %mul3A_4, %mul3A_500 : i32
      %add3A_502 = arith.constant 0 : i32
      %add3A_503 = arith.addi %add3A_501, %add3A_502 : i32
      %dma_start3A_504 = arith.constant 0 : i32
      %dma_start3A_505 = arith.constant 0 : i32
      %dma_start3A_506 = arith.constant 0 : i32
      %dma_start3A_507 = arith.constant 0 : i32
      %dma_start3A_508 = tpu.memref_slice %arg11[%dma_start3A_506, %dma_start3A_507] : memref<224x128xf32, #tpu.memory_space<vmem>> -> memref<50x128xf32, #tpu.memory_space<vmem>>
      %dma_start3A_509 = arith.constant 0 : i32
      %dma_start3A_510 = arith.constant 0 : i32
      %dma_start3A_511 = tpu.memref_slice %arg6[%dma_start3A_509, %dma_start3A_504, %add3A_503, %dma_start3A_510] : memref<50x2x4096x128xf32, #tpu.memory_space<hbm>> -> memref<50x1x1x128xf32, #tpu.memory_space<hbm>>
      %dma_start3A_512 = tpu.memref_squeeze %dma_start3A_511 : memref<50x1x1x128xf32, #tpu.memory_space<hbm>> -> memref<50x128xf32, #tpu.memory_space<hbm>>
      %dma_start3A_513 = tpu.memref_slice %arg14[%dma_start3A_505] : memref<2x!tpu.dma_semaphore, #tpu.memory_space<semaphore_mem>> -> memref<1x!tpu.dma_semaphore, #tpu.memory_space<semaphore_mem>>
      %dma_start3A_514 = tpu.memref_squeeze %dma_start3A_513 : memref<1x!tpu.dma_semaphore, #tpu.memory_space<semaphore_mem>> -> memref<!tpu.dma_semaphore, #tpu.memory_space<semaphore_mem>>
      %dma_start3A_515 = arith.constant 0 : i32
      %dma_start3A_516 = arith.constant 0 : i32
      %dma_start3A_517 = tpu.memref_slice %arg6[%dma_start3A_515, %dma_start3A_504, %add3A_503, %dma_start3A_516] : memref<50x2x4096x128xf32, #tpu.memory_space<hbm>> -> memref<50x1x1x128xf32, #tpu.memory_space<hbm>>
      %dma_start3A_518 = tpu.memref_squeeze %dma_start3A_517 : memref<50x1x1x128xf32, #tpu.memory_space<hbm>> -> memref<50x128xf32, #tpu.memory_space<hbm>>
      %dma_start3A_519 = arith.constant 0 : i32
      %dma_start3A_520 = arith.constant 0 : i32
      %dma_start3A_521 = tpu.memref_slice %arg11[%dma_start3A_519, %dma_start3A_520] : memref<224x128xf32, #tpu.memory_space<vmem>> -> memref<50x128xf32, #tpu.memory_space<vmem>>
      tpu.enqueue_dma source(%dma_start3A_521 : memref<50x128xf32, #tpu.memory_space<vmem>>) target(%dma_start3A_518 : memref<50x128xf32, #tpu.memory_space<hbm>>) target_semaphore(%dma_start3A_514 : memref<!tpu.dma_semaphore, #tpu.memory_space<semaphore_mem>>)
      %mul3A_522 = arith.constant 4 : i32
      %mul3A_523 = arith.muli %mul3A_106, %mul3A_522 : i32
      %add3A_524 = arith.addi %mul3A_4, %mul3A_523 : i32
      %add3A_525 = arith.constant 1 : i32
      %add3A_526 = arith.addi %add3A_524, %add3A_525 : i32
      %dma_start3A_527 = arith.constant 0 : i32
      %dma_start3A_528 = arith.constant 0 : i32
      %dma_start3A_529 = arith.constant 56 : i32
      %dma_start3A_530 = arith.constant 0 : i32
      %dma_start3A_531 = tpu.memref_slice %arg11[%dma_start3A_529, %dma_start3A_530] : memref<224x128xf32, #tpu.memory_space<vmem>> -> memref<50x128xf32, #tpu.memory_space<vmem>>
      %dma_start3A_532 = arith.constant 0 : i32
      %dma_start3A_533 = arith.constant 0 : i32
      %dma_start3A_534 = tpu.memref_slice %arg6[%dma_start3A_532, %dma_start3A_527, %add3A_526, %dma_start3A_533] : memref<50x2x4096x128xf32, #tpu.memory_space<hbm>> -> memref<50x1x1x128xf32, #tpu.memory_space<hbm>>
      %dma_start3A_535 = tpu.memref_squeeze %dma_start3A_534 : memref<50x1x1x128xf32, #tpu.memory_space<hbm>> -> memref<50x128xf32, #tpu.memory_space<hbm>>
      %dma_start3A_536 = tpu.memref_slice %arg14[%dma_start3A_528] : memref<2x!tpu.dma_semaphore, #tpu.memory_space<semaphore_mem>> -> memref<1x!tpu.dma_semaphore, #tpu.memory_space<semaphore_mem>>
      %dma_start3A_537 = tpu.memref_squeeze %dma_start3A_536 : memref<1x!tpu.dma_semaphore, #tpu.memory_space<semaphore_mem>> -> memref<!tpu.dma_semaphore, #tpu.memory_space<semaphore_mem>>
      %dma_start3A_538 = arith.constant 0 : i32
      %dma_start3A_539 = arith.constant 0 : i32
      %dma_start3A_540 = tpu.memref_slice %arg6[%dma_start3A_538, %dma_start3A_527, %add3A_526, %dma_start3A_539] : memref<50x2x4096x128xf32, #tpu.memory_space<hbm>> -> memref<50x1x1x128xf32, #tpu.memory_space<hbm>>
      %dma_start3A_541 = tpu.memref_squeeze %dma_start3A_540 : memref<50x1x1x128xf32, #tpu.memory_space<hbm>> -> memref<50x128xf32, #tpu.memory_space<hbm>>
      %dma_start3A_542 = arith.constant 56 : i32
      %dma_start3A_543 = arith.constant 0 : i32
      %dma_start3A_544 = tpu.memref_slice %arg11[%dma_start3A_542, %dma_start3A_543] : memref<224x128xf32, #tpu.memory_space<vmem>> -> memref<50x128xf32, #tpu.memory_space<vmem>>
      tpu.enqueue_dma source(%dma_start3A_544 : memref<50x128xf32, #tpu.memory_space<vmem>>) target(%dma_start3A_541 : memref<50x128xf32, #tpu.memory_space<hbm>>) target_semaphore(%dma_start3A_537 : memref<!tpu.dma_semaphore, #tpu.memory_space<semaphore_mem>>)
      %mul3A_545 = arith.constant 4 : i32
      %mul3A_546 = arith.muli %mul3A_106, %mul3A_545 : i32
      %add3A_547 = arith.addi %mul3A_4, %mul3A_546 : i32
      %add3A_548 = arith.constant 2 : i32
      %add3A_549 = arith.addi %add3A_547, %add3A_548 : i32
      %dma_start3A_550 = arith.constant 0 : i32
      %dma_start3A_551 = arith.constant 0 : i32
      %dma_start3A_552 = arith.constant 112 : i32
      %dma_start3A_553 = arith.constant 0 : i32
      %dma_start3A_554 = tpu.memref_slice %arg11[%dma_start3A_552, %dma_start3A_553] : memref<224x128xf32, #tpu.memory_space<vmem>> -> memref<50x128xf32, #tpu.memory_space<vmem>>
      %dma_start3A_555 = arith.constant 0 : i32
      %dma_start3A_556 = arith.constant 0 : i32
      %dma_start3A_557 = tpu.memref_slice %arg6[%dma_start3A_555, %dma_start3A_550, %add3A_549, %dma_start3A_556] : memref<50x2x4096x128xf32, #tpu.memory_space<hbm>> -> memref<50x1x1x128xf32, #tpu.memory_space<hbm>>
      %dma_start3A_558 = tpu.memref_squeeze %dma_start3A_557 : memref<50x1x1x128xf32, #tpu.memory_space<hbm>> -> memref<50x128xf32, #tpu.memory_space<hbm>>
      %dma_start3A_559 = tpu.memref_slice %arg14[%dma_start3A_551] : memref<2x!tpu.dma_semaphore, #tpu.memory_space<semaphore_mem>> -> memref<1x!tpu.dma_semaphore, #tpu.memory_space<semaphore_mem>>
      %dma_start3A_560 = tpu.memref_squeeze %dma_start3A_559 : memref<1x!tpu.dma_semaphore, #tpu.memory_space<semaphore_mem>> -> memref<!tpu.dma_semaphore, #tpu.memory_space<semaphore_mem>>
      %dma_start3A_561 = arith.constant 0 : i32
      %dma_start3A_562 = arith.constant 0 : i32
      %dma_start3A_563 = tpu.memref_slice %arg6[%dma_start3A_561, %dma_start3A_550, %add3A_549, %dma_start3A_562] : memref<50x2x4096x128xf32, #tpu.memory_space<hbm>> -> memref<50x1x1x128xf32, #tpu.memory_space<hbm>>
      %dma_start3A_564 = tpu.memref_squeeze %dma_start3A_563 : memref<50x1x1x128xf32, #tpu.memory_space<hbm>> -> memref<50x128xf32, #tpu.memory_space<hbm>>
      %dma_start3A_565 = arith.constant 112 : i32
      %dma_start3A_566 = arith.constant 0 : i32
      %dma_start3A_567 = tpu.memref_slice %arg11[%dma_start3A_565, %dma_start3A_566] : memref<224x128xf32, #tpu.memory_space<vmem>> -> memref<50x128xf32, #tpu.memory_space<vmem>>
      tpu.enqueue_dma source(%dma_start3A_567 : memref<50x128xf32, #tpu.memory_space<vmem>>) target(%dma_start3A_564 : memref<50x128xf32, #tpu.memory_space<hbm>>) target_semaphore(%dma_start3A_560 : memref<!tpu.dma_semaphore, #tpu.memory_space<semaphore_mem>>)
      %mul3A_568 = arith.constant 4 : i32
      %mul3A_569 = arith.muli %mul3A_106, %mul3A_568 : i32
      %add3A_570 = arith.addi %mul3A_4, %mul3A_569 : i32
      %add3A_571 = arith.constant 3 : i32
      %add3A_572 = arith.addi %add3A_570, %add3A_571 : i32
      %dma_start3A_573 = arith.constant 0 : i32
      %dma_start3A_574 = arith.constant 0 : i32
      %dma_start3A_575 = arith.constant 168 : i32
      %dma_start3A_576 = arith.constant 0 : i32
      %dma_start3A_577 = tpu.memref_slice %arg11[%dma_start3A_575, %dma_start3A_576] : memref<224x128xf32, #tpu.memory_space<vmem>> -> memref<50x128xf32, #tpu.memory_space<vmem>>
      %dma_start3A_578 = arith.constant 0 : i32
      %dma_start3A_579 = arith.constant 0 : i32
      %dma_start3A_580 = tpu.memref_slice %arg6[%dma_start3A_578, %dma_start3A_573, %add3A_572, %dma_start3A_579] : memref<50x2x4096x128xf32, #tpu.memory_space<hbm>> -> memref<50x1x1x128xf32, #tpu.memory_space<hbm>>
      %dma_start3A_581 = tpu.memref_squeeze %dma_start3A_580 : memref<50x1x1x128xf32, #tpu.memory_space<hbm>> -> memref<50x128xf32, #tpu.memory_space<hbm>>
      %dma_start3A_582 = tpu.memref_slice %arg14[%dma_start3A_574] : memref<2x!tpu.dma_semaphore, #tpu.memory_space<semaphore_mem>> -> memref<1x!tpu.dma_semaphore, #tpu.memory_space<semaphore_mem>>
      %dma_start3A_583 = tpu.memref_squeeze %dma_start3A_582 : memref<1x!tpu.dma_semaphore, #tpu.memory_space<semaphore_mem>> -> memref<!tpu.dma_semaphore, #tpu.memory_space<semaphore_mem>>
      %dma_start3A_584 = arith.constant 0 : i32
      %dma_start3A_585 = arith.constant 0 : i32
      %dma_start3A_586 = tpu.memref_slice %arg6[%dma_start3A_584, %dma_start3A_573, %add3A_572, %dma_start3A_585] : memref<50x2x4096x128xf32, #tpu.memory_space<hbm>> -> memref<50x1x1x128xf32, #tpu.memory_space<hbm>>
      %dma_start3A_587 = tpu.memref_squeeze %dma_start3A_586 : memref<50x1x1x128xf32, #tpu.memory_space<hbm>> -> memref<50x128xf32, #tpu.memory_space<hbm>>
      %dma_start3A_588 = arith.constant 168 : i32
      %dma_start3A_589 = arith.constant 0 : i32
      %dma_start3A_590 = tpu.memref_slice %arg11[%dma_start3A_588, %dma_start3A_589] : memref<224x128xf32, #tpu.memory_space<vmem>> -> memref<50x128xf32, #tpu.memory_space<vmem>>
      tpu.enqueue_dma source(%dma_start3A_590 : memref<50x128xf32, #tpu.memory_space<vmem>>) target(%dma_start3A_587 : memref<50x128xf32, #tpu.memory_space<hbm>>) target_semaphore(%dma_start3A_583 : memref<!tpu.dma_semaphore, #tpu.memory_space<semaphore_mem>>)
      %mul3A_591 = arith.constant 4 : i32
      %mul3A_592 = arith.muli %mul3A_106, %mul3A_591 : i32
      %add3A_593 = arith.addi %mul3A_4, %mul3A_592 : i32
      %add3A_594 = arith.constant 0 : i32
      %add3A_595 = arith.addi %add3A_593, %add3A_594 : i32
      %dma_wait3A_596 = arith.constant 0 : i32
      %dma_wait3A_597 = arith.constant 0 : i32
      %dma_wait3A_598 = arith.constant 0 : i32
      %dma_wait3A_599 = arith.constant 0 : i32
      %dma_wait3A_600 = tpu.memref_slice %arg11[%dma_wait3A_598, %dma_wait3A_599] : memref<224x128xf32, #tpu.memory_space<vmem>> -> memref<50x128xf32, #tpu.memory_space<vmem>>
      %dma_wait3A_601 = arith.constant 0 : i32
      %dma_wait3A_602 = arith.constant 0 : i32
      %dma_wait3A_603 = tpu.memref_slice %arg6[%dma_wait3A_601, %dma_wait3A_596, %add3A_595, %dma_wait3A_602] : memref<50x2x4096x128xf32, #tpu.memory_space<hbm>> -> memref<50x1x1x128xf32, #tpu.memory_space<hbm>>
      %dma_wait3A_604 = tpu.memref_squeeze %dma_wait3A_603 : memref<50x1x1x128xf32, #tpu.memory_space<hbm>> -> memref<50x128xf32, #tpu.memory_space<hbm>>
      %dma_wait3A_605 = tpu.memref_slice %arg14[%dma_wait3A_597] : memref<2x!tpu.dma_semaphore, #tpu.memory_space<semaphore_mem>> -> memref<1x!tpu.dma_semaphore, #tpu.memory_space<semaphore_mem>>
      %dma_wait3A_606 = tpu.memref_squeeze %dma_wait3A_605 : memref<1x!tpu.dma_semaphore, #tpu.memory_space<semaphore_mem>> -> memref<!tpu.dma_semaphore, #tpu.memory_space<semaphore_mem>>
      %dma_wait3A_607 = arith.constant 0 : i32
      %dma_wait3A_608 = arith.constant 0 : i32
      %dma_wait3A_609 = tpu.memref_slice %arg6[%dma_wait3A_607, %dma_wait3A_596, %add3A_595, %dma_wait3A_608] : memref<50x2x4096x128xf32, #tpu.memory_space<hbm>> -> memref<50x1x1x128xf32, #tpu.memory_space<hbm>>
      %dma_wait3A_610 = tpu.memref_squeeze %dma_wait3A_609 : memref<50x1x1x128xf32, #tpu.memory_space<hbm>> -> memref<50x128xf32, #tpu.memory_space<hbm>>
      %dma_wait3A_611 = arith.constant 0 : i32
      %dma_wait3A_612 = arith.constant 0 : i32
      %dma_wait3A_613 = tpu.memref_slice %arg11[%dma_wait3A_611, %dma_wait3A_612] : memref<224x128xf32, #tpu.memory_space<vmem>> -> memref<50x128xf32, #tpu.memory_space<vmem>>
      tpu.wait_dma2 semaphore(%dma_wait3A_606 : memref<!tpu.dma_semaphore, #tpu.memory_space<semaphore_mem>>) src(%dma_wait3A_613 : memref<50x128xf32, #tpu.memory_space<vmem>>) dst(%dma_wait3A_610 : memref<50x128xf32, #tpu.memory_space<hbm>>)
      %mul3A_614 = arith.constant 4 : i32
      %mul3A_615 = arith.muli %mul3A_106, %mul3A_614 : i32
      %add3A_616 = arith.addi %mul3A_4, %mul3A_615 : i32
      %add3A_617 = arith.constant 1 : i32
      %add3A_618 = arith.addi %add3A_616, %add3A_617 : i32
      %dma_wait3A_619 = arith.constant 0 : i32
      %dma_wait3A_620 = arith.constant 0 : i32
      %dma_wait3A_621 = arith.constant 56 : i32
      %dma_wait3A_622 = arith.constant 0 : i32
      %dma_wait3A_623 = tpu.memref_slice %arg11[%dma_wait3A_621, %dma_wait3A_622] : memref<224x128xf32, #tpu.memory_space<vmem>> -> memref<50x128xf32, #tpu.memory_space<vmem>>
      %dma_wait3A_624 = arith.constant 0 : i32
      %dma_wait3A_625 = arith.constant 0 : i32
      %dma_wait3A_626 = tpu.memref_slice %arg6[%dma_wait3A_624, %dma_wait3A_619, %add3A_618, %dma_wait3A_625] : memref<50x2x4096x128xf32, #tpu.memory_space<hbm>> -> memref<50x1x1x128xf32, #tpu.memory_space<hbm>>
      %dma_wait3A_627 = tpu.memref_squeeze %dma_wait3A_626 : memref<50x1x1x128xf32, #tpu.memory_space<hbm>> -> memref<50x128xf32, #tpu.memory_space<hbm>>
      %dma_wait3A_628 = tpu.memref_slice %arg14[%dma_wait3A_620] : memref<2x!tpu.dma_semaphore, #tpu.memory_space<semaphore_mem>> -> memref<1x!tpu.dma_semaphore, #tpu.memory_space<semaphore_mem>>
      %dma_wait3A_629 = tpu.memref_squeeze %dma_wait3A_628 : memref<1x!tpu.dma_semaphore, #tpu.memory_space<semaphore_mem>> -> memref<!tpu.dma_semaphore, #tpu.memory_space<semaphore_mem>>
      %dma_wait3A_630 = arith.constant 0 : i32
      %dma_wait3A_631 = arith.constant 0 : i32
      %dma_wait3A_632 = tpu.memref_slice %arg6[%dma_wait3A_630, %dma_wait3A_619, %add3A_618, %dma_wait3A_631] : memref<50x2x4096x128xf32, #tpu.memory_space<hbm>> -> memref<50x1x1x128xf32, #tpu.memory_space<hbm>>
      %dma_wait3A_633 = tpu.memref_squeeze %dma_wait3A_632 : memref<50x1x1x128xf32, #tpu.memory_space<hbm>> -> memref<50x128xf32, #tpu.memory_space<hbm>>
      %dma_wait3A_634 = arith.constant 56 : i32
      %dma_wait3A_635 = arith.constant 0 : i32
      %dma_wait3A_636 = tpu.memref_slice %arg11[%dma_wait3A_634, %dma_wait3A_635] : memref<224x128xf32, #tpu.memory_space<vmem>> -> memref<50x128xf32, #tpu.memory_space<vmem>>
      tpu.wait_dma2 semaphore(%dma_wait3A_629 : memref<!tpu.dma_semaphore, #tpu.memory_space<semaphore_mem>>) src(%dma_wait3A_636 : memref<50x128xf32, #tpu.memory_space<vmem>>) dst(%dma_wait3A_633 : memref<50x128xf32, #tpu.memory_space<hbm>>)
      %mul3A_637 = arith.constant 4 : i32
      %mul3A_638 = arith.muli %mul3A_106, %mul3A_637 : i32
      %add3A_639 = arith.addi %mul3A_4, %mul3A_638 : i32
      %add3A_640 = arith.constant 2 : i32
      %add3A_641 = arith.addi %add3A_639, %add3A_640 : i32
      %dma_wait3A_642 = arith.constant 0 : i32
      %dma_wait3A_643 = arith.constant 0 : i32
      %dma_wait3A_644 = arith.constant 112 : i32
      %dma_wait3A_645 = arith.constant 0 : i32
      %dma_wait3A_646 = tpu.memref_slice %arg11[%dma_wait3A_644, %dma_wait3A_645] : memref<224x128xf32, #tpu.memory_space<vmem>> -> memref<50x128xf32, #tpu.memory_space<vmem>>
      %dma_wait3A_647 = arith.constant 0 : i32
      %dma_wait3A_648 = arith.constant 0 : i32
      %dma_wait3A_649 = tpu.memref_slice %arg6[%dma_wait3A_647, %dma_wait3A_642, %add3A_641, %dma_wait3A_648] : memref<50x2x4096x128xf32, #tpu.memory_space<hbm>> -> memref<50x1x1x128xf32, #tpu.memory_space<hbm>>
      %dma_wait3A_650 = tpu.memref_squeeze %dma_wait3A_649 : memref<50x1x1x128xf32, #tpu.memory_space<hbm>> -> memref<50x128xf32, #tpu.memory_space<hbm>>
      %dma_wait3A_651 = tpu.memref_slice %arg14[%dma_wait3A_643] : memref<2x!tpu.dma_semaphore, #tpu.memory_space<semaphore_mem>> -> memref<1x!tpu.dma_semaphore, #tpu.memory_space<semaphore_mem>>
      %dma_wait3A_652 = tpu.memref_squeeze %dma_wait3A_651 : memref<1x!tpu.dma_semaphore, #tpu.memory_space<semaphore_mem>> -> memref<!tpu.dma_semaphore, #tpu.memory_space<semaphore_mem>>
      %dma_wait3A_653 = arith.constant 0 : i32
      %dma_wait3A_654 = arith.constant 0 : i32
      %dma_wait3A_655 = tpu.memref_slice %arg6[%dma_wait3A_653, %dma_wait3A_642, %add3A_641, %dma_wait3A_654] : memref<50x2x4096x128xf32, #tpu.memory_space<hbm>> -> memref<50x1x1x128xf32, #tpu.memory_space<hbm>>
      %dma_wait3A_656 = tpu.memref_squeeze %dma_wait3A_655 : memref<50x1x1x128xf32, #tpu.memory_space<hbm>> -> memref<50x128xf32, #tpu.memory_space<hbm>>
      %dma_wait3A_657 = arith.constant 112 : i32
      %dma_wait3A_658 = arith.constant 0 : i32
      %dma_wait3A_659 = tpu.memref_slice %arg11[%dma_wait3A_657, %dma_wait3A_658] : memref<224x128xf32, #tpu.memory_space<vmem>> -> memref<50x128xf32, #tpu.memory_space<vmem>>
      tpu.wait_dma2 semaphore(%dma_wait3A_652 : memref<!tpu.dma_semaphore, #tpu.memory_space<semaphore_mem>>) src(%dma_wait3A_659 : memref<50x128xf32, #tpu.memory_space<vmem>>) dst(%dma_wait3A_656 : memref<50x128xf32, #tpu.memory_space<hbm>>)
      %mul3A_660 = arith.constant 4 : i32
      %mul3A_661 = arith.muli %mul3A_106, %mul3A_660 : i32
      %add3A_662 = arith.addi %mul3A_4, %mul3A_661 : i32
      %add3A_663 = arith.constant 3 : i32
      %add3A_664 = arith.addi %add3A_662, %add3A_663 : i32
      %dma_wait3A_665 = arith.constant 0 : i32
      %dma_wait3A_666 = arith.constant 0 : i32
      %dma_wait3A_667 = arith.constant 168 : i32
      %dma_wait3A_668 = arith.constant 0 : i32
      %dma_wait3A_669 = tpu.memref_slice %arg11[%dma_wait3A_667, %dma_wait3A_668] : memref<224x128xf32, #tpu.memory_space<vmem>> -> memref<50x128xf32, #tpu.memory_space<vmem>>
      %dma_wait3A_670 = arith.constant 0 : i32
      %dma_wait3A_671 = arith.constant 0 : i32
      %dma_wait3A_672 = tpu.memref_slice %arg6[%dma_wait3A_670, %dma_wait3A_665, %add3A_664, %dma_wait3A_671] : memref<50x2x4096x128xf32, #tpu.memory_space<hbm>> -> memref<50x1x1x128xf32, #tpu.memory_space<hbm>>
      %dma_wait3A_673 = tpu.memref_squeeze %dma_wait3A_672 : memref<50x1x1x128xf32, #tpu.memory_space<hbm>> -> memref<50x128xf32, #tpu.memory_space<hbm>>
      %dma_wait3A_674 = tpu.memref_slice %arg14[%dma_wait3A_666] : memref<2x!tpu.dma_semaphore, #tpu.memory_space<semaphore_mem>> -> memref<1x!tpu.dma_semaphore, #tpu.memory_space<semaphore_mem>>
      %dma_wait3A_675 = tpu.memref_squeeze %dma_wait3A_674 : memref<1x!tpu.dma_semaphore, #tpu.memory_space<semaphore_mem>> -> memref<!tpu.dma_semaphore, #tpu.memory_space<semaphore_mem>>
      %dma_wait3A_676 = arith.constant 0 : i32
      %dma_wait3A_677 = arith.constant 0 : i32
      %dma_wait3A_678 = tpu.memref_slice %arg6[%dma_wait3A_676, %dma_wait3A_665, %add3A_664, %dma_wait3A_677] : memref<50x2x4096x128xf32, #tpu.memory_space<hbm>> -> memref<50x1x1x128xf32, #tpu.memory_space<hbm>>
      %dma_wait3A_679 = tpu.memref_squeeze %dma_wait3A_678 : memref<50x1x1x128xf32, #tpu.memory_space<hbm>> -> memref<50x128xf32, #tpu.memory_space<hbm>>
      %dma_wait3A_680 = arith.constant 168 : i32
      %dma_wait3A_681 = arith.constant 0 : i32
      %dma_wait3A_682 = tpu.memref_slice %arg11[%dma_wait3A_680, %dma_wait3A_681] : memref<224x128xf32, #tpu.memory_space<vmem>> -> memref<50x128xf32, #tpu.memory_space<vmem>>
      tpu.wait_dma2 semaphore(%dma_wait3A_675 : memref<!tpu.dma_semaphore, #tpu.memory_space<semaphore_mem>>) src(%dma_wait3A_682 : memref<50x128xf32, #tpu.memory_space<vmem>>) dst(%dma_wait3A_679 : memref<50x128xf32, #tpu.memory_space<hbm>>)
      %dma_start3A_683 = arith.constant 0 : i32
      %dma_start3A_684 = arith.constant 0 : i32
      %dma_start3A_685 = arith.constant 0 : i32
      %dma_start3A_686 = tpu.memref_slice %arg5[%dma_start3A_684, %dma_start3A_685] : memref<8192x128xf32, #tpu.memory_space<hbm>> -> memref<8192x128xf32, #tpu.memory_space<hbm>>
      %dma_start3A_687 = tpu.memref_slice %arg15[%dma_start3A_683] : memref<2x!tpu.dma_semaphore, #tpu.memory_space<semaphore_mem>> -> memref<1x!tpu.dma_semaphore, #tpu.memory_space<semaphore_mem>>
      %dma_start3A_688 = tpu.memref_squeeze %dma_start3A_687 : memref<1x!tpu.dma_semaphore, #tpu.memory_space<semaphore_mem>> -> memref<!tpu.dma_semaphore, #tpu.memory_space<semaphore_mem>>
      tpu.enqueue_indirect_dma source(%dma_start3A_686 : memref<8192x128xf32, #tpu.memory_space<hbm>>) target(%arg11 : memref<224x128xf32, #tpu.memory_space<vmem>>) offsets(%arg9 : memref<224xi32, #tpu.memory_space<vmem>>) semaphore(%dma_start3A_688 : memref<!tpu.dma_semaphore, #tpu.memory_space<semaphore_mem>>) {add = true}
      %dma_wait3A_689 = arith.constant 0 : i32
      %dma_wait3A_690 = arith.constant 0 : i32
      %dma_wait3A_691 = arith.constant 0 : i32
      %dma_wait3A_692 = tpu.memref_slice %arg5[%dma_wait3A_690, %dma_wait3A_691] : memref<8192x128xf32, #tpu.memory_space<hbm>> -> memref<8192x128xf32, #tpu.memory_space<hbm>>
      %dma_wait3A_693 = tpu.memref_slice %arg15[%dma_wait3A_689] : memref<2x!tpu.dma_semaphore, #tpu.memory_space<semaphore_mem>> -> memref<1x!tpu.dma_semaphore, #tpu.memory_space<semaphore_mem>>
      %dma_wait3A_694 = tpu.memref_squeeze %dma_wait3A_693 : memref<1x!tpu.dma_semaphore, #tpu.memory_space<semaphore_mem>> -> memref<!tpu.dma_semaphore, #tpu.memory_space<semaphore_mem>>
      tpu.wait_indirect_dma semaphore(%dma_wait3A_694 : memref<!tpu.dma_semaphore, #tpu.memory_space<semaphore_mem>>) src(%dma_wait3A_692 : memref<8192x128xf32, #tpu.memory_space<hbm>>) dst(%arg11 : memref<224x128xf32, #tpu.memory_space<vmem>>)
      %mul3A_695 = arith.constant 4 : i32
      %mul3A_696 = arith.muli %mul3A_106, %mul3A_695 : i32
      %add3A_697 = arith.addi %mul3A_4, %mul3A_696 : i32
      %add3A_698 = arith.constant 0 : i32
      %add3A_699 = arith.addi %add3A_697, %add3A_698 : i32
      %dma_start3A_700 = arith.constant 1 : i32
      %dma_start3A_701 = arith.constant 0 : i32
      %dma_start3A_702 = arith.constant 0 : i32
      %dma_start3A_703 = arith.constant 0 : i32
      %dma_start3A_704 = tpu.memref_slice %arg11[%dma_start3A_702, %dma_start3A_703] : memref<224x128xf32, #tpu.memory_space<vmem>> -> memref<50x128xf32, #tpu.memory_space<vmem>>
      %dma_start3A_705 = arith.constant 0 : i32
      %dma_start3A_706 = arith.constant 0 : i32
      %dma_start3A_707 = tpu.memref_slice %arg6[%dma_start3A_705, %dma_start3A_700, %add3A_699, %dma_start3A_706] : memref<50x2x4096x128xf32, #tpu.memory_space<hbm>> -> memref<50x1x1x128xf32, #tpu.memory_space<hbm>>
      %dma_start3A_708 = tpu.memref_squeeze %dma_start3A_707 : memref<50x1x1x128xf32, #tpu.memory_space<hbm>> -> memref<50x128xf32, #tpu.memory_space<hbm>>
      %dma_start3A_709 = tpu.memref_slice %arg16[%dma_start3A_701] : memref<2x!tpu.dma_semaphore, #tpu.memory_space<semaphore_mem>> -> memref<1x!tpu.dma_semaphore, #tpu.memory_space<semaphore_mem>>
      %dma_start3A_710 = tpu.memref_squeeze %dma_start3A_709 : memref<1x!tpu.dma_semaphore, #tpu.memory_space<semaphore_mem>> -> memref<!tpu.dma_semaphore, #tpu.memory_space<semaphore_mem>>
      %dma_start3A_711 = arith.constant 0 : i32
      %dma_start3A_712 = arith.constant 0 : i32
      %dma_start3A_713 = tpu.memref_slice %arg6[%dma_start3A_711, %dma_start3A_700, %add3A_699, %dma_start3A_712] : memref<50x2x4096x128xf32, #tpu.memory_space<hbm>> -> memref<50x1x1x128xf32, #tpu.memory_space<hbm>>
      %dma_start3A_714 = tpu.memref_squeeze %dma_start3A_713 : memref<50x1x1x128xf32, #tpu.memory_space<hbm>> -> memref<50x128xf32, #tpu.memory_space<hbm>>
      %dma_start3A_715 = arith.constant 0 : i32
      %dma_start3A_716 = arith.constant 0 : i32
      %dma_start3A_717 = tpu.memref_slice %arg11[%dma_start3A_715, %dma_start3A_716] : memref<224x128xf32, #tpu.memory_space<vmem>> -> memref<50x128xf32, #tpu.memory_space<vmem>>
      tpu.enqueue_dma source(%dma_start3A_717 : memref<50x128xf32, #tpu.memory_space<vmem>>) target(%dma_start3A_714 : memref<50x128xf32, #tpu.memory_space<hbm>>) target_semaphore(%dma_start3A_710 : memref<!tpu.dma_semaphore, #tpu.memory_space<semaphore_mem>>)
      %mul3A_718 = arith.constant 4 : i32
      %mul3A_719 = arith.muli %mul3A_106, %mul3A_718 : i32
      %add3A_720 = arith.addi %mul3A_4, %mul3A_719 : i32
      %add3A_721 = arith.constant 1 : i32
      %add3A_722 = arith.addi %add3A_720, %add3A_721 : i32
      %dma_start3A_723 = arith.constant 1 : i32
      %dma_start3A_724 = arith.constant 0 : i32
      %dma_start3A_725 = arith.constant 56 : i32
      %dma_start3A_726 = arith.constant 0 : i32
      %dma_start3A_727 = tpu.memref_slice %arg11[%dma_start3A_725, %dma_start3A_726] : memref<224x128xf32, #tpu.memory_space<vmem>> -> memref<50x128xf32, #tpu.memory_space<vmem>>
      %dma_start3A_728 = arith.constant 0 : i32
      %dma_start3A_729 = arith.constant 0 : i32
      %dma_start3A_730 = tpu.memref_slice %arg6[%dma_start3A_728, %dma_start3A_723, %add3A_722, %dma_start3A_729] : memref<50x2x4096x128xf32, #tpu.memory_space<hbm>> -> memref<50x1x1x128xf32, #tpu.memory_space<hbm>>
      %dma_start3A_731 = tpu.memref_squeeze %dma_start3A_730 : memref<50x1x1x128xf32, #tpu.memory_space<hbm>> -> memref<50x128xf32, #tpu.memory_space<hbm>>
      %dma_start3A_732 = tpu.memref_slice %arg16[%dma_start3A_724] : memref<2x!tpu.dma_semaphore, #tpu.memory_space<semaphore_mem>> -> memref<1x!tpu.dma_semaphore, #tpu.memory_space<semaphore_mem>>
      %dma_start3A_733 = tpu.memref_squeeze %dma_start3A_732 : memref<1x!tpu.dma_semaphore, #tpu.memory_space<semaphore_mem>> -> memref<!tpu.dma_semaphore, #tpu.memory_space<semaphore_mem>>
      %dma_start3A_734 = arith.constant 0 : i32
      %dma_start3A_735 = arith.constant 0 : i32
      %dma_start3A_736 = tpu.memref_slice %arg6[%dma_start3A_734, %dma_start3A_723, %add3A_722, %dma_start3A_735] : memref<50x2x4096x128xf32, #tpu.memory_space<hbm>> -> memref<50x1x1x128xf32, #tpu.memory_space<hbm>>
      %dma_start3A_737 = tpu.memref_squeeze %dma_start3A_736 : memref<50x1x1x128xf32, #tpu.memory_space<hbm>> -> memref<50x128xf32, #tpu.memory_space<hbm>>
      %dma_start3A_738 = arith.constant 56 : i32
      %dma_start3A_739 = arith.constant 0 : i32
      %dma_start3A_740 = tpu.memref_slice %arg11[%dma_start3A_738, %dma_start3A_739] : memref<224x128xf32, #tpu.memory_space<vmem>> -> memref<50x128xf32, #tpu.memory_space<vmem>>
      tpu.enqueue_dma source(%dma_start3A_740 : memref<50x128xf32, #tpu.memory_space<vmem>>) target(%dma_start3A_737 : memref<50x128xf32, #tpu.memory_space<hbm>>) target_semaphore(%dma_start3A_733 : memref<!tpu.dma_semaphore, #tpu.memory_space<semaphore_mem>>)
      %mul3A_741 = arith.constant 4 : i32
      %mul3A_742 = arith.muli %mul3A_106, %mul3A_741 : i32
      %add3A_743 = arith.addi %mul3A_4, %mul3A_742 : i32
      %add3A_744 = arith.constant 2 : i32
      %add3A_745 = arith.addi %add3A_743, %add3A_744 : i32
      %dma_start3A_746 = arith.constant 1 : i32
      %dma_start3A_747 = arith.constant 0 : i32
      %dma_start3A_748 = arith.constant 112 : i32
      %dma_start3A_749 = arith.constant 0 : i32
      %dma_start3A_750 = tpu.memref_slice %arg11[%dma_start3A_748, %dma_start3A_749] : memref<224x128xf32, #tpu.memory_space<vmem>> -> memref<50x128xf32, #tpu.memory_space<vmem>>
      %dma_start3A_751 = arith.constant 0 : i32
      %dma_start3A_752 = arith.constant 0 : i32
      %dma_start3A_753 = tpu.memref_slice %arg6[%dma_start3A_751, %dma_start3A_746, %add3A_745, %dma_start3A_752] : memref<50x2x4096x128xf32, #tpu.memory_space<hbm>> -> memref<50x1x1x128xf32, #tpu.memory_space<hbm>>
      %dma_start3A_754 = tpu.memref_squeeze %dma_start3A_753 : memref<50x1x1x128xf32, #tpu.memory_space<hbm>> -> memref<50x128xf32, #tpu.memory_space<hbm>>
      %dma_start3A_755 = tpu.memref_slice %arg16[%dma_start3A_747] : memref<2x!tpu.dma_semaphore, #tpu.memory_space<semaphore_mem>> -> memref<1x!tpu.dma_semaphore, #tpu.memory_space<semaphore_mem>>
      %dma_start3A_756 = tpu.memref_squeeze %dma_start3A_755 : memref<1x!tpu.dma_semaphore, #tpu.memory_space<semaphore_mem>> -> memref<!tpu.dma_semaphore, #tpu.memory_space<semaphore_mem>>
      %dma_start3A_757 = arith.constant 0 : i32
      %dma_start3A_758 = arith.constant 0 : i32
      %dma_start3A_759 = tpu.memref_slice %arg6[%dma_start3A_757, %dma_start3A_746, %add3A_745, %dma_start3A_758] : memref<50x2x4096x128xf32, #tpu.memory_space<hbm>> -> memref<50x1x1x128xf32, #tpu.memory_space<hbm>>
      %dma_start3A_760 = tpu.memref_squeeze %dma_start3A_759 : memref<50x1x1x128xf32, #tpu.memory_space<hbm>> -> memref<50x128xf32, #tpu.memory_space<hbm>>
      %dma_start3A_761 = arith.constant 112 : i32
      %dma_start3A_762 = arith.constant 0 : i32
      %dma_start3A_763 = tpu.memref_slice %arg11[%dma_start3A_761, %dma_start3A_762] : memref<224x128xf32, #tpu.memory_space<vmem>> -> memref<50x128xf32, #tpu.memory_space<vmem>>
      tpu.enqueue_dma source(%dma_start3A_763 : memref<50x128xf32, #tpu.memory_space<vmem>>) target(%dma_start3A_760 : memref<50x128xf32, #tpu.memory_space<hbm>>) target_semaphore(%dma_start3A_756 : memref<!tpu.dma_semaphore, #tpu.memory_space<semaphore_mem>>)
      %mul3A_764 = arith.constant 4 : i32
      %mul3A_765 = arith.muli %mul3A_106, %mul3A_764 : i32
      %add3A_766 = arith.addi %mul3A_4, %mul3A_765 : i32
      %add3A_767 = arith.constant 3 : i32
      %add3A_768 = arith.addi %add3A_766, %add3A_767 : i32
      %dma_start3A_769 = arith.constant 1 : i32
      %dma_start3A_770 = arith.constant 0 : i32
      %dma_start3A_771 = arith.constant 168 : i32
      %dma_start3A_772 = arith.constant 0 : i32
      %dma_start3A_773 = tpu.memref_slice %arg11[%dma_start3A_771, %dma_start3A_772] : memref<224x128xf32, #tpu.memory_space<vmem>> -> memref<50x128xf32, #tpu.memory_space<vmem>>
      %dma_start3A_774 = arith.constant 0 : i32
      %dma_start3A_775 = arith.constant 0 : i32
      %dma_start3A_776 = tpu.memref_slice %arg6[%dma_start3A_774, %dma_start3A_769, %add3A_768, %dma_start3A_775] : memref<50x2x4096x128xf32, #tpu.memory_space<hbm>> -> memref<50x1x1x128xf32, #tpu.memory_space<hbm>>
      %dma_start3A_777 = tpu.memref_squeeze %dma_start3A_776 : memref<50x1x1x128xf32, #tpu.memory_space<hbm>> -> memref<50x128xf32, #tpu.memory_space<hbm>>
      %dma_start3A_778 = tpu.memref_slice %arg16[%dma_start3A_770] : memref<2x!tpu.dma_semaphore, #tpu.memory_space<semaphore_mem>> -> memref<1x!tpu.dma_semaphore, #tpu.memory_space<semaphore_mem>>
      %dma_start3A_779 = tpu.memref_squeeze %dma_start3A_778 : memref<1x!tpu.dma_semaphore, #tpu.memory_space<semaphore_mem>> -> memref<!tpu.dma_semaphore, #tpu.memory_space<semaphore_mem>>
      %dma_start3A_780 = arith.constant 0 : i32
      %dma_start3A_781 = arith.constant 0 : i32
      %dma_start3A_782 = tpu.memref_slice %arg6[%dma_start3A_780, %dma_start3A_769, %add3A_768, %dma_start3A_781] : memref<50x2x4096x128xf32, #tpu.memory_space<hbm>> -> memref<50x1x1x128xf32, #tpu.memory_space<hbm>>
      %dma_start3A_783 = tpu.memref_squeeze %dma_start3A_782 : memref<50x1x1x128xf32, #tpu.memory_space<hbm>> -> memref<50x128xf32, #tpu.memory_space<hbm>>
      %dma_start3A_784 = arith.constant 168 : i32
      %dma_start3A_785 = arith.constant 0 : i32
      %dma_start3A_786 = tpu.memref_slice %arg11[%dma_start3A_784, %dma_start3A_785] : memref<224x128xf32, #tpu.memory_space<vmem>> -> memref<50x128xf32, #tpu.memory_space<vmem>>
      tpu.enqueue_dma source(%dma_start3A_786 : memref<50x128xf32, #tpu.memory_space<vmem>>) target(%dma_start3A_783 : memref<50x128xf32, #tpu.memory_space<hbm>>) target_semaphore(%dma_start3A_779 : memref<!tpu.dma_semaphore, #tpu.memory_space<semaphore_mem>>)
      %mul3A_787 = arith.constant 2 : i32
      %mul3A_788 = arith.muli %mul3A_787, %scan3A_104 : i32
      %add3A_789 = arith.constant 1 : i32
      %add3A_790 = arith.addi %mul3A_788, %add3A_789 : i32
      %mul3A_791 = arith.constant 17 : i32
      %mul3A_792 = arith.muli %add3A, %mul3A_791 : i32
      %mul3A_793 = arith.constant 224 : i32
      %mul3A_794 = arith.muli %add3A_790, %mul3A_793 : i32
      %add3A_795 = arith.addi %mul3A_792, %mul3A_794 : i32
      %add3A_796 = arith.constant 0 : i32
      %add3A_797 = arith.addi %add3A_795, %add3A_796 : i32
      %add3A_798 = vector.broadcast %add3A_797 : i32 to vector<16xi32>
      %add3A_799 = arith.addi %add3A_798, %iota3A : vector<16xi32>
      %mul3A_800 = arith.constant 224 : i32
      %mul3A_801 = arith.muli %add3A_790, %mul3A_800 : i32
      %add3A_802 = arith.constant 0 : i32
      %add3A_803 = arith.addi %mul3A_801, %add3A_802 : i32
      %get3A_804 = arith.index_cast %add3A_803 : i32 to index
      %get3A_805 = tpu.vector_load %arg8[%get3A_804] {strides = array<i32>} : memref<7168xi32, #tpu.memory_space<vmem>>, vector<16xi32>,
      %get3A_806 = vector.shape_cast %get3A_805 : vector<16xi32> to vector<16xi32>
      %mul3A_807 = arith.constant 512 : i32
      %mul3A_808 = vector.broadcast %mul3A_807 : i32 to vector<16xi32>
      %mul3A_809 = arith.muli %get3A_806, %mul3A_808 : vector<16xi32>
      %and3A_810 = arith.constant 511 : i32
      %and3A_811 = vector.broadcast %and3A_810 : i32 to vector<16xi32>
      %and3A_812 = arith.andi %add3A_799, %and3A_811 : vector<16xi32>
      %add3A_813 = arith.addi %mul3A_809, %and3A_812 : vector<16xi32>
      %swap3A_814 = arith.constant 0 : index
      %swap3A_815 = tpu.vector_load %arg10[%swap3A_814] {strides = array<i32>} : memref<224xi32, #tpu.memory_space<vmem>>, vector<16xi32>,
      %swap3A_816 = vector.shape_cast %swap3A_815 : vector<16xi32> to vector<16xi32>
      %swap3A_817 = vector.shape_cast %add3A_813 : vector<16xi32> to vector<16xi32>
      tpu.vector_store %arg10[%swap3A_814], %swap3A_817 {strides = array<i32>} : memref<224xi32, #tpu.memory_space<vmem>>, vector<16xi32>,
      %mul3A_818 = arith.constant 17 : i32
      %mul3A_819 = arith.muli %add3A, %mul3A_818 : i32
      %mul3A_820 = arith.constant 224 : i32
      %mul3A_821 = arith.muli %add3A_790, %mul3A_820 : i32
      %add3A_822 = arith.addi %mul3A_819, %mul3A_821 : i32
      %add3A_823 = arith.constant 16 : i32
      %add3A_824 = arith.addi %add3A_822, %add3A_823 : i32
      %add3A_825 = vector.broadcast %add3A_824 : i32 to vector<16xi32>
      %add3A_826 = arith.addi %add3A_825, %iota3A : vector<16xi32>
      %mul3A_827 = arith.constant 224 : i32
      %mul3A_828 = arith.muli %add3A_790, %mul3A_827 : i32
      %add3A_829 = arith.constant 16 : i32
      %add3A_830 = arith.addi %mul3A_828, %add3A_829 : i32
      %get3A_831 = arith.index_cast %add3A_830 : i32 to index
      %get3A_832 = tpu.vector_load %arg8[%get3A_831] {strides = array<i32>} : memref<7168xi32, #tpu.memory_space<vmem>>, vector<16xi32>,
      %get3A_833 = vector.shape_cast %get3A_832 : vector<16xi32> to vector<16xi32>
      %mul3A_834 = arith.constant 512 : i32
      %mul3A_835 = vector.broadcast %mul3A_834 : i32 to vector<16xi32>
      %mul3A_836 = arith.muli %get3A_833, %mul3A_835 : vector<16xi32>
      %and3A_837 = arith.constant 511 : i32
      %and3A_838 = vector.broadcast %and3A_837 : i32 to vector<16xi32>
      %and3A_839 = arith.andi %add3A_826, %and3A_838 : vector<16xi32>
      %add3A_840 = arith.addi %mul3A_836, %and3A_839 : vector<16xi32>
      %swap3A_841 = arith.constant 16 : index
      %swap3A_842 = tpu.vector_load %arg10[%swap3A_841] {strides = array<i32>} : memref<224xi32, #tpu.memory_space<vmem>>, vector<16xi32>,
      %swap3A_843 = vector.shape_cast %swap3A_842 : vector<16xi32> to vector<16xi32>
      %swap3A_844 = vector.shape_cast %add3A_840 : vector<16xi32> to vector<16xi32>
      tpu.vector_store %arg10[%swap3A_841], %swap3A_844 {strides = array<i32>} : memref<224xi32, #tpu.memory_space<vmem>>, vector<16xi32>,
      %mul3A_845 = arith.constant 17 : i32
      %mul3A_846 = arith.muli %add3A, %mul3A_845 : i32
      %mul3A_847 = arith.constant 224 : i32
      %mul3A_848 = arith.muli %add3A_790, %mul3A_847 : i32
      %add3A_849 = arith.addi %mul3A_846, %mul3A_848 : i32
      %add3A_850 = arith.constant 32 : i32
      %add3A_851 = arith.addi %add3A_849, %add3A_850 : i32
      %add3A_852 = vector.broadcast %add3A_851 : i32 to vector<16xi32>
      %add3A_853 = arith.addi %add3A_852, %iota3A : vector<16xi32>
      %mul3A_854 = arith.constant 224 : i32
      %mul3A_855 = arith.muli %add3A_790, %mul3A_854 : i32
      %add3A_856 = arith.constant 32 : i32
      %add3A_857 = arith.addi %mul3A_855, %add3A_856 : i32
      %get3A_858 = arith.index_cast %add3A_857 : i32 to index
      %get3A_859 = tpu.vector_load %arg8[%get3A_858] {strides = array<i32>} : memref<7168xi32, #tpu.memory_space<vmem>>, vector<16xi32>,
      %get3A_860 = vector.shape_cast %get3A_859 : vector<16xi32> to vector<16xi32>
      %mul3A_861 = arith.constant 512 : i32
      %mul3A_862 = vector.broadcast %mul3A_861 : i32 to vector<16xi32>
      %mul3A_863 = arith.muli %get3A_860, %mul3A_862 : vector<16xi32>
      %and3A_864 = arith.constant 511 : i32
      %and3A_865 = vector.broadcast %and3A_864 : i32 to vector<16xi32>
      %and3A_866 = arith.andi %add3A_853, %and3A_865 : vector<16xi32>
      %add3A_867 = arith.addi %mul3A_863, %and3A_866 : vector<16xi32>
      %swap3A_868 = arith.constant 32 : index
      %swap3A_869 = tpu.vector_load %arg10[%swap3A_868] {strides = array<i32>} : memref<224xi32, #tpu.memory_space<vmem>>, vector<16xi32>,
      %swap3A_870 = vector.shape_cast %swap3A_869 : vector<16xi32> to vector<16xi32>
      %swap3A_871 = vector.shape_cast %add3A_867 : vector<16xi32> to vector<16xi32>
      tpu.vector_store %arg10[%swap3A_868], %swap3A_871 {strides = array<i32>} : memref<224xi32, #tpu.memory_space<vmem>>, vector<16xi32>,
      %mul3A_872 = arith.constant 17 : i32
      %mul3A_873 = arith.muli %add3A, %mul3A_872 : i32
      %mul3A_874 = arith.constant 224 : i32
      %mul3A_875 = arith.muli %add3A_790, %mul3A_874 : i32
      %add3A_876 = arith.addi %mul3A_873, %mul3A_875 : i32
      %add3A_877 = arith.constant 48 : i32
      %add3A_878 = arith.addi %add3A_876, %add3A_877 : i32
      %add3A_879 = vector.broadcast %add3A_878 : i32 to vector<16xi32>
      %add3A_880 = arith.addi %add3A_879, %iota3A : vector<16xi32>
      %mul3A_881 = arith.constant 224 : i32
      %mul3A_882 = arith.muli %add3A_790, %mul3A_881 : i32
      %add3A_883 = arith.constant 48 : i32
      %add3A_884 = arith.addi %mul3A_882, %add3A_883 : i32
      %get3A_885 = arith.index_cast %add3A_884 : i32 to index
      %get3A_886 = tpu.vector_load %arg8[%get3A_885] {strides = array<i32>} : memref<7168xi32, #tpu.memory_space<vmem>>, vector<16xi32>,
      %get3A_887 = vector.shape_cast %get3A_886 : vector<16xi32> to vector<16xi32>
      %mul3A_888 = arith.constant 512 : i32
      %mul3A_889 = vector.broadcast %mul3A_888 : i32 to vector<16xi32>
      %mul3A_890 = arith.muli %get3A_887, %mul3A_889 : vector<16xi32>
      %and3A_891 = arith.constant 511 : i32
      %and3A_892 = vector.broadcast %and3A_891 : i32 to vector<16xi32>
      %and3A_893 = arith.andi %add3A_880, %and3A_892 : vector<16xi32>
      %add3A_894 = arith.addi %mul3A_890, %and3A_893 : vector<16xi32>
      %swap3A_895 = arith.constant 48 : index
      %swap3A_896 = tpu.vector_load %arg10[%swap3A_895] {strides = array<i32>} : memref<224xi32, #tpu.memory_space<vmem>>, vector<16xi32>,
      %swap3A_897 = vector.shape_cast %swap3A_896 : vector<16xi32> to vector<16xi32>
      %swap3A_898 = vector.shape_cast %add3A_894 : vector<16xi32> to vector<16xi32>
      tpu.vector_store %arg10[%swap3A_895], %swap3A_898 {strides = array<i32>} : memref<224xi32, #tpu.memory_space<vmem>>, vector<16xi32>,
      %mul3A_899 = arith.constant 17 : i32
      %mul3A_900 = arith.muli %add3A, %mul3A_899 : i32
      %mul3A_901 = arith.constant 224 : i32
      %mul3A_902 = arith.muli %add3A_790, %mul3A_901 : i32
      %add3A_903 = arith.addi %mul3A_900, %mul3A_902 : i32
      %add3A_904 = arith.constant 64 : i32
      %add3A_905 = arith.addi %add3A_903, %add3A_904 : i32
      %add3A_906 = vector.broadcast %add3A_905 : i32 to vector<16xi32>
      %add3A_907 = arith.addi %add3A_906, %iota3A : vector<16xi32>
      %mul3A_908 = arith.constant 224 : i32
      %mul3A_909 = arith.muli %add3A_790, %mul3A_908 : i32
      %add3A_910 = arith.constant 64 : i32
      %add3A_911 = arith.addi %mul3A_909, %add3A_910 : i32
      %get3A_912 = arith.index_cast %add3A_911 : i32 to index
      %get3A_913 = tpu.vector_load %arg8[%get3A_912] {strides = array<i32>} : memref<7168xi32, #tpu.memory_space<vmem>>, vector<16xi32>,
      %get3A_914 = vector.shape_cast %get3A_913 : vector<16xi32> to vector<16xi32>
      %mul3A_915 = arith.constant 512 : i32
      %mul3A_916 = vector.broadcast %mul3A_915 : i32 to vector<16xi32>
      %mul3A_917 = arith.muli %get3A_914, %mul3A_916 : vector<16xi32>
      %and3A_918 = arith.constant 511 : i32
      %and3A_919 = vector.broadcast %and3A_918 : i32 to vector<16xi32>
      %and3A_920 = arith.andi %add3A_907, %and3A_919 : vector<16xi32>
      %add3A_921 = arith.addi %mul3A_917, %and3A_920 : vector<16xi32>
      %swap3A_922 = arith.constant 64 : index
      %swap3A_923 = tpu.vector_load %arg10[%swap3A_922] {strides = array<i32>} : memref<224xi32, #tpu.memory_space<vmem>>, vector<16xi32>,
      %swap3A_924 = vector.shape_cast %swap3A_923 : vector<16xi32> to vector<16xi32>
      %swap3A_925 = vector.shape_cast %add3A_921 : vector<16xi32> to vector<16xi32>
      tpu.vector_store %arg10[%swap3A_922], %swap3A_925 {strides = array<i32>} : memref<224xi32, #tpu.memory_space<vmem>>, vector<16xi32>,
      %mul3A_926 = arith.constant 17 : i32
      %mul3A_927 = arith.muli %add3A, %mul3A_926 : i32
      %mul3A_928 = arith.constant 224 : i32
      %mul3A_929 = arith.muli %add3A_790, %mul3A_928 : i32
      %add3A_930 = arith.addi %mul3A_927, %mul3A_929 : i32
      %add3A_931 = arith.constant 80 : i32
      %add3A_932 = arith.addi %add3A_930, %add3A_931 : i32
      %add3A_933 = vector.broadcast %add3A_932 : i32 to vector<16xi32>
      %add3A_934 = arith.addi %add3A_933, %iota3A : vector<16xi32>
      %mul3A_935 = arith.constant 224 : i32
      %mul3A_936 = arith.muli %add3A_790, %mul3A_935 : i32
      %add3A_937 = arith.constant 80 : i32
      %add3A_938 = arith.addi %mul3A_936, %add3A_937 : i32
      %get3A_939 = arith.index_cast %add3A_938 : i32 to index
      %get3A_940 = tpu.vector_load %arg8[%get3A_939] {strides = array<i32>} : memref<7168xi32, #tpu.memory_space<vmem>>, vector<16xi32>,
      %get3A_941 = vector.shape_cast %get3A_940 : vector<16xi32> to vector<16xi32>
      %mul3A_942 = arith.constant 512 : i32
      %mul3A_943 = vector.broadcast %mul3A_942 : i32 to vector<16xi32>
      %mul3A_944 = arith.muli %get3A_941, %mul3A_943 : vector<16xi32>
      %and3A_945 = arith.constant 511 : i32
      %and3A_946 = vector.broadcast %and3A_945 : i32 to vector<16xi32>
      %and3A_947 = arith.andi %add3A_934, %and3A_946 : vector<16xi32>
      %add3A_948 = arith.addi %mul3A_944, %and3A_947 : vector<16xi32>
      %swap3A_949 = arith.constant 80 : index
      %swap3A_950 = tpu.vector_load %arg10[%swap3A_949] {strides = array<i32>} : memref<224xi32, #tpu.memory_space<vmem>>, vector<16xi32>,
      %swap3A_951 = vector.shape_cast %swap3A_950 : vector<16xi32> to vector<16xi32>
      %swap3A_952 = vector.shape_cast %add3A_948 : vector<16xi32> to vector<16xi32>
      tpu.vector_store %arg10[%swap3A_949], %swap3A_952 {strides = array<i32>} : memref<224xi32, #tpu.memory_space<vmem>>, vector<16xi32>,
      %mul3A_953 = arith.constant 17 : i32
      %mul3A_954 = arith.muli %add3A, %mul3A_953 : i32
      %mul3A_955 = arith.constant 224 : i32
      %mul3A_956 = arith.muli %add3A_790, %mul3A_955 : i32
      %add3A_957 = arith.addi %mul3A_954, %mul3A_956 : i32
      %add3A_958 = arith.constant 96 : i32
      %add3A_959 = arith.addi %add3A_957, %add3A_958 : i32
      %add3A_960 = vector.broadcast %add3A_959 : i32 to vector<16xi32>
      %add3A_961 = arith.addi %add3A_960, %iota3A : vector<16xi32>
      %mul3A_962 = arith.constant 224 : i32
      %mul3A_963 = arith.muli %add3A_790, %mul3A_962 : i32
      %add3A_964 = arith.constant 96 : i32
      %add3A_965 = arith.addi %mul3A_963, %add3A_964 : i32
      %get3A_966 = arith.index_cast %add3A_965 : i32 to index
      %get3A_967 = tpu.vector_load %arg8[%get3A_966] {strides = array<i32>} : memref<7168xi32, #tpu.memory_space<vmem>>, vector<16xi32>,
      %get3A_968 = vector.shape_cast %get3A_967 : vector<16xi32> to vector<16xi32>
      %mul3A_969 = arith.constant 512 : i32
      %mul3A_970 = vector.broadcast %mul3A_969 : i32 to vector<16xi32>
      %mul3A_971 = arith.muli %get3A_968, %mul3A_970 : vector<16xi32>
      %and3A_972 = arith.constant 511 : i32
      %and3A_973 = vector.broadcast %and3A_972 : i32 to vector<16xi32>
      %and3A_974 = arith.andi %add3A_961, %and3A_973 : vector<16xi32>
      %add3A_975 = arith.addi %mul3A_971, %and3A_974 : vector<16xi32>
      %swap3A_976 = arith.constant 96 : index
      %swap3A_977 = tpu.vector_load %arg10[%swap3A_976] {strides = array<i32>} : memref<224xi32, #tpu.memory_space<vmem>>, vector<16xi32>,
      %swap3A_978 = vector.shape_cast %swap3A_977 : vector<16xi32> to vector<16xi32>
      %swap3A_979 = vector.shape_cast %add3A_975 : vector<16xi32> to vector<16xi32>
      tpu.vector_store %arg10[%swap3A_976], %swap3A_979 {strides = array<i32>} : memref<224xi32, #tpu.memory_space<vmem>>, vector<16xi32>,
      %mul3A_980 = arith.constant 17 : i32
      %mul3A_981 = arith.muli %add3A, %mul3A_980 : i32
      %mul3A_982 = arith.constant 224 : i32
      %mul3A_983 = arith.muli %add3A_790, %mul3A_982 : i32
      %add3A_984 = arith.addi %mul3A_981, %mul3A_983 : i32
      %add3A_985 = arith.constant 112 : i32
      %add3A_986 = arith.addi %add3A_984, %add3A_985 : i32
      %add3A_987 = vector.broadcast %add3A_986 : i32 to vector<16xi32>
      %add3A_988 = arith.addi %add3A_987, %iota3A : vector<16xi32>
      %mul3A_989 = arith.constant 224 : i32
      %mul3A_990 = arith.muli %add3A_790, %mul3A_989 : i32
      %add3A_991 = arith.constant 112 : i32
      %add3A_992 = arith.addi %mul3A_990, %add3A_991 : i32
      %get3A_993 = arith.index_cast %add3A_992 : i32 to index
      %get3A_994 = tpu.vector_load %arg8[%get3A_993] {strides = array<i32>} : memref<7168xi32, #tpu.memory_space<vmem>>, vector<16xi32>,
      %get3A_995 = vector.shape_cast %get3A_994 : vector<16xi32> to vector<16xi32>
      %mul3A_996 = arith.constant 512 : i32
      %mul3A_997 = vector.broadcast %mul3A_996 : i32 to vector<16xi32>
      %mul3A_998 = arith.muli %get3A_995, %mul3A_997 : vector<16xi32>
      %and3A_999 = arith.constant 511 : i32
      %and3A_1000 = vector.broadcast %and3A_999 : i32 to vector<16xi32>
      %and3A_1001 = arith.andi %add3A_988, %and3A_1000 : vector<16xi32>
      %add3A_1002 = arith.addi %mul3A_998, %and3A_1001 : vector<16xi32>
      %swap3A_1003 = arith.constant 112 : index
      %swap3A_1004 = tpu.vector_load %arg10[%swap3A_1003] {strides = array<i32>} : memref<224xi32, #tpu.memory_space<vmem>>, vector<16xi32>,
      %swap3A_1005 = vector.shape_cast %swap3A_1004 : vector<16xi32> to vector<16xi32>
      %swap3A_1006 = vector.shape_cast %add3A_1002 : vector<16xi32> to vector<16xi32>
      tpu.vector_store %arg10[%swap3A_1003], %swap3A_1006 {strides = array<i32>} : memref<224xi32, #tpu.memory_space<vmem>>, vector<16xi32>,
      %mul3A_1007 = arith.constant 17 : i32
      %mul3A_1008 = arith.muli %add3A, %mul3A_1007 : i32
      %mul3A_1009 = arith.constant 224 : i32
      %mul3A_1010 = arith.muli %add3A_790, %mul3A_1009 : i32
      %add3A_1011 = arith.addi %mul3A_1008, %mul3A_1010 : i32
      %add3A_1012 = arith.constant 128 : i32
      %add3A_1013 = arith.addi %add3A_1011, %add3A_1012 : i32
      %add3A_1014 = vector.broadcast %add3A_1013 : i32 to vector<16xi32>
      %add3A_1015 = arith.addi %add3A_1014, %iota3A : vector<16xi32>
      %mul3A_1016 = arith.constant 224 : i32
      %mul3A_1017 = arith.muli %add3A_790, %mul3A_1016 : i32
      %add3A_1018 = arith.constant 128 : i32
      %add3A_1019 = arith.addi %mul3A_1017, %add3A_1018 : i32
      %get3A_1020 = arith.index_cast %add3A_1019 : i32 to index
      %get3A_1021 = tpu.vector_load %arg8[%get3A_1020] {strides = array<i32>} : memref<7168xi32, #tpu.memory_space<vmem>>, vector<16xi32>,
      %get3A_1022 = vector.shape_cast %get3A_1021 : vector<16xi32> to vector<16xi32>
      %mul3A_1023 = arith.constant 512 : i32
      %mul3A_1024 = vector.broadcast %mul3A_1023 : i32 to vector<16xi32>
      %mul3A_1025 = arith.muli %get3A_1022, %mul3A_1024 : vector<16xi32>
      %and3A_1026 = arith.constant 511 : i32
      %and3A_1027 = vector.broadcast %and3A_1026 : i32 to vector<16xi32>
      %and3A_1028 = arith.andi %add3A_1015, %and3A_1027 : vector<16xi32>
      %add3A_1029 = arith.addi %mul3A_1025, %and3A_1028 : vector<16xi32>
      %swap3A_1030 = arith.constant 128 : index
      %swap3A_1031 = tpu.vector_load %arg10[%swap3A_1030] {strides = array<i32>} : memref<224xi32, #tpu.memory_space<vmem>>, vector<16xi32>,
      %swap3A_1032 = vector.shape_cast %swap3A_1031 : vector<16xi32> to vector<16xi32>
      %swap3A_1033 = vector.shape_cast %add3A_1029 : vector<16xi32> to vector<16xi32>
      tpu.vector_store %arg10[%swap3A_1030], %swap3A_1033 {strides = array<i32>} : memref<224xi32, #tpu.memory_space<vmem>>, vector<16xi32>,
      %mul3A_1034 = arith.constant 17 : i32
      %mul3A_1035 = arith.muli %add3A, %mul3A_1034 : i32
      %mul3A_1036 = arith.constant 224 : i32
      %mul3A_1037 = arith.muli %add3A_790, %mul3A_1036 : i32
      %add3A_1038 = arith.addi %mul3A_1035, %mul3A_1037 : i32
      %add3A_1039 = arith.constant 144 : i32
      %add3A_1040 = arith.addi %add3A_1038, %add3A_1039 : i32
      %add3A_1041 = vector.broadcast %add3A_1040 : i32 to vector<16xi32>
      %add3A_1042 = arith.addi %add3A_1041, %iota3A : vector<16xi32>
      %mul3A_1043 = arith.constant 224 : i32
      %mul3A_1044 = arith.muli %add3A_790, %mul3A_1043 : i32
      %add3A_1045 = arith.constant 144 : i32
      %add3A_1046 = arith.addi %mul3A_1044, %add3A_1045 : i32
      %get3A_1047 = arith.index_cast %add3A_1046 : i32 to index
      %get3A_1048 = tpu.vector_load %arg8[%get3A_1047] {strides = array<i32>} : memref<7168xi32, #tpu.memory_space<vmem>>, vector<16xi32>,
      %get3A_1049 = vector.shape_cast %get3A_1048 : vector<16xi32> to vector<16xi32>
      %mul3A_1050 = arith.constant 512 : i32
      %mul3A_1051 = vector.broadcast %mul3A_1050 : i32 to vector<16xi32>
      %mul3A_1052 = arith.muli %get3A_1049, %mul3A_1051 : vector<16xi32>
      %and3A_1053 = arith.constant 511 : i32
      %and3A_1054 = vector.broadcast %and3A_1053 : i32 to vector<16xi32>
      %and3A_1055 = arith.andi %add3A_1042, %and3A_1054 : vector<16xi32>
      %add3A_1056 = arith.addi %mul3A_1052, %and3A_1055 : vector<16xi32>
      %swap3A_1057 = arith.constant 144 : index
      %swap3A_1058 = tpu.vector_load %arg10[%swap3A_1057] {strides = array<i32>} : memref<224xi32, #tpu.memory_space<vmem>>, vector<16xi32>,
      %swap3A_1059 = vector.shape_cast %swap3A_1058 : vector<16xi32> to vector<16xi32>
      %swap3A_1060 = vector.shape_cast %add3A_1056 : vector<16xi32> to vector<16xi32>
      tpu.vector_store %arg10[%swap3A_1057], %swap3A_1060 {strides = array<i32>} : memref<224xi32, #tpu.memory_space<vmem>>, vector<16xi32>,
      %mul3A_1061 = arith.constant 17 : i32
      %mul3A_1062 = arith.muli %add3A, %mul3A_1061 : i32
      %mul3A_1063 = arith.constant 224 : i32
      %mul3A_1064 = arith.muli %add3A_790, %mul3A_1063 : i32
      %add3A_1065 = arith.addi %mul3A_1062, %mul3A_1064 : i32
      %add3A_1066 = arith.constant 160 : i32
      %add3A_1067 = arith.addi %add3A_1065, %add3A_1066 : i32
      %add3A_1068 = vector.broadcast %add3A_1067 : i32 to vector<16xi32>
      %add3A_1069 = arith.addi %add3A_1068, %iota3A : vector<16xi32>
      %mul3A_1070 = arith.constant 224 : i32
      %mul3A_1071 = arith.muli %add3A_790, %mul3A_1070 : i32
      %add3A_1072 = arith.constant 160 : i32
      %add3A_1073 = arith.addi %mul3A_1071, %add3A_1072 : i32
      %get3A_1074 = arith.index_cast %add3A_1073 : i32 to index
      %get3A_1075 = tpu.vector_load %arg8[%get3A_1074] {strides = array<i32>} : memref<7168xi32, #tpu.memory_space<vmem>>, vector<16xi32>,
      %get3A_1076 = vector.shape_cast %get3A_1075 : vector<16xi32> to vector<16xi32>
      %mul3A_1077 = arith.constant 512 : i32
      %mul3A_1078 = vector.broadcast %mul3A_1077 : i32 to vector<16xi32>
      %mul3A_1079 = arith.muli %get3A_1076, %mul3A_1078 : vector<16xi32>
      %and3A_1080 = arith.constant 511 : i32
      %and3A_1081 = vector.broadcast %and3A_1080 : i32 to vector<16xi32>
      %and3A_1082 = arith.andi %add3A_1069, %and3A_1081 : vector<16xi32>
      %add3A_1083 = arith.addi %mul3A_1079, %and3A_1082 : vector<16xi32>
      %swap3A_1084 = arith.constant 160 : index
      %swap3A_1085 = tpu.vector_load %arg10[%swap3A_1084] {strides = array<i32>} : memref<224xi32, #tpu.memory_space<vmem>>, vector<16xi32>,
      %swap3A_1086 = vector.shape_cast %swap3A_1085 : vector<16xi32> to vector<16xi32>
      %swap3A_1087 = vector.shape_cast %add3A_1083 : vector<16xi32> to vector<16xi32>
      tpu.vector_store %arg10[%swap3A_1084], %swap3A_1087 {strides = array<i32>} : memref<224xi32, #tpu.memory_space<vmem>>, vector<16xi32>,
      %mul3A_1088 = arith.constant 17 : i32
      %mul3A_1089 = arith.muli %add3A, %mul3A_1088 : i32
      %mul3A_1090 = arith.constant 224 : i32
      %mul3A_1091 = arith.muli %add3A_790, %mul3A_1090 : i32
      %add3A_1092 = arith.addi %mul3A_1089, %mul3A_1091 : i32
      %add3A_1093 = arith.constant 176 : i32
      %add3A_1094 = arith.addi %add3A_1092, %add3A_1093 : i32
      %add3A_1095 = vector.broadcast %add3A_1094 : i32 to vector<16xi32>
      %add3A_1096 = arith.addi %add3A_1095, %iota3A : vector<16xi32>
      %mul3A_1097 = arith.constant 224 : i32
      %mul3A_1098 = arith.muli %add3A_790, %mul3A_1097 : i32
      %add3A_1099 = arith.constant 176 : i32
      %add3A_1100 = arith.addi %mul3A_1098, %add3A_1099 : i32
      %get3A_1101 = arith.index_cast %add3A_1100 : i32 to index
      %get3A_1102 = tpu.vector_load %arg8[%get3A_1101] {strides = array<i32>} : memref<7168xi32, #tpu.memory_space<vmem>>, vector<16xi32>,
      %get3A_1103 = vector.shape_cast %get3A_1102 : vector<16xi32> to vector<16xi32>
      %mul3A_1104 = arith.constant 512 : i32
      %mul3A_1105 = vector.broadcast %mul3A_1104 : i32 to vector<16xi32>
      %mul3A_1106 = arith.muli %get3A_1103, %mul3A_1105 : vector<16xi32>
      %and3A_1107 = arith.constant 511 : i32
      %and3A_1108 = vector.broadcast %and3A_1107 : i32 to vector<16xi32>
      %and3A_1109 = arith.andi %add3A_1096, %and3A_1108 : vector<16xi32>
      %add3A_1110 = arith.addi %mul3A_1106, %and3A_1109 : vector<16xi32>
      %swap3A_1111 = arith.constant 176 : index
      %swap3A_1112 = tpu.vector_load %arg10[%swap3A_1111] {strides = array<i32>} : memref<224xi32, #tpu.memory_space<vmem>>, vector<16xi32>,
      %swap3A_1113 = vector.shape_cast %swap3A_1112 : vector<16xi32> to vector<16xi32>
      %swap3A_1114 = vector.shape_cast %add3A_1110 : vector<16xi32> to vector<16xi32>
      tpu.vector_store %arg10[%swap3A_1111], %swap3A_1114 {strides = array<i32>} : memref<224xi32, #tpu.memory_space<vmem>>, vector<16xi32>,
      %mul3A_1115 = arith.constant 17 : i32
      %mul3A_1116 = arith.muli %add3A, %mul3A_1115 : i32
      %mul3A_1117 = arith.constant 224 : i32
      %mul3A_1118 = arith.muli %add3A_790, %mul3A_1117 : i32
      %add3A_1119 = arith.addi %mul3A_1116, %mul3A_1118 : i32
      %add3A_1120 = arith.constant 192 : i32
      %add3A_1121 = arith.addi %add3A_1119, %add3A_1120 : i32
      %add3A_1122 = vector.broadcast %add3A_1121 : i32 to vector<16xi32>
      %add3A_1123 = arith.addi %add3A_1122, %iota3A : vector<16xi32>
      %mul3A_1124 = arith.constant 224 : i32
      %mul3A_1125 = arith.muli %add3A_790, %mul3A_1124 : i32
      %add3A_1126 = arith.constant 192 : i32
      %add3A_1127 = arith.addi %mul3A_1125, %add3A_1126 : i32
      %get3A_1128 = arith.index_cast %add3A_1127 : i32 to index
      %get3A_1129 = tpu.vector_load %arg8[%get3A_1128] {strides = array<i32>} : memref<7168xi32, #tpu.memory_space<vmem>>, vector<16xi32>,
      %get3A_1130 = vector.shape_cast %get3A_1129 : vector<16xi32> to vector<16xi32>
      %mul3A_1131 = arith.constant 512 : i32
      %mul3A_1132 = vector.broadcast %mul3A_1131 : i32 to vector<16xi32>
      %mul3A_1133 = arith.muli %get3A_1130, %mul3A_1132 : vector<16xi32>
      %and3A_1134 = arith.constant 511 : i32
      %and3A_1135 = vector.broadcast %and3A_1134 : i32 to vector<16xi32>
      %and3A_1136 = arith.andi %add3A_1123, %and3A_1135 : vector<16xi32>
      %add3A_1137 = arith.addi %mul3A_1133, %and3A_1136 : vector<16xi32>
      %swap3A_1138 = arith.constant 192 : index
      %swap3A_1139 = tpu.vector_load %arg10[%swap3A_1138] {strides = array<i32>} : memref<224xi32, #tpu.memory_space<vmem>>, vector<16xi32>,
      %swap3A_1140 = vector.shape_cast %swap3A_1139 : vector<16xi32> to vector<16xi32>
      %swap3A_1141 = vector.shape_cast %add3A_1137 : vector<16xi32> to vector<16xi32>
      tpu.vector_store %arg10[%swap3A_1138], %swap3A_1141 {strides = array<i32>} : memref<224xi32, #tpu.memory_space<vmem>>, vector<16xi32>,
      %mul3A_1142 = arith.constant 17 : i32
      %mul3A_1143 = arith.muli %add3A, %mul3A_1142 : i32
      %mul3A_1144 = arith.constant 224 : i32
      %mul3A_1145 = arith.muli %add3A_790, %mul3A_1144 : i32
      %add3A_1146 = arith.addi %mul3A_1143, %mul3A_1145 : i32
      %add3A_1147 = arith.constant 208 : i32
      %add3A_1148 = arith.addi %add3A_1146, %add3A_1147 : i32
      %add3A_1149 = vector.broadcast %add3A_1148 : i32 to vector<16xi32>
      %add3A_1150 = arith.addi %add3A_1149, %iota3A : vector<16xi32>
      %mul3A_1151 = arith.constant 224 : i32
      %mul3A_1152 = arith.muli %add3A_790, %mul3A_1151 : i32
      %add3A_1153 = arith.constant 208 : i32
      %add3A_1154 = arith.addi %mul3A_1152, %add3A_1153 : i32
      %get3A_1155 = arith.index_cast %add3A_1154 : i32 to index
      %get3A_1156 = tpu.vector_load %arg8[%get3A_1155] {strides = array<i32>} : memref<7168xi32, #tpu.memory_space<vmem>>, vector<16xi32>,
      %get3A_1157 = vector.shape_cast %get3A_1156 : vector<16xi32> to vector<16xi32>
      %mul3A_1158 = arith.constant 512 : i32
      %mul3A_1159 = vector.broadcast %mul3A_1158 : i32 to vector<16xi32>
      %mul3A_1160 = arith.muli %get3A_1157, %mul3A_1159 : vector<16xi32>
      %and3A_1161 = arith.constant 511 : i32
      %and3A_1162 = vector.broadcast %and3A_1161 : i32 to vector<16xi32>
      %and3A_1163 = arith.andi %add3A_1150, %and3A_1162 : vector<16xi32>
      %add3A_1164 = arith.addi %mul3A_1160, %and3A_1163 : vector<16xi32>
      %swap3A_1165 = arith.constant 208 : index
      %swap3A_1166 = tpu.vector_load %arg10[%swap3A_1165] {strides = array<i32>} : memref<224xi32, #tpu.memory_space<vmem>>, vector<16xi32>,
      %swap3A_1167 = vector.shape_cast %swap3A_1166 : vector<16xi32> to vector<16xi32>
      %swap3A_1168 = vector.shape_cast %add3A_1164 : vector<16xi32> to vector<16xi32>
      tpu.vector_store %arg10[%swap3A_1165], %swap3A_1168 {strides = array<i32>} : memref<224xi32, #tpu.memory_space<vmem>>, vector<16xi32>,
      %ge3A_1169 = arith.constant 1 : i32
      %ge3A_1170 = arith.cmpi sge, %add3A_790, %ge3A_1169 : i32
      %convert_element_type3A_1171 = arith.extui %ge3A_1170 : i1 to i32
      %cond3A_1172 = arith.constant 0 : i32
      %cond3A_1173 = arith.cmpi ne, %convert_element_type3A_1171, %cond3A_1172 : i32
      scf.if %cond3A_1173 {
        %add3A_1478 = arith.constant 0 : i32
        %add3A_1479 = arith.addi %mul3A_4, %add3A_1478 : i32
        %add3A_1480 = arith.constant 0 : i32
        %add3A_1481 = arith.addi %add3A_1479, %add3A_1480 : i32
        %dma_wait3A_1482 = arith.constant 1 : i32
        %dma_wait3A_1483 = arith.constant 0 : i32
        %dma_wait3A_1484 = arith.constant 0 : i32
        %dma_wait3A_1485 = arith.constant 0 : i32
        %dma_wait3A_1486 = tpu.memref_slice %arg11[%dma_wait3A_1484, %dma_wait3A_1485] : memref<224x128xf32, #tpu.memory_space<vmem>> -> memref<50x128xf32, #tpu.memory_space<vmem>>
        %dma_wait3A_1487 = arith.constant 0 : i32
        %dma_wait3A_1488 = arith.constant 0 : i32
        %dma_wait3A_1489 = tpu.memref_slice %arg6[%dma_wait3A_1487, %dma_wait3A_1482, %add3A_1481, %dma_wait3A_1488] : memref<50x2x4096x128xf32, #tpu.memory_space<hbm>> -> memref<50x1x1x128xf32, #tpu.memory_space<hbm>>
        %dma_wait3A_1490 = tpu.memref_squeeze %dma_wait3A_1489 : memref<50x1x1x128xf32, #tpu.memory_space<hbm>> -> memref<50x128xf32, #tpu.memory_space<hbm>>
        %dma_wait3A_1491 = tpu.memref_slice %arg16[%dma_wait3A_1483] : memref<2x!tpu.dma_semaphore, #tpu.memory_space<semaphore_mem>> -> memref<1x!tpu.dma_semaphore, #tpu.memory_space<semaphore_mem>>
        %dma_wait3A_1492 = tpu.memref_squeeze %dma_wait3A_1491 : memref<1x!tpu.dma_semaphore, #tpu.memory_space<semaphore_mem>> -> memref<!tpu.dma_semaphore, #tpu.memory_space<semaphore_mem>>
        %dma_wait3A_1493 = arith.constant 0 : i32
        %dma_wait3A_1494 = arith.constant 0 : i32
        %dma_wait3A_1495 = tpu.memref_slice %arg6[%dma_wait3A_1493, %dma_wait3A_1482, %add3A_1481, %dma_wait3A_1494] : memref<50x2x4096x128xf32, #tpu.memory_space<hbm>> -> memref<50x1x1x128xf32, #tpu.memory_space<hbm>>
        %dma_wait3A_1496 = tpu.memref_squeeze %dma_wait3A_1495 : memref<50x1x1x128xf32, #tpu.memory_space<hbm>> -> memref<50x128xf32, #tpu.memory_space<hbm>>
        %dma_wait3A_1497 = arith.constant 0 : i32
        %dma_wait3A_1498 = arith.constant 0 : i32
        %dma_wait3A_1499 = tpu.memref_slice %arg11[%dma_wait3A_1497, %dma_wait3A_1498] : memref<224x128xf32, #tpu.memory_space<vmem>> -> memref<50x128xf32, #tpu.memory_space<vmem>>
        tpu.wait_dma2 semaphore(%dma_wait3A_1492 : memref<!tpu.dma_semaphore, #tpu.memory_space<semaphore_mem>>) src(%dma_wait3A_1499 : memref<50x128xf32, #tpu.memory_space<vmem>>) dst(%dma_wait3A_1496 : memref<50x128xf32, #tpu.memory_space<hbm>>)
        %add3A_1500 = arith.constant 0 : i32
        %add3A_1501 = arith.addi %mul3A_4, %add3A_1500 : i32
        %add3A_1502 = arith.constant 1 : i32
        %add3A_1503 = arith.addi %add3A_1501, %add3A_1502 : i32
        %dma_wait3A_1504 = arith.constant 1 : i32
        %dma_wait3A_1505 = arith.constant 0 : i32
        %dma_wait3A_1506 = arith.constant 56 : i32
        %dma_wait3A_1507 = arith.constant 0 : i32
        %dma_wait3A_1508 = tpu.memref_slice %arg11[%dma_wait3A_1506, %dma_wait3A_1507] : memref<224x128xf32, #tpu.memory_space<vmem>> -> memref<50x128xf32, #tpu.memory_space<vmem>>
        %dma_wait3A_1509 = arith.constant 0 : i32
        %dma_wait3A_1510 = arith.constant 0 : i32
        %dma_wait3A_1511 = tpu.memref_slice %arg6[%dma_wait3A_1509, %dma_wait3A_1504, %add3A_1503, %dma_wait3A_1510] : memref<50x2x4096x128xf32, #tpu.memory_space<hbm>> -> memref<50x1x1x128xf32, #tpu.memory_space<hbm>>
        %dma_wait3A_1512 = tpu.memref_squeeze %dma_wait3A_1511 : memref<50x1x1x128xf32, #tpu.memory_space<hbm>> -> memref<50x128xf32, #tpu.memory_space<hbm>>
        %dma_wait3A_1513 = tpu.memref_slice %arg16[%dma_wait3A_1505] : memref<2x!tpu.dma_semaphore, #tpu.memory_space<semaphore_mem>> -> memref<1x!tpu.dma_semaphore, #tpu.memory_space<semaphore_mem>>
        %dma_wait3A_1514 = tpu.memref_squeeze %dma_wait3A_1513 : memref<1x!tpu.dma_semaphore, #tpu.memory_space<semaphore_mem>> -> memref<!tpu.dma_semaphore, #tpu.memory_space<semaphore_mem>>
        %dma_wait3A_1515 = arith.constant 0 : i32
        %dma_wait3A_1516 = arith.constant 0 : i32
        %dma_wait3A_1517 = tpu.memref_slice %arg6[%dma_wait3A_1515, %dma_wait3A_1504, %add3A_1503, %dma_wait3A_1516] : memref<50x2x4096x128xf32, #tpu.memory_space<hbm>> -> memref<50x1x1x128xf32, #tpu.memory_space<hbm>>
        %dma_wait3A_1518 = tpu.memref_squeeze %dma_wait3A_1517 : memref<50x1x1x128xf32, #tpu.memory_space<hbm>> -> memref<50x128xf32, #tpu.memory_space<hbm>>
        %dma_wait3A_1519 = arith.constant 56 : i32
        %dma_wait3A_1520 = arith.constant 0 : i32
        %dma_wait3A_1521 = tpu.memref_slice %arg11[%dma_wait3A_1519, %dma_wait3A_1520] : memref<224x128xf32, #tpu.memory_space<vmem>> -> memref<50x128xf32, #tpu.memory_space<vmem>>
        tpu.wait_dma2 semaphore(%dma_wait3A_1514 : memref<!tpu.dma_semaphore, #tpu.memory_space<semaphore_mem>>) src(%dma_wait3A_1521 : memref<50x128xf32, #tpu.memory_space<vmem>>) dst(%dma_wait3A_1518 : memref<50x128xf32, #tpu.memory_space<hbm>>)
        %add3A_1522 = arith.constant 0 : i32
        %add3A_1523 = arith.addi %mul3A_4, %add3A_1522 : i32
        %add3A_1524 = arith.constant 2 : i32
        %add3A_1525 = arith.addi %add3A_1523, %add3A_1524 : i32
        %dma_wait3A_1526 = arith.constant 1 : i32
        %dma_wait3A_1527 = arith.constant 0 : i32
        %dma_wait3A_1528 = arith.constant 112 : i32
        %dma_wait3A_1529 = arith.constant 0 : i32
        %dma_wait3A_1530 = tpu.memref_slice %arg11[%dma_wait3A_1528, %dma_wait3A_1529] : memref<224x128xf32, #tpu.memory_space<vmem>> -> memref<50x128xf32, #tpu.memory_space<vmem>>
        %dma_wait3A_1531 = arith.constant 0 : i32
        %dma_wait3A_1532 = arith.constant 0 : i32
        %dma_wait3A_1533 = tpu.memref_slice %arg6[%dma_wait3A_1531, %dma_wait3A_1526, %add3A_1525, %dma_wait3A_1532] : memref<50x2x4096x128xf32, #tpu.memory_space<hbm>> -> memref<50x1x1x128xf32, #tpu.memory_space<hbm>>
        %dma_wait3A_1534 = tpu.memref_squeeze %dma_wait3A_1533 : memref<50x1x1x128xf32, #tpu.memory_space<hbm>> -> memref<50x128xf32, #tpu.memory_space<hbm>>
        %dma_wait3A_1535 = tpu.memref_slice %arg16[%dma_wait3A_1527] : memref<2x!tpu.dma_semaphore, #tpu.memory_space<semaphore_mem>> -> memref<1x!tpu.dma_semaphore, #tpu.memory_space<semaphore_mem>>
        %dma_wait3A_1536 = tpu.memref_squeeze %dma_wait3A_1535 : memref<1x!tpu.dma_semaphore, #tpu.memory_space<semaphore_mem>> -> memref<!tpu.dma_semaphore, #tpu.memory_space<semaphore_mem>>
        %dma_wait3A_1537 = arith.constant 0 : i32
        %dma_wait3A_1538 = arith.constant 0 : i32
        %dma_wait3A_1539 = tpu.memref_slice %arg6[%dma_wait3A_1537, %dma_wait3A_1526, %add3A_1525, %dma_wait3A_1538] : memref<50x2x4096x128xf32, #tpu.memory_space<hbm>> -> memref<50x1x1x128xf32, #tpu.memory_space<hbm>>
        %dma_wait3A_1540 = tpu.memref_squeeze %dma_wait3A_1539 : memref<50x1x1x128xf32, #tpu.memory_space<hbm>> -> memref<50x128xf32, #tpu.memory_space<hbm>>
        %dma_wait3A_1541 = arith.constant 112 : i32
        %dma_wait3A_1542 = arith.constant 0 : i32
        %dma_wait3A_1543 = tpu.memref_slice %arg11[%dma_wait3A_1541, %dma_wait3A_1542] : memref<224x128xf32, #tpu.memory_space<vmem>> -> memref<50x128xf32, #tpu.memory_space<vmem>>
        tpu.wait_dma2 semaphore(%dma_wait3A_1536 : memref<!tpu.dma_semaphore, #tpu.memory_space<semaphore_mem>>) src(%dma_wait3A_1543 : memref<50x128xf32, #tpu.memory_space<vmem>>) dst(%dma_wait3A_1540 : memref<50x128xf32, #tpu.memory_space<hbm>>)
        %add3A_1544 = arith.constant 0 : i32
        %add3A_1545 = arith.addi %mul3A_4, %add3A_1544 : i32
        %add3A_1546 = arith.constant 3 : i32
        %add3A_1547 = arith.addi %add3A_1545, %add3A_1546 : i32
        %dma_wait3A_1548 = arith.constant 1 : i32
        %dma_wait3A_1549 = arith.constant 0 : i32
        %dma_wait3A_1550 = arith.constant 168 : i32
        %dma_wait3A_1551 = arith.constant 0 : i32
        %dma_wait3A_1552 = tpu.memref_slice %arg11[%dma_wait3A_1550, %dma_wait3A_1551] : memref<224x128xf32, #tpu.memory_space<vmem>> -> memref<50x128xf32, #tpu.memory_space<vmem>>
        %dma_wait3A_1553 = arith.constant 0 : i32
        %dma_wait3A_1554 = arith.constant 0 : i32
        %dma_wait3A_1555 = tpu.memref_slice %arg6[%dma_wait3A_1553, %dma_wait3A_1548, %add3A_1547, %dma_wait3A_1554] : memref<50x2x4096x128xf32, #tpu.memory_space<hbm>> -> memref<50x1x1x128xf32, #tpu.memory_space<hbm>>
        %dma_wait3A_1556 = tpu.memref_squeeze %dma_wait3A_1555 : memref<50x1x1x128xf32, #tpu.memory_space<hbm>> -> memref<50x128xf32, #tpu.memory_space<hbm>>
        %dma_wait3A_1557 = tpu.memref_slice %arg16[%dma_wait3A_1549] : memref<2x!tpu.dma_semaphore, #tpu.memory_space<semaphore_mem>> -> memref<1x!tpu.dma_semaphore, #tpu.memory_space<semaphore_mem>>
        %dma_wait3A_1558 = tpu.memref_squeeze %dma_wait3A_1557 : memref<1x!tpu.dma_semaphore, #tpu.memory_space<semaphore_mem>> -> memref<!tpu.dma_semaphore, #tpu.memory_space<semaphore_mem>>
        %dma_wait3A_1559 = arith.constant 0 : i32
        %dma_wait3A_1560 = arith.constant 0 : i32
        %dma_wait3A_1561 = tpu.memref_slice %arg6[%dma_wait3A_1559, %dma_wait3A_1548, %add3A_1547, %dma_wait3A_1560] : memref<50x2x4096x128xf32, #tpu.memory_space<hbm>> -> memref<50x1x1x128xf32, #tpu.memory_space<hbm>>
        %dma_wait3A_1562 = tpu.memref_squeeze %dma_wait3A_1561 : memref<50x1x1x128xf32, #tpu.memory_space<hbm>> -> memref<50x128xf32, #tpu.memory_space<hbm>>
        %dma_wait3A_1563 = arith.constant 168 : i32
        %dma_wait3A_1564 = arith.constant 0 : i32
        %dma_wait3A_1565 = tpu.memref_slice %arg11[%dma_wait3A_1563, %dma_wait3A_1564] : memref<224x128xf32, #tpu.memory_space<vmem>> -> memref<50x128xf32, #tpu.memory_space<vmem>>
        tpu.wait_dma2 semaphore(%dma_wait3A_1558 : memref<!tpu.dma_semaphore, #tpu.memory_space<semaphore_mem>>) src(%dma_wait3A_1565 : memref<50x128xf32, #tpu.memory_space<vmem>>) dst(%dma_wait3A_1562 : memref<50x128xf32, #tpu.memory_space<hbm>>)
      } else {
      }
      %add3A_1174 = arith.constant 1 : i32
      %add3A_1175 = arith.addi %add3A_790, %add3A_1174 : i32
      %lt3A_1176 = arith.constant 32 : i32
      %lt3A_1177 = arith.cmpi slt, %add3A_1175, %lt3A_1176 : i32
      %convert_element_type3A_1178 = arith.extui %lt3A_1177 : i1 to i32
      %cond3A_1179 = arith.constant 0 : i32
      %cond3A_1180 = arith.cmpi ne, %convert_element_type3A_1178, %cond3A_1179 : i32
      scf.if %cond3A_1180 {
        %add3A_1478 = arith.constant 1 : i32
        %add3A_1479 = arith.addi %add3A_790, %add3A_1478 : i32
        %mul3A_1480 = arith.constant 224 : i32
        %mul3A_1481 = arith.muli %add3A_1479, %mul3A_1480 : i32
        %dma_start3A_1482 = arith.constant 0 : i32
        %dma_start3A_1483 = tpu.memref_slice %arg7[%mul3A_1481] : memref<7168xi32, #tpu.memory_space<vmem>> -> memref<224xi32, #tpu.memory_space<vmem>>
        %dma_start3A_1484 = arith.constant 0 : i32
        %dma_start3A_1485 = arith.constant 0 : i32
        %dma_start3A_1486 = tpu.memref_slice %arg4[%dma_start3A_1484, %dma_start3A_1485] : memref<100001x128xf32, #tpu.memory_space<hbm>> -> memref<100001x128xf32, #tpu.memory_space<hbm>>
        %dma_start3A_1487 = tpu.memref_slice %arg13[%dma_start3A_1482] : memref<2x!tpu.dma_semaphore, #tpu.memory_space<semaphore_mem>> -> memref<1x!tpu.dma_semaphore, #tpu.memory_space<semaphore_mem>>
        %dma_start3A_1488 = tpu.memref_squeeze %dma_start3A_1487 : memref<1x!tpu.dma_semaphore, #tpu.memory_space<semaphore_mem>> -> memref<!tpu.dma_semaphore, #tpu.memory_space<semaphore_mem>>
        tpu.enqueue_indirect_dma source(%dma_start3A_1486 : memref<100001x128xf32, #tpu.memory_space<hbm>>) target(%arg11 : memref<224x128xf32, #tpu.memory_space<vmem>>) offsets(%dma_start3A_1483 : memref<224xi32, #tpu.memory_space<vmem>>) semaphore(%dma_start3A_1488 : memref<!tpu.dma_semaphore, #tpu.memory_space<semaphore_mem>>)
      } else {
      }
      %mul3A_1181 = arith.constant 224 : i32
      %mul3A_1182 = arith.muli %add3A_790, %mul3A_1181 : i32
      %dma_wait3A_1183 = arith.constant 1 : i32
      %dma_wait3A_1184 = tpu.memref_slice %arg7[%mul3A_1182] : memref<7168xi32, #tpu.memory_space<vmem>> -> memref<224xi32, #tpu.memory_space<vmem>>
      %dma_wait3A_1185 = arith.constant 0 : i32
      %dma_wait3A_1186 = arith.constant 0 : i32
      %dma_wait3A_1187 = tpu.memref_slice %arg4[%dma_wait3A_1185, %dma_wait3A_1186] : memref<100001x128xf32, #tpu.memory_space<hbm>> -> memref<100001x128xf32, #tpu.memory_space<hbm>>
      %dma_wait3A_1188 = tpu.memref_slice %arg13[%dma_wait3A_1183] : memref<2x!tpu.dma_semaphore, #tpu.memory_space<semaphore_mem>> -> memref<1x!tpu.dma_semaphore, #tpu.memory_space<semaphore_mem>>
      %dma_wait3A_1189 = tpu.memref_squeeze %dma_wait3A_1188 : memref<1x!tpu.dma_semaphore, #tpu.memory_space<semaphore_mem>> -> memref<!tpu.dma_semaphore, #tpu.memory_space<semaphore_mem>>
      tpu.wait_indirect_dma semaphore(%dma_wait3A_1189 : memref<!tpu.dma_semaphore, #tpu.memory_space<semaphore_mem>>) src(%dma_wait3A_1187 : memref<100001x128xf32, #tpu.memory_space<hbm>>) dst(%arg12 : memref<224x128xf32, #tpu.memory_space<vmem>>)
      %mul3A_1190 = arith.constant 4 : i32
      %mul3A_1191 = arith.muli %add3A_790, %mul3A_1190 : i32
      %add3A_1192 = arith.addi %mul3A_4, %mul3A_1191 : i32
      %add3A_1193 = arith.constant 0 : i32
      %add3A_1194 = arith.addi %add3A_1192, %add3A_1193 : i32
      %dma_start3A_1195 = arith.constant 0 : i32
      %dma_start3A_1196 = arith.constant 1 : i32
      %dma_start3A_1197 = arith.constant 0 : i32
      %dma_start3A_1198 = arith.constant 0 : i32
      %dma_start3A_1199 = tpu.memref_slice %arg12[%dma_start3A_1197, %dma_start3A_1198] : memref<224x128xf32, #tpu.memory_space<vmem>> -> memref<50x128xf32, #tpu.memory_space<vmem>>
      %dma_start3A_1200 = arith.constant 0 : i32
      %dma_start3A_1201 = arith.constant 0 : i32
      %dma_start3A_1202 = tpu.memref_slice %arg6[%dma_start3A_1200, %dma_start3A_1195, %add3A_1194, %dma_start3A_1201] : memref<50x2x4096x128xf32, #tpu.memory_space<hbm>> -> memref<50x1x1x128xf32, #tpu.memory_space<hbm>>
      %dma_start3A_1203 = tpu.memref_squeeze %dma_start3A_1202 : memref<50x1x1x128xf32, #tpu.memory_space<hbm>> -> memref<50x128xf32, #tpu.memory_space<hbm>>
      %dma_start3A_1204 = tpu.memref_slice %arg14[%dma_start3A_1196] : memref<2x!tpu.dma_semaphore, #tpu.memory_space<semaphore_mem>> -> memref<1x!tpu.dma_semaphore, #tpu.memory_space<semaphore_mem>>
      %dma_start3A_1205 = tpu.memref_squeeze %dma_start3A_1204 : memref<1x!tpu.dma_semaphore, #tpu.memory_space<semaphore_mem>> -> memref<!tpu.dma_semaphore, #tpu.memory_space<semaphore_mem>>
      %dma_start3A_1206 = arith.constant 0 : i32
      %dma_start3A_1207 = arith.constant 0 : i32
      %dma_start3A_1208 = tpu.memref_slice %arg6[%dma_start3A_1206, %dma_start3A_1195, %add3A_1194, %dma_start3A_1207] : memref<50x2x4096x128xf32, #tpu.memory_space<hbm>> -> memref<50x1x1x128xf32, #tpu.memory_space<hbm>>
      %dma_start3A_1209 = tpu.memref_squeeze %dma_start3A_1208 : memref<50x1x1x128xf32, #tpu.memory_space<hbm>> -> memref<50x128xf32, #tpu.memory_space<hbm>>
      %dma_start3A_1210 = arith.constant 0 : i32
      %dma_start3A_1211 = arith.constant 0 : i32
      %dma_start3A_1212 = tpu.memref_slice %arg12[%dma_start3A_1210, %dma_start3A_1211] : memref<224x128xf32, #tpu.memory_space<vmem>> -> memref<50x128xf32, #tpu.memory_space<vmem>>
      tpu.enqueue_dma source(%dma_start3A_1212 : memref<50x128xf32, #tpu.memory_space<vmem>>) target(%dma_start3A_1209 : memref<50x128xf32, #tpu.memory_space<hbm>>) target_semaphore(%dma_start3A_1205 : memref<!tpu.dma_semaphore, #tpu.memory_space<semaphore_mem>>)
      %mul3A_1213 = arith.constant 4 : i32
      %mul3A_1214 = arith.muli %add3A_790, %mul3A_1213 : i32
      %add3A_1215 = arith.addi %mul3A_4, %mul3A_1214 : i32
      %add3A_1216 = arith.constant 1 : i32
      %add3A_1217 = arith.addi %add3A_1215, %add3A_1216 : i32
      %dma_start3A_1218 = arith.constant 0 : i32
      %dma_start3A_1219 = arith.constant 1 : i32
      %dma_start3A_1220 = arith.constant 56 : i32
      %dma_start3A_1221 = arith.constant 0 : i32
      %dma_start3A_1222 = tpu.memref_slice %arg12[%dma_start3A_1220, %dma_start3A_1221] : memref<224x128xf32, #tpu.memory_space<vmem>> -> memref<50x128xf32, #tpu.memory_space<vmem>>
      %dma_start3A_1223 = arith.constant 0 : i32
      %dma_start3A_1224 = arith.constant 0 : i32
      %dma_start3A_1225 = tpu.memref_slice %arg6[%dma_start3A_1223, %dma_start3A_1218, %add3A_1217, %dma_start3A_1224] : memref<50x2x4096x128xf32, #tpu.memory_space<hbm>> -> memref<50x1x1x128xf32, #tpu.memory_space<hbm>>
      %dma_start3A_1226 = tpu.memref_squeeze %dma_start3A_1225 : memref<50x1x1x128xf32, #tpu.memory_space<hbm>> -> memref<50x128xf32, #tpu.memory_space<hbm>>
      %dma_start3A_1227 = tpu.memref_slice %arg14[%dma_start3A_1219] : memref<2x!tpu.dma_semaphore, #tpu.memory_space<semaphore_mem>> -> memref<1x!tpu.dma_semaphore, #tpu.memory_space<semaphore_mem>>
      %dma_start3A_1228 = tpu.memref_squeeze %dma_start3A_1227 : memref<1x!tpu.dma_semaphore, #tpu.memory_space<semaphore_mem>> -> memref<!tpu.dma_semaphore, #tpu.memory_space<semaphore_mem>>
      %dma_start3A_1229 = arith.constant 0 : i32
      %dma_start3A_1230 = arith.constant 0 : i32
      %dma_start3A_1231 = tpu.memref_slice %arg6[%dma_start3A_1229, %dma_start3A_1218, %add3A_1217, %dma_start3A_1230] : memref<50x2x4096x128xf32, #tpu.memory_space<hbm>> -> memref<50x1x1x128xf32, #tpu.memory_space<hbm>>
      %dma_start3A_1232 = tpu.memref_squeeze %dma_start3A_1231 : memref<50x1x1x128xf32, #tpu.memory_space<hbm>> -> memref<50x128xf32, #tpu.memory_space<hbm>>
      %dma_start3A_1233 = arith.constant 56 : i32
      %dma_start3A_1234 = arith.constant 0 : i32
      %dma_start3A_1235 = tpu.memref_slice %arg12[%dma_start3A_1233, %dma_start3A_1234] : memref<224x128xf32, #tpu.memory_space<vmem>> -> memref<50x128xf32, #tpu.memory_space<vmem>>
      tpu.enqueue_dma source(%dma_start3A_1235 : memref<50x128xf32, #tpu.memory_space<vmem>>) target(%dma_start3A_1232 : memref<50x128xf32, #tpu.memory_space<hbm>>) target_semaphore(%dma_start3A_1228 : memref<!tpu.dma_semaphore, #tpu.memory_space<semaphore_mem>>)
      %mul3A_1236 = arith.constant 4 : i32
      %mul3A_1237 = arith.muli %add3A_790, %mul3A_1236 : i32
      %add3A_1238 = arith.addi %mul3A_4, %mul3A_1237 : i32
      %add3A_1239 = arith.constant 2 : i32
      %add3A_1240 = arith.addi %add3A_1238, %add3A_1239 : i32
      %dma_start3A_1241 = arith.constant 0 : i32
      %dma_start3A_1242 = arith.constant 1 : i32
      %dma_start3A_1243 = arith.constant 112 : i32
      %dma_start3A_1244 = arith.constant 0 : i32
      %dma_start3A_1245 = tpu.memref_slice %arg12[%dma_start3A_1243, %dma_start3A_1244] : memref<224x128xf32, #tpu.memory_space<vmem>> -> memref<50x128xf32, #tpu.memory_space<vmem>>
      %dma_start3A_1246 = arith.constant 0 : i32
      %dma_start3A_1247 = arith.constant 0 : i32
      %dma_start3A_1248 = tpu.memref_slice %arg6[%dma_start3A_1246, %dma_start3A_1241, %add3A_1240, %dma_start3A_1247] : memref<50x2x4096x128xf32, #tpu.memory_space<hbm>> -> memref<50x1x1x128xf32, #tpu.memory_space<hbm>>
      %dma_start3A_1249 = tpu.memref_squeeze %dma_start3A_1248 : memref<50x1x1x128xf32, #tpu.memory_space<hbm>> -> memref<50x128xf32, #tpu.memory_space<hbm>>
      %dma_start3A_1250 = tpu.memref_slice %arg14[%dma_start3A_1242] : memref<2x!tpu.dma_semaphore, #tpu.memory_space<semaphore_mem>> -> memref<1x!tpu.dma_semaphore, #tpu.memory_space<semaphore_mem>>
      %dma_start3A_1251 = tpu.memref_squeeze %dma_start3A_1250 : memref<1x!tpu.dma_semaphore, #tpu.memory_space<semaphore_mem>> -> memref<!tpu.dma_semaphore, #tpu.memory_space<semaphore_mem>>
      %dma_start3A_1252 = arith.constant 0 : i32
      %dma_start3A_1253 = arith.constant 0 : i32
      %dma_start3A_1254 = tpu.memref_slice %arg6[%dma_start3A_1252, %dma_start3A_1241, %add3A_1240, %dma_start3A_1253] : memref<50x2x4096x128xf32, #tpu.memory_space<hbm>> -> memref<50x1x1x128xf32, #tpu.memory_space<hbm>>
      %dma_start3A_1255 = tpu.memref_squeeze %dma_start3A_1254 : memref<50x1x1x128xf32, #tpu.memory_space<hbm>> -> memref<50x128xf32, #tpu.memory_space<hbm>>
      %dma_start3A_1256 = arith.constant 112 : i32
      %dma_start3A_1257 = arith.constant 0 : i32
      %dma_start3A_1258 = tpu.memref_slice %arg12[%dma_start3A_1256, %dma_start3A_1257] : memref<224x128xf32, #tpu.memory_space<vmem>> -> memref<50x128xf32, #tpu.memory_space<vmem>>
      tpu.enqueue_dma source(%dma_start3A_1258 : memref<50x128xf32, #tpu.memory_space<vmem>>) target(%dma_start3A_1255 : memref<50x128xf32, #tpu.memory_space<hbm>>) target_semaphore(%dma_start3A_1251 : memref<!tpu.dma_semaphore, #tpu.memory_space<semaphore_mem>>)
      %mul3A_1259 = arith.constant 4 : i32
      %mul3A_1260 = arith.muli %add3A_790, %mul3A_1259 : i32
      %add3A_1261 = arith.addi %mul3A_4, %mul3A_1260 : i32
      %add3A_1262 = arith.constant 3 : i32
      %add3A_1263 = arith.addi %add3A_1261, %add3A_1262 : i32
      %dma_start3A_1264 = arith.constant 0 : i32
      %dma_start3A_1265 = arith.constant 1 : i32
      %dma_start3A_1266 = arith.constant 168 : i32
      %dma_start3A_1267 = arith.constant 0 : i32
      %dma_start3A_1268 = tpu.memref_slice %arg12[%dma_start3A_1266, %dma_start3A_1267] : memref<224x128xf32, #tpu.memory_space<vmem>> -> memref<50x128xf32, #tpu.memory_space<vmem>>
      %dma_start3A_1269 = arith.constant 0 : i32
      %dma_start3A_1270 = arith.constant 0 : i32
      %dma_start3A_1271 = tpu.memref_slice %arg6[%dma_start3A_1269, %dma_start3A_1264, %add3A_1263, %dma_start3A_1270] : memref<50x2x4096x128xf32, #tpu.memory_space<hbm>> -> memref<50x1x1x128xf32, #tpu.memory_space<hbm>>
      %dma_start3A_1272 = tpu.memref_squeeze %dma_start3A_1271 : memref<50x1x1x128xf32, #tpu.memory_space<hbm>> -> memref<50x128xf32, #tpu.memory_space<hbm>>
      %dma_start3A_1273 = tpu.memref_slice %arg14[%dma_start3A_1265] : memref<2x!tpu.dma_semaphore, #tpu.memory_space<semaphore_mem>> -> memref<1x!tpu.dma_semaphore, #tpu.memory_space<semaphore_mem>>
      %dma_start3A_1274 = tpu.memref_squeeze %dma_start3A_1273 : memref<1x!tpu.dma_semaphore, #tpu.memory_space<semaphore_mem>> -> memref<!tpu.dma_semaphore, #tpu.memory_space<semaphore_mem>>
      %dma_start3A_1275 = arith.constant 0 : i32
      %dma_start3A_1276 = arith.constant 0 : i32
      %dma_start3A_1277 = tpu.memref_slice %arg6[%dma_start3A_1275, %dma_start3A_1264, %add3A_1263, %dma_start3A_1276] : memref<50x2x4096x128xf32, #tpu.memory_space<hbm>> -> memref<50x1x1x128xf32, #tpu.memory_space<hbm>>
      %dma_start3A_1278 = tpu.memref_squeeze %dma_start3A_1277 : memref<50x1x1x128xf32, #tpu.memory_space<hbm>> -> memref<50x128xf32, #tpu.memory_space<hbm>>
      %dma_start3A_1279 = arith.constant 168 : i32
      %dma_start3A_1280 = arith.constant 0 : i32
      %dma_start3A_1281 = tpu.memref_slice %arg12[%dma_start3A_1279, %dma_start3A_1280] : memref<224x128xf32, #tpu.memory_space<vmem>> -> memref<50x128xf32, #tpu.memory_space<vmem>>
      tpu.enqueue_dma source(%dma_start3A_1281 : memref<50x128xf32, #tpu.memory_space<vmem>>) target(%dma_start3A_1278 : memref<50x128xf32, #tpu.memory_space<hbm>>) target_semaphore(%dma_start3A_1274 : memref<!tpu.dma_semaphore, #tpu.memory_space<semaphore_mem>>)
      %mul3A_1282 = arith.constant 4 : i32
      %mul3A_1283 = arith.muli %add3A_790, %mul3A_1282 : i32
      %add3A_1284 = arith.addi %mul3A_4, %mul3A_1283 : i32
      %add3A_1285 = arith.constant 0 : i32
      %add3A_1286 = arith.addi %add3A_1284, %add3A_1285 : i32
      %dma_wait3A_1287 = arith.constant 0 : i32
      %dma_wait3A_1288 = arith.constant 1 : i32
      %dma_wait3A_1289 = arith.constant 0 : i32
      %dma_wait3A_1290 = arith.constant 0 : i32
      %dma_wait3A_1291 = tpu.memref_slice %arg12[%dma_wait3A_1289, %dma_wait3A_1290] : memref<224x128xf32, #tpu.memory_space<vmem>> -> memref<50x128xf32, #tpu.memory_space<vmem>>
      %dma_wait3A_1292 = arith.constant 0 : i32
      %dma_wait3A_1293 = arith.constant 0 : i32
      %dma_wait3A_1294 = tpu.memref_slice %arg6[%dma_wait3A_1292, %dma_wait3A_1287, %add3A_1286, %dma_wait3A_1293] : memref<50x2x4096x128xf32, #tpu.memory_space<hbm>> -> memref<50x1x1x128xf32, #tpu.memory_space<hbm>>
      %dma_wait3A_1295 = tpu.memref_squeeze %dma_wait3A_1294 : memref<50x1x1x128xf32, #tpu.memory_space<hbm>> -> memref<50x128xf32, #tpu.memory_space<hbm>>
      %dma_wait3A_1296 = tpu.memref_slice %arg14[%dma_wait3A_1288] : memref<2x!tpu.dma_semaphore, #tpu.memory_space<semaphore_mem>> -> memref<1x!tpu.dma_semaphore, #tpu.memory_space<semaphore_mem>>
      %dma_wait3A_1297 = tpu.memref_squeeze %dma_wait3A_1296 : memref<1x!tpu.dma_semaphore, #tpu.memory_space<semaphore_mem>> -> memref<!tpu.dma_semaphore, #tpu.memory_space<semaphore_mem>>
      %dma_wait3A_1298 = arith.constant 0 : i32
      %dma_wait3A_1299 = arith.constant 0 : i32
      %dma_wait3A_1300 = tpu.memref_slice %arg6[%dma_wait3A_1298, %dma_wait3A_1287, %add3A_1286, %dma_wait3A_1299] : memref<50x2x4096x128xf32, #tpu.memory_space<hbm>> -> memref<50x1x1x128xf32, #tpu.memory_space<hbm>>
      %dma_wait3A_1301 = tpu.memref_squeeze %dma_wait3A_1300 : memref<50x1x1x128xf32, #tpu.memory_space<hbm>> -> memref<50x128xf32, #tpu.memory_space<hbm>>
      %dma_wait3A_1302 = arith.constant 0 : i32
      %dma_wait3A_1303 = arith.constant 0 : i32
      %dma_wait3A_1304 = tpu.memref_slice %arg12[%dma_wait3A_1302, %dma_wait3A_1303] : memref<224x128xf32, #tpu.memory_space<vmem>> -> memref<50x128xf32, #tpu.memory_space<vmem>>
      tpu.wait_dma2 semaphore(%dma_wait3A_1297 : memref<!tpu.dma_semaphore, #tpu.memory_space<semaphore_mem>>) src(%dma_wait3A_1304 : memref<50x128xf32, #tpu.memory_space<vmem>>) dst(%dma_wait3A_1301 : memref<50x128xf32, #tpu.memory_space<hbm>>)
      %mul3A_1305 = arith.constant 4 : i32
      %mul3A_1306 = arith.muli %add3A_790, %mul3A_1305 : i32
      %add3A_1307 = arith.addi %mul3A_4, %mul3A_1306 : i32
      %add3A_1308 = arith.constant 1 : i32
      %add3A_1309 = arith.addi %add3A_1307, %add3A_1308 : i32
      %dma_wait3A_1310 = arith.constant 0 : i32
      %dma_wait3A_1311 = arith.constant 1 : i32
      %dma_wait3A_1312 = arith.constant 56 : i32
      %dma_wait3A_1313 = arith.constant 0 : i32
      %dma_wait3A_1314 = tpu.memref_slice %arg12[%dma_wait3A_1312, %dma_wait3A_1313] : memref<224x128xf32, #tpu.memory_space<vmem>> -> memref<50x128xf32, #tpu.memory_space<vmem>>
      %dma_wait3A_1315 = arith.constant 0 : i32
      %dma_wait3A_1316 = arith.constant 0 : i32
      %dma_wait3A_1317 = tpu.memref_slice %arg6[%dma_wait3A_1315, %dma_wait3A_1310, %add3A_1309, %dma_wait3A_1316] : memref<50x2x4096x128xf32, #tpu.memory_space<hbm>> -> memref<50x1x1x128xf32, #tpu.memory_space<hbm>>
      %dma_wait3A_1318 = tpu.memref_squeeze %dma_wait3A_1317 : memref<50x1x1x128xf32, #tpu.memory_space<hbm>> -> memref<50x128xf32, #tpu.memory_space<hbm>>
      %dma_wait3A_1319 = tpu.memref_slice %arg14[%dma_wait3A_1311] : memref<2x!tpu.dma_semaphore, #tpu.memory_space<semaphore_mem>> -> memref<1x!tpu.dma_semaphore, #tpu.memory_space<semaphore_mem>>
      %dma_wait3A_1320 = tpu.memref_squeeze %dma_wait3A_1319 : memref<1x!tpu.dma_semaphore, #tpu.memory_space<semaphore_mem>> -> memref<!tpu.dma_semaphore, #tpu.memory_space<semaphore_mem>>
      %dma_wait3A_1321 = arith.constant 0 : i32
      %dma_wait3A_1322 = arith.constant 0 : i32
      %dma_wait3A_1323 = tpu.memref_slice %arg6[%dma_wait3A_1321, %dma_wait3A_1310, %add3A_1309, %dma_wait3A_1322] : memref<50x2x4096x128xf32, #tpu.memory_space<hbm>> -> memref<50x1x1x128xf32, #tpu.memory_space<hbm>>
      %dma_wait3A_1324 = tpu.memref_squeeze %dma_wait3A_1323 : memref<50x1x1x128xf32, #tpu.memory_space<hbm>> -> memref<50x128xf32, #tpu.memory_space<hbm>>
      %dma_wait3A_1325 = arith.constant 56 : i32
      %dma_wait3A_1326 = arith.constant 0 : i32
      %dma_wait3A_1327 = tpu.memref_slice %arg12[%dma_wait3A_1325, %dma_wait3A_1326] : memref<224x128xf32, #tpu.memory_space<vmem>> -> memref<50x128xf32, #tpu.memory_space<vmem>>
      tpu.wait_dma2 semaphore(%dma_wait3A_1320 : memref<!tpu.dma_semaphore, #tpu.memory_space<semaphore_mem>>) src(%dma_wait3A_1327 : memref<50x128xf32, #tpu.memory_space<vmem>>) dst(%dma_wait3A_1324 : memref<50x128xf32, #tpu.memory_space<hbm>>)
      %mul3A_1328 = arith.constant 4 : i32
      %mul3A_1329 = arith.muli %add3A_790, %mul3A_1328 : i32
      %add3A_1330 = arith.addi %mul3A_4, %mul3A_1329 : i32
      %add3A_1331 = arith.constant 2 : i32
      %add3A_1332 = arith.addi %add3A_1330, %add3A_1331 : i32
      %dma_wait3A_1333 = arith.constant 0 : i32
      %dma_wait3A_1334 = arith.constant 1 : i32
      %dma_wait3A_1335 = arith.constant 112 : i32
      %dma_wait3A_1336 = arith.constant 0 : i32
      %dma_wait3A_1337 = tpu.memref_slice %arg12[%dma_wait3A_1335, %dma_wait3A_1336] : memref<224x128xf32, #tpu.memory_space<vmem>> -> memref<50x128xf32, #tpu.memory_space<vmem>>
      %dma_wait3A_1338 = arith.constant 0 : i32
      %dma_wait3A_1339 = arith.constant 0 : i32
      %dma_wait3A_1340 = tpu.memref_slice %arg6[%dma_wait3A_1338, %dma_wait3A_1333, %add3A_1332, %dma_wait3A_1339] : memref<50x2x4096x128xf32, #tpu.memory_space<hbm>> -> memref<50x1x1x128xf32, #tpu.memory_space<hbm>>
      %dma_wait3A_1341 = tpu.memref_squeeze %dma_wait3A_1340 : memref<50x1x1x128xf32, #tpu.memory_space<hbm>> -> memref<50x128xf32, #tpu.memory_space<hbm>>
      %dma_wait3A_1342 = tpu.memref_slice %arg14[%dma_wait3A_1334] : memref<2x!tpu.dma_semaphore, #tpu.memory_space<semaphore_mem>> -> memref<1x!tpu.dma_semaphore, #tpu.memory_space<semaphore_mem>>
      %dma_wait3A_1343 = tpu.memref_squeeze %dma_wait3A_1342 : memref<1x!tpu.dma_semaphore, #tpu.memory_space<semaphore_mem>> -> memref<!tpu.dma_semaphore, #tpu.memory_space<semaphore_mem>>
      %dma_wait3A_1344 = arith.constant 0 : i32
      %dma_wait3A_1345 = arith.constant 0 : i32
      %dma_wait3A_1346 = tpu.memref_slice %arg6[%dma_wait3A_1344, %dma_wait3A_1333, %add3A_1332, %dma_wait3A_1345] : memref<50x2x4096x128xf32, #tpu.memory_space<hbm>> -> memref<50x1x1x128xf32, #tpu.memory_space<hbm>>
      %dma_wait3A_1347 = tpu.memref_squeeze %dma_wait3A_1346 : memref<50x1x1x128xf32, #tpu.memory_space<hbm>> -> memref<50x128xf32, #tpu.memory_space<hbm>>
      %dma_wait3A_1348 = arith.constant 112 : i32
      %dma_wait3A_1349 = arith.constant 0 : i32
      %dma_wait3A_1350 = tpu.memref_slice %arg12[%dma_wait3A_1348, %dma_wait3A_1349] : memref<224x128xf32, #tpu.memory_space<vmem>> -> memref<50x128xf32, #tpu.memory_space<vmem>>
      tpu.wait_dma2 semaphore(%dma_wait3A_1343 : memref<!tpu.dma_semaphore, #tpu.memory_space<semaphore_mem>>) src(%dma_wait3A_1350 : memref<50x128xf32, #tpu.memory_space<vmem>>) dst(%dma_wait3A_1347 : memref<50x128xf32, #tpu.memory_space<hbm>>)
      %mul3A_1351 = arith.constant 4 : i32
      %mul3A_1352 = arith.muli %add3A_790, %mul3A_1351 : i32
      %add3A_1353 = arith.addi %mul3A_4, %mul3A_1352 : i32
      %add3A_1354 = arith.constant 3 : i32
      %add3A_1355 = arith.addi %add3A_1353, %add3A_1354 : i32
      %dma_wait3A_1356 = arith.constant 0 : i32
      %dma_wait3A_1357 = arith.constant 1 : i32
      %dma_wait3A_1358 = arith.constant 168 : i32
      %dma_wait3A_1359 = arith.constant 0 : i32
      %dma_wait3A_1360 = tpu.memref_slice %arg12[%dma_wait3A_1358, %dma_wait3A_1359] : memref<224x128xf32, #tpu.memory_space<vmem>> -> memref<50x128xf32, #tpu.memory_space<vmem>>
      %dma_wait3A_1361 = arith.constant 0 : i32
      %dma_wait3A_1362 = arith.constant 0 : i32
      %dma_wait3A_1363 = tpu.memref_slice %arg6[%dma_wait3A_1361, %dma_wait3A_1356, %add3A_1355, %dma_wait3A_1362] : memref<50x2x4096x128xf32, #tpu.memory_space<hbm>> -> memref<50x1x1x128xf32, #tpu.memory_space<hbm>>
      %dma_wait3A_1364 = tpu.memref_squeeze %dma_wait3A_1363 : memref<50x1x1x128xf32, #tpu.memory_space<hbm>> -> memref<50x128xf32, #tpu.memory_space<hbm>>
      %dma_wait3A_1365 = tpu.memref_slice %arg14[%dma_wait3A_1357] : memref<2x!tpu.dma_semaphore, #tpu.memory_space<semaphore_mem>> -> memref<1x!tpu.dma_semaphore, #tpu.memory_space<semaphore_mem>>
      %dma_wait3A_1366 = tpu.memref_squeeze %dma_wait3A_1365 : memref<1x!tpu.dma_semaphore, #tpu.memory_space<semaphore_mem>> -> memref<!tpu.dma_semaphore, #tpu.memory_space<semaphore_mem>>
      %dma_wait3A_1367 = arith.constant 0 : i32
      %dma_wait3A_1368 = arith.constant 0 : i32
      %dma_wait3A_1369 = tpu.memref_slice %arg6[%dma_wait3A_1367, %dma_wait3A_1356, %add3A_1355, %dma_wait3A_1368] : memref<50x2x4096x128xf32, #tpu.memory_space<hbm>> -> memref<50x1x1x128xf32, #tpu.memory_space<hbm>>
      %dma_wait3A_1370 = tpu.memref_squeeze %dma_wait3A_1369 : memref<50x1x1x128xf32, #tpu.memory_space<hbm>> -> memref<50x128xf32, #tpu.memory_space<hbm>>
      %dma_wait3A_1371 = arith.constant 168 : i32
      %dma_wait3A_1372 = arith.constant 0 : i32
      %dma_wait3A_1373 = tpu.memref_slice %arg12[%dma_wait3A_1371, %dma_wait3A_1372] : memref<224x128xf32, #tpu.memory_space<vmem>> -> memref<50x128xf32, #tpu.memory_space<vmem>>
      tpu.wait_dma2 semaphore(%dma_wait3A_1366 : memref<!tpu.dma_semaphore, #tpu.memory_space<semaphore_mem>>) src(%dma_wait3A_1373 : memref<50x128xf32, #tpu.memory_space<vmem>>) dst(%dma_wait3A_1370 : memref<50x128xf32, #tpu.memory_space<hbm>>)
      %dma_start3A_1374 = arith.constant 1 : i32
      %dma_start3A_1375 = arith.constant 0 : i32
      %dma_start3A_1376 = arith.constant 0 : i32
      %dma_start3A_1377 = tpu.memref_slice %arg5[%dma_start3A_1375, %dma_start3A_1376] : memref<8192x128xf32, #tpu.memory_space<hbm>> -> memref<8192x128xf32, #tpu.memory_space<hbm>>
      %dma_start3A_1378 = tpu.memref_slice %arg15[%dma_start3A_1374] : memref<2x!tpu.dma_semaphore, #tpu.memory_space<semaphore_mem>> -> memref<1x!tpu.dma_semaphore, #tpu.memory_space<semaphore_mem>>
      %dma_start3A_1379 = tpu.memref_squeeze %dma_start3A_1378 : memref<1x!tpu.dma_semaphore, #tpu.memory_space<semaphore_mem>> -> memref<!tpu.dma_semaphore, #tpu.memory_space<semaphore_mem>>
      tpu.enqueue_indirect_dma source(%dma_start3A_1377 : memref<8192x128xf32, #tpu.memory_space<hbm>>) target(%arg12 : memref<224x128xf32, #tpu.memory_space<vmem>>) offsets(%arg10 : memref<224xi32, #tpu.memory_space<vmem>>) semaphore(%dma_start3A_1379 : memref<!tpu.dma_semaphore, #tpu.memory_space<semaphore_mem>>) {add = true}
      %dma_wait3A_1380 = arith.constant 1 : i32
      %dma_wait3A_1381 = arith.constant 0 : i32
      %dma_wait3A_1382 = arith.constant 0 : i32
      %dma_wait3A_1383 = tpu.memref_slice %arg5[%dma_wait3A_1381, %dma_wait3A_1382] : memref<8192x128xf32, #tpu.memory_space<hbm>> -> memref<8192x128xf32, #tpu.memory_space<hbm>>
      %dma_wait3A_1384 = tpu.memref_slice %arg15[%dma_wait3A_1380] : memref<2x!tpu.dma_semaphore, #tpu.memory_space<semaphore_mem>> -> memref<1x!tpu.dma_semaphore, #tpu.memory_space<semaphore_mem>>
      %dma_wait3A_1385 = tpu.memref_squeeze %dma_wait3A_1384 : memref<1x!tpu.dma_semaphore, #tpu.memory_space<semaphore_mem>> -> memref<!tpu.dma_semaphore, #tpu.memory_space<semaphore_mem>>
      tpu.wait_indirect_dma semaphore(%dma_wait3A_1385 : memref<!tpu.dma_semaphore, #tpu.memory_space<semaphore_mem>>) src(%dma_wait3A_1383 : memref<8192x128xf32, #tpu.memory_space<hbm>>) dst(%arg12 : memref<224x128xf32, #tpu.memory_space<vmem>>)
      %mul3A_1386 = arith.constant 4 : i32
      %mul3A_1387 = arith.muli %add3A_790, %mul3A_1386 : i32
      %add3A_1388 = arith.addi %mul3A_4, %mul3A_1387 : i32
      %add3A_1389 = arith.constant 0 : i32
      %add3A_1390 = arith.addi %add3A_1388, %add3A_1389 : i32
      %dma_start3A_1391 = arith.constant 1 : i32
      %dma_start3A_1392 = arith.constant 1 : i32
      %dma_start3A_1393 = arith.constant 0 : i32
      %dma_start3A_1394 = arith.constant 0 : i32
      %dma_start3A_1395 = tpu.memref_slice %arg12[%dma_start3A_1393, %dma_start3A_1394] : memref<224x128xf32, #tpu.memory_space<vmem>> -> memref<50x128xf32, #tpu.memory_space<vmem>>
      %dma_start3A_1396 = arith.constant 0 : i32
      %dma_start3A_1397 = arith.constant 0 : i32
      %dma_start3A_1398 = tpu.memref_slice %arg6[%dma_start3A_1396, %dma_start3A_1391, %add3A_1390, %dma_start3A_1397] : memref<50x2x4096x128xf32, #tpu.memory_space<hbm>> -> memref<50x1x1x128xf32, #tpu.memory_space<hbm>>
      %dma_start3A_1399 = tpu.memref_squeeze %dma_start3A_1398 : memref<50x1x1x128xf32, #tpu.memory_space<hbm>> -> memref<50x128xf32, #tpu.memory_space<hbm>>
      %dma_start3A_1400 = tpu.memref_slice %arg16[%dma_start3A_1392] : memref<2x!tpu.dma_semaphore, #tpu.memory_space<semaphore_mem>> -> memref<1x!tpu.dma_semaphore, #tpu.memory_space<semaphore_mem>>
      %dma_start3A_1401 = tpu.memref_squeeze %dma_start3A_1400 : memref<1x!tpu.dma_semaphore, #tpu.memory_space<semaphore_mem>> -> memref<!tpu.dma_semaphore, #tpu.memory_space<semaphore_mem>>
      %dma_start3A_1402 = arith.constant 0 : i32
      %dma_start3A_1403 = arith.constant 0 : i32
      %dma_start3A_1404 = tpu.memref_slice %arg6[%dma_start3A_1402, %dma_start3A_1391, %add3A_1390, %dma_start3A_1403] : memref<50x2x4096x128xf32, #tpu.memory_space<hbm>> -> memref<50x1x1x128xf32, #tpu.memory_space<hbm>>
      %dma_start3A_1405 = tpu.memref_squeeze %dma_start3A_1404 : memref<50x1x1x128xf32, #tpu.memory_space<hbm>> -> memref<50x128xf32, #tpu.memory_space<hbm>>
      %dma_start3A_1406 = arith.constant 0 : i32
      %dma_start3A_1407 = arith.constant 0 : i32
      %dma_start3A_1408 = tpu.memref_slice %arg12[%dma_start3A_1406, %dma_start3A_1407] : memref<224x128xf32, #tpu.memory_space<vmem>> -> memref<50x128xf32, #tpu.memory_space<vmem>>
      tpu.enqueue_dma source(%dma_start3A_1408 : memref<50x128xf32, #tpu.memory_space<vmem>>) target(%dma_start3A_1405 : memref<50x128xf32, #tpu.memory_space<hbm>>) target_semaphore(%dma_start3A_1401 : memref<!tpu.dma_semaphore, #tpu.memory_space<semaphore_mem>>)
      %mul3A_1409 = arith.constant 4 : i32
      %mul3A_1410 = arith.muli %add3A_790, %mul3A_1409 : i32
      %add3A_1411 = arith.addi %mul3A_4, %mul3A_1410 : i32
      %add3A_1412 = arith.constant 1 : i32
      %add3A_1413 = arith.addi %add3A_1411, %add3A_1412 : i32
      %dma_start3A_1414 = arith.constant 1 : i32
      %dma_start3A_1415 = arith.constant 1 : i32
      %dma_start3A_1416 = arith.constant 56 : i32
      %dma_start3A_1417 = arith.constant 0 : i32
      %dma_start3A_1418 = tpu.memref_slice %arg12[%dma_start3A_1416, %dma_start3A_1417] : memref<224x128xf32, #tpu.memory_space<vmem>> -> memref<50x128xf32, #tpu.memory_space<vmem>>
      %dma_start3A_1419 = arith.constant 0 : i32
      %dma_start3A_1420 = arith.constant 0 : i32
      %dma_start3A_1421 = tpu.memref_slice %arg6[%dma_start3A_1419, %dma_start3A_1414, %add3A_1413, %dma_start3A_1420] : memref<50x2x4096x128xf32, #tpu.memory_space<hbm>> -> memref<50x1x1x128xf32, #tpu.memory_space<hbm>>
      %dma_start3A_1422 = tpu.memref_squeeze %dma_start3A_1421 : memref<50x1x1x128xf32, #tpu.memory_space<hbm>> -> memref<50x128xf32, #tpu.memory_space<hbm>>
      %dma_start3A_1423 = tpu.memref_slice %arg16[%dma_start3A_1415] : memref<2x!tpu.dma_semaphore, #tpu.memory_space<semaphore_mem>> -> memref<1x!tpu.dma_semaphore, #tpu.memory_space<semaphore_mem>>
      %dma_start3A_1424 = tpu.memref_squeeze %dma_start3A_1423 : memref<1x!tpu.dma_semaphore, #tpu.memory_space<semaphore_mem>> -> memref<!tpu.dma_semaphore, #tpu.memory_space<semaphore_mem>>
      %dma_start3A_1425 = arith.constant 0 : i32
      %dma_start3A_1426 = arith.constant 0 : i32
      %dma_start3A_1427 = tpu.memref_slice %arg6[%dma_start3A_1425, %dma_start3A_1414, %add3A_1413, %dma_start3A_1426] : memref<50x2x4096x128xf32, #tpu.memory_space<hbm>> -> memref<50x1x1x128xf32, #tpu.memory_space<hbm>>
      %dma_start3A_1428 = tpu.memref_squeeze %dma_start3A_1427 : memref<50x1x1x128xf32, #tpu.memory_space<hbm>> -> memref<50x128xf32, #tpu.memory_space<hbm>>
      %dma_start3A_1429 = arith.constant 56 : i32
      %dma_start3A_1430 = arith.constant 0 : i32
      %dma_start3A_1431 = tpu.memref_slice %arg12[%dma_start3A_1429, %dma_start3A_1430] : memref<224x128xf32, #tpu.memory_space<vmem>> -> memref<50x128xf32, #tpu.memory_space<vmem>>
      tpu.enqueue_dma source(%dma_start3A_1431 : memref<50x128xf32, #tpu.memory_space<vmem>>) target(%dma_start3A_1428 : memref<50x128xf32, #tpu.memory_space<hbm>>) target_semaphore(%dma_start3A_1424 : memref<!tpu.dma_semaphore, #tpu.memory_space<semaphore_mem>>)
      %mul3A_1432 = arith.constant 4 : i32
      %mul3A_1433 = arith.muli %add3A_790, %mul3A_1432 : i32
      %add3A_1434 = arith.addi %mul3A_4, %mul3A_1433 : i32
      %add3A_1435 = arith.constant 2 : i32
      %add3A_1436 = arith.addi %add3A_1434, %add3A_1435 : i32
      %dma_start3A_1437 = arith.constant 1 : i32
      %dma_start3A_1438 = arith.constant 1 : i32
      %dma_start3A_1439 = arith.constant 112 : i32
      %dma_start3A_1440 = arith.constant 0 : i32
      %dma_start3A_1441 = tpu.memref_slice %arg12[%dma_start3A_1439, %dma_start3A_1440] : memref<224x128xf32, #tpu.memory_space<vmem>> -> memref<50x128xf32, #tpu.memory_space<vmem>>
      %dma_start3A_1442 = arith.constant 0 : i32
      %dma_start3A_1443 = arith.constant 0 : i32
      %dma_start3A_1444 = tpu.memref_slice %arg6[%dma_start3A_1442, %dma_start3A_1437, %add3A_1436, %dma_start3A_1443] : memref<50x2x4096x128xf32, #tpu.memory_space<hbm>> -> memref<50x1x1x128xf32, #tpu.memory_space<hbm>>
      %dma_start3A_1445 = tpu.memref_squeeze %dma_start3A_1444 : memref<50x1x1x128xf32, #tpu.memory_space<hbm>> -> memref<50x128xf32, #tpu.memory_space<hbm>>
      %dma_start3A_1446 = tpu.memref_slice %arg16[%dma_start3A_1438] : memref<2x!tpu.dma_semaphore, #tpu.memory_space<semaphore_mem>> -> memref<1x!tpu.dma_semaphore, #tpu.memory_space<semaphore_mem>>
      %dma_start3A_1447 = tpu.memref_squeeze %dma_start3A_1446 : memref<1x!tpu.dma_semaphore, #tpu.memory_space<semaphore_mem>> -> memref<!tpu.dma_semaphore, #tpu.memory_space<semaphore_mem>>
      %dma_start3A_1448 = arith.constant 0 : i32
      %dma_start3A_1449 = arith.constant 0 : i32
      %dma_start3A_1450 = tpu.memref_slice %arg6[%dma_start3A_1448, %dma_start3A_1437, %add3A_1436, %dma_start3A_1449] : memref<50x2x4096x128xf32, #tpu.memory_space<hbm>> -> memref<50x1x1x128xf32, #tpu.memory_space<hbm>>
      %dma_start3A_1451 = tpu.memref_squeeze %dma_start3A_1450 : memref<50x1x1x128xf32, #tpu.memory_space<hbm>> -> memref<50x128xf32, #tpu.memory_space<hbm>>
      %dma_start3A_1452 = arith.constant 112 : i32
      %dma_start3A_1453 = arith.constant 0 : i32
      %dma_start3A_1454 = tpu.memref_slice %arg12[%dma_start3A_1452, %dma_start3A_1453] : memref<224x128xf32, #tpu.memory_space<vmem>> -> memref<50x128xf32, #tpu.memory_space<vmem>>
      tpu.enqueue_dma source(%dma_start3A_1454 : memref<50x128xf32, #tpu.memory_space<vmem>>) target(%dma_start3A_1451 : memref<50x128xf32, #tpu.memory_space<hbm>>) target_semaphore(%dma_start3A_1447 : memref<!tpu.dma_semaphore, #tpu.memory_space<semaphore_mem>>)
      %mul3A_1455 = arith.constant 4 : i32
      %mul3A_1456 = arith.muli %add3A_790, %mul3A_1455 : i32
      %add3A_1457 = arith.addi %mul3A_4, %mul3A_1456 : i32
      %add3A_1458 = arith.constant 3 : i32
      %add3A_1459 = arith.addi %add3A_1457, %add3A_1458 : i32
      %dma_start3A_1460 = arith.constant 1 : i32
      %dma_start3A_1461 = arith.constant 1 : i32
      %dma_start3A_1462 = arith.constant 168 : i32
      %dma_start3A_1463 = arith.constant 0 : i32
      %dma_start3A_1464 = tpu.memref_slice %arg12[%dma_start3A_1462, %dma_start3A_1463] : memref<224x128xf32, #tpu.memory_space<vmem>> -> memref<50x128xf32, #tpu.memory_space<vmem>>
      %dma_start3A_1465 = arith.constant 0 : i32
      %dma_start3A_1466 = arith.constant 0 : i32
      %dma_start3A_1467 = tpu.memref_slice %arg6[%dma_start3A_1465, %dma_start3A_1460, %add3A_1459, %dma_start3A_1466] : memref<50x2x4096x128xf32, #tpu.memory_space<hbm>> -> memref<50x1x1x128xf32, #tpu.memory_space<hbm>>
      %dma_start3A_1468 = tpu.memref_squeeze %dma_start3A_1467 : memref<50x1x1x128xf32, #tpu.memory_space<hbm>> -> memref<50x128xf32, #tpu.memory_space<hbm>>
      %dma_start3A_1469 = tpu.memref_slice %arg16[%dma_start3A_1461] : memref<2x!tpu.dma_semaphore, #tpu.memory_space<semaphore_mem>> -> memref<1x!tpu.dma_semaphore, #tpu.memory_space<semaphore_mem>>
      %dma_start3A_1470 = tpu.memref_squeeze %dma_start3A_1469 : memref<1x!tpu.dma_semaphore, #tpu.memory_space<semaphore_mem>> -> memref<!tpu.dma_semaphore, #tpu.memory_space<semaphore_mem>>
      %dma_start3A_1471 = arith.constant 0 : i32
      %dma_start3A_1472 = arith.constant 0 : i32
      %dma_start3A_1473 = tpu.memref_slice %arg6[%dma_start3A_1471, %dma_start3A_1460, %add3A_1459, %dma_start3A_1472] : memref<50x2x4096x128xf32, #tpu.memory_space<hbm>> -> memref<50x1x1x128xf32, #tpu.memory_space<hbm>>
      %dma_start3A_1474 = tpu.memref_squeeze %dma_start3A_1473 : memref<50x1x1x128xf32, #tpu.memory_space<hbm>> -> memref<50x128xf32, #tpu.memory_space<hbm>>
      %dma_start3A_1475 = arith.constant 168 : i32
      %dma_start3A_1476 = arith.constant 0 : i32
      %dma_start3A_1477 = tpu.memref_slice %arg12[%dma_start3A_1475, %dma_start3A_1476] : memref<224x128xf32, #tpu.memory_space<vmem>> -> memref<50x128xf32, #tpu.memory_space<vmem>>
      tpu.enqueue_dma source(%dma_start3A_1477 : memref<50x128xf32, #tpu.memory_space<vmem>>) target(%dma_start3A_1474 : memref<50x128xf32, #tpu.memory_space<hbm>>) target_semaphore(%dma_start3A_1470 : memref<!tpu.dma_semaphore, #tpu.memory_space<semaphore_mem>>)
    }
    %scan3A_16 = arith.constant 16 : i32
    %add3A_17 = arith.constant 0 : i32
    %add3A_18 = arith.addi %mul3A_4, %add3A_17 : i32
    %add3A_19 = arith.constant 0 : i32
    %add3A_20 = arith.addi %add3A_18, %add3A_19 : i32
    %dma_wait3A = arith.constant 1 : i32
    %dma_wait3A_21 = arith.constant 1 : i32
    %dma_wait3A_22 = arith.constant 0 : i32
    %dma_wait3A_23 = arith.constant 0 : i32
    %dma_wait3A_24 = tpu.memref_slice %arg12[%dma_wait3A_22, %dma_wait3A_23] : memref<224x128xf32, #tpu.memory_space<vmem>> -> memref<50x128xf32, #tpu.memory_space<vmem>>
    %dma_wait3A_25 = arith.constant 0 : i32
    %dma_wait3A_26 = arith.constant 0 : i32
    %dma_wait3A_27 = tpu.memref_slice %arg6[%dma_wait3A_25, %dma_wait3A, %add3A_20, %dma_wait3A_26] : memref<50x2x4096x128xf32, #tpu.memory_space<hbm>> -> memref<50x1x1x128xf32, #tpu.memory_space<hbm>>
    %dma_wait3A_28 = tpu.memref_squeeze %dma_wait3A_27 : memref<50x1x1x128xf32, #tpu.memory_space<hbm>> -> memref<50x128xf32, #tpu.memory_space<hbm>>
    %dma_wait3A_29 = tpu.memref_slice %arg16[%dma_wait3A_21] : memref<2x!tpu.dma_semaphore, #tpu.memory_space<semaphore_mem>> -> memref<1x!tpu.dma_semaphore, #tpu.memory_space<semaphore_mem>>
    %dma_wait3A_30 = tpu.memref_squeeze %dma_wait3A_29 : memref<1x!tpu.dma_semaphore, #tpu.memory_space<semaphore_mem>> -> memref<!tpu.dma_semaphore, #tpu.memory_space<semaphore_mem>>
    %dma_wait3A_31 = arith.constant 0 : i32
    %dma_wait3A_32 = arith.constant 0 : i32
    %dma_wait3A_33 = tpu.memref_slice %arg6[%dma_wait3A_31, %dma_wait3A, %add3A_20, %dma_wait3A_32] : memref<50x2x4096x128xf32, #tpu.memory_space<hbm>> -> memref<50x1x1x128xf32, #tpu.memory_space<hbm>>
    %dma_wait3A_34 = tpu.memref_squeeze %dma_wait3A_33 : memref<50x1x1x128xf32, #tpu.memory_space<hbm>> -> memref<50x128xf32, #tpu.memory_space<hbm>>
    %dma_wait3A_35 = arith.constant 0 : i32
    %dma_wait3A_36 = arith.constant 0 : i32
    %dma_wait3A_37 = tpu.memref_slice %arg12[%dma_wait3A_35, %dma_wait3A_36] : memref<224x128xf32, #tpu.memory_space<vmem>> -> memref<50x128xf32, #tpu.memory_space<vmem>>
    tpu.wait_dma2 semaphore(%dma_wait3A_30 : memref<!tpu.dma_semaphore, #tpu.memory_space<semaphore_mem>>) src(%dma_wait3A_37 : memref<50x128xf32, #tpu.memory_space<vmem>>) dst(%dma_wait3A_34 : memref<50x128xf32, #tpu.memory_space<hbm>>)
    %add3A_38 = arith.constant 0 : i32
    %add3A_39 = arith.addi %mul3A_4, %add3A_38 : i32
    %add3A_40 = arith.constant 1 : i32
    %add3A_41 = arith.addi %add3A_39, %add3A_40 : i32
    %dma_wait3A_42 = arith.constant 1 : i32
    %dma_wait3A_43 = arith.constant 1 : i32
    %dma_wait3A_44 = arith.constant 56 : i32
    %dma_wait3A_45 = arith.constant 0 : i32
    %dma_wait3A_46 = tpu.memref_slice %arg12[%dma_wait3A_44, %dma_wait3A_45] : memref<224x128xf32, #tpu.memory_space<vmem>> -> memref<50x128xf32, #tpu.memory_space<vmem>>
    %dma_wait3A_47 = arith.constant 0 : i32
    %dma_wait3A_48 = arith.constant 0 : i32
    %dma_wait3A_49 = tpu.memref_slice %arg6[%dma_wait3A_47, %dma_wait3A_42, %add3A_41, %dma_wait3A_48] : memref<50x2x4096x128xf32, #tpu.memory_space<hbm>> -> memref<50x1x1x128xf32, #tpu.memory_space<hbm>>
    %dma_wait3A_50 = tpu.memref_squeeze %dma_wait3A_49 : memref<50x1x1x128xf32, #tpu.memory_space<hbm>> -> memref<50x128xf32, #tpu.memory_space<hbm>>
    %dma_wait3A_51 = tpu.memref_slice %arg16[%dma_wait3A_43] : memref<2x!tpu.dma_semaphore, #tpu.memory_space<semaphore_mem>> -> memref<1x!tpu.dma_semaphore, #tpu.memory_space<semaphore_mem>>
    %dma_wait3A_52 = tpu.memref_squeeze %dma_wait3A_51 : memref<1x!tpu.dma_semaphore, #tpu.memory_space<semaphore_mem>> -> memref<!tpu.dma_semaphore, #tpu.memory_space<semaphore_mem>>
    %dma_wait3A_53 = arith.constant 0 : i32
    %dma_wait3A_54 = arith.constant 0 : i32
    %dma_wait3A_55 = tpu.memref_slice %arg6[%dma_wait3A_53, %dma_wait3A_42, %add3A_41, %dma_wait3A_54] : memref<50x2x4096x128xf32, #tpu.memory_space<hbm>> -> memref<50x1x1x128xf32, #tpu.memory_space<hbm>>
    %dma_wait3A_56 = tpu.memref_squeeze %dma_wait3A_55 : memref<50x1x1x128xf32, #tpu.memory_space<hbm>> -> memref<50x128xf32, #tpu.memory_space<hbm>>
    %dma_wait3A_57 = arith.constant 56 : i32
    %dma_wait3A_58 = arith.constant 0 : i32
    %dma_wait3A_59 = tpu.memref_slice %arg12[%dma_wait3A_57, %dma_wait3A_58] : memref<224x128xf32, #tpu.memory_space<vmem>> -> memref<50x128xf32, #tpu.memory_space<vmem>>
    tpu.wait_dma2 semaphore(%dma_wait3A_52 : memref<!tpu.dma_semaphore, #tpu.memory_space<semaphore_mem>>) src(%dma_wait3A_59 : memref<50x128xf32, #tpu.memory_space<vmem>>) dst(%dma_wait3A_56 : memref<50x128xf32, #tpu.memory_space<hbm>>)
    %add3A_60 = arith.constant 0 : i32
    %add3A_61 = arith.addi %mul3A_4, %add3A_60 : i32
    %add3A_62 = arith.constant 2 : i32
    %add3A_63 = arith.addi %add3A_61, %add3A_62 : i32
    %dma_wait3A_64 = arith.constant 1 : i32
    %dma_wait3A_65 = arith.constant 1 : i32
    %dma_wait3A_66 = arith.constant 112 : i32
    %dma_wait3A_67 = arith.constant 0 : i32
    %dma_wait3A_68 = tpu.memref_slice %arg12[%dma_wait3A_66, %dma_wait3A_67] : memref<224x128xf32, #tpu.memory_space<vmem>> -> memref<50x128xf32, #tpu.memory_space<vmem>>
    %dma_wait3A_69 = arith.constant 0 : i32
    %dma_wait3A_70 = arith.constant 0 : i32
    %dma_wait3A_71 = tpu.memref_slice %arg6[%dma_wait3A_69, %dma_wait3A_64, %add3A_63, %dma_wait3A_70] : memref<50x2x4096x128xf32, #tpu.memory_space<hbm>> -> memref<50x1x1x128xf32, #tpu.memory_space<hbm>>
    %dma_wait3A_72 = tpu.memref_squeeze %dma_wait3A_71 : memref<50x1x1x128xf32, #tpu.memory_space<hbm>> -> memref<50x128xf32, #tpu.memory_space<hbm>>
    %dma_wait3A_73 = tpu.memref_slice %arg16[%dma_wait3A_65] : memref<2x!tpu.dma_semaphore, #tpu.memory_space<semaphore_mem>> -> memref<1x!tpu.dma_semaphore, #tpu.memory_space<semaphore_mem>>
    %dma_wait3A_74 = tpu.memref_squeeze %dma_wait3A_73 : memref<1x!tpu.dma_semaphore, #tpu.memory_space<semaphore_mem>> -> memref<!tpu.dma_semaphore, #tpu.memory_space<semaphore_mem>>
    %dma_wait3A_75 = arith.constant 0 : i32
    %dma_wait3A_76 = arith.constant 0 : i32
    %dma_wait3A_77 = tpu.memref_slice %arg6[%dma_wait3A_75, %dma_wait3A_64, %add3A_63, %dma_wait3A_76] : memref<50x2x4096x128xf32, #tpu.memory_space<hbm>> -> memref<50x1x1x128xf32, #tpu.memory_space<hbm>>
    %dma_wait3A_78 = tpu.memref_squeeze %dma_wait3A_77 : memref<50x1x1x128xf32, #tpu.memory_space<hbm>> -> memref<50x128xf32, #tpu.memory_space<hbm>>
    %dma_wait3A_79 = arith.constant 112 : i32
    %dma_wait3A_80 = arith.constant 0 : i32
    %dma_wait3A_81 = tpu.memref_slice %arg12[%dma_wait3A_79, %dma_wait3A_80] : memref<224x128xf32, #tpu.memory_space<vmem>> -> memref<50x128xf32, #tpu.memory_space<vmem>>
    tpu.wait_dma2 semaphore(%dma_wait3A_74 : memref<!tpu.dma_semaphore, #tpu.memory_space<semaphore_mem>>) src(%dma_wait3A_81 : memref<50x128xf32, #tpu.memory_space<vmem>>) dst(%dma_wait3A_78 : memref<50x128xf32, #tpu.memory_space<hbm>>)
    %add3A_82 = arith.constant 0 : i32
    %add3A_83 = arith.addi %mul3A_4, %add3A_82 : i32
    %add3A_84 = arith.constant 3 : i32
    %add3A_85 = arith.addi %add3A_83, %add3A_84 : i32
    %dma_wait3A_86 = arith.constant 1 : i32
    %dma_wait3A_87 = arith.constant 1 : i32
    %dma_wait3A_88 = arith.constant 168 : i32
    %dma_wait3A_89 = arith.constant 0 : i32
    %dma_wait3A_90 = tpu.memref_slice %arg12[%dma_wait3A_88, %dma_wait3A_89] : memref<224x128xf32, #tpu.memory_space<vmem>> -> memref<50x128xf32, #tpu.memory_space<vmem>>
    %dma_wait3A_91 = arith.constant 0 : i32
    %dma_wait3A_92 = arith.constant 0 : i32
    %dma_wait3A_93 = tpu.memref_slice %arg6[%dma_wait3A_91, %dma_wait3A_86, %add3A_85, %dma_wait3A_92] : memref<50x2x4096x128xf32, #tpu.memory_space<hbm>> -> memref<50x1x1x128xf32, #tpu.memory_space<hbm>>
    %dma_wait3A_94 = tpu.memref_squeeze %dma_wait3A_93 : memref<50x1x1x128xf32, #tpu.memory_space<hbm>> -> memref<50x128xf32, #tpu.memory_space<hbm>>
    %dma_wait3A_95 = tpu.memref_slice %arg16[%dma_wait3A_87] : memref<2x!tpu.dma_semaphore, #tpu.memory_space<semaphore_mem>> -> memref<1x!tpu.dma_semaphore, #tpu.memory_space<semaphore_mem>>
    %dma_wait3A_96 = tpu.memref_squeeze %dma_wait3A_95 : memref<1x!tpu.dma_semaphore, #tpu.memory_space<semaphore_mem>> -> memref<!tpu.dma_semaphore, #tpu.memory_space<semaphore_mem>>
    %dma_wait3A_97 = arith.constant 0 : i32
    %dma_wait3A_98 = arith.constant 0 : i32
    %dma_wait3A_99 = tpu.memref_slice %arg6[%dma_wait3A_97, %dma_wait3A_86, %add3A_85, %dma_wait3A_98] : memref<50x2x4096x128xf32, #tpu.memory_space<hbm>> -> memref<50x1x1x128xf32, #tpu.memory_space<hbm>>
    %dma_wait3A_100 = tpu.memref_squeeze %dma_wait3A_99 : memref<50x1x1x128xf32, #tpu.memory_space<hbm>> -> memref<50x128xf32, #tpu.memory_space<hbm>>
    %dma_wait3A_101 = arith.constant 168 : i32
    %dma_wait3A_102 = arith.constant 0 : i32
    %dma_wait3A_103 = tpu.memref_slice %arg12[%dma_wait3A_101, %dma_wait3A_102] : memref<224x128xf32, #tpu.memory_space<vmem>> -> memref<50x128xf32, #tpu.memory_space<vmem>>
    tpu.wait_dma2 semaphore(%dma_wait3A_96 : memref<!tpu.dma_semaphore, #tpu.memory_space<semaphore_mem>>) src(%dma_wait3A_103 : memref<50x128xf32, #tpu.memory_space<vmem>>) dst(%dma_wait3A_100 : memref<50x128xf32, #tpu.memory_space<hbm>>)
    return
  }
}

</mosaic_0001>

<sc_bundles>
// kernel: _run.3.cloned.1.call-start
scs
__scs_entry_jumppad:
0x0: {  	(pc) =	sbr.rel $0x88, $3  }
0x1: {  	(tag) =	ssettag $0x0;
	lr =	simm.s32 $0x1  }
0x2: {  	[smem:$0x3F9D] =	sst lr;
	_ =	strace $0xD0000000  }
0x3: {  	_ = 	snop  }
0x4: {  	_ = 	snop  }
0x5: {  	_ = 	snop  }
0x6: {  	_ = 	snop  }
0x7: {  	_ = 	snop  }
__scs_overlays_trampoline_lowered:
0x8: {  	[smem:$0x3FAC] =	sst s0  }
0x9: {  	[smem:$0x3FAD] =	sst s1  }
0xa: {  	[smem:$0x3FAE] =	sst s2  }
0xb: {  	[smem:$0x3FAF] =	sst s3  }
0xc: {  	[smem:$0x3FB0] =	sst s4  }
0xd: {  	[smem:$0x3FB1] =	sst s5  }
0xe: {  	[smem:$0x3FB2] =	sst s6  }
0xf: {  	[smem:$0x3FB3] =	sst s7  }
0x10: {  	[smem:$0x3FB4] =	sst s8  }
0x11: {  	[smem:$0x3FB5] =	sst s9;
	s0 =	simm.s32 @!p0 $0x0  }
0x12: {  	s1 =	sld [smem:$0x3F9B];
	s0 =	simm.s32 @p0 $0x1  }
0x13: {  	[smem:$0x3FB6] =	sst s0;
	s0 =	simm.s32 @!p1 $0x0  }
0x14: {  	s2 =	sld [smem:$0x3F9A];
	s0 =	simm.s32 @p1 $0x1  }
0x15: {  	[smem:$0x3FB7] =	sst s0;
	s0 =	simm.s32 @!p2 $0x0  }
0x16: {  	s3 =	sld [smem:$0x3FDB];
	s0 =	simm.s32 @p2 $0x1  }
0x17: {  	s4 =	simm.s32 $0x1BF5;
	[smem:$0x3FB9] =	sst s0  }
0x18: {  	s0 =	sld [smem:$0x3F9C];
	_ =	swait.ge [sflag:s4], $0x0  }
0x19: {  	s7 =	sld [smem:$0x3F9D]  }
0x1a: {  	s8 =	sadd.s32 $0xFFFFE003, lr  }
0x1b: {  	s9 =	sadd.s32 $0xFFFFFEF7, lr;
	s5 =	simm.s32 $0xFFFFFFFF;
	p2 =	slt.u32 s8, $0xFFFFF086  }
0x1c: {  	p1 =	slt.u32 s9, $0xF7A;
	s5 =	simm.s32 @!p2 $0x0  }
0x1d: {  	s5 =	simm.s32 @p1 $0x1;
	p0 =	seq.s32 s7, s2  }
0x1e: {  	s7 =	smul.u32 @!p0 $0xF7A, s2;
	p2 =	seq.s32 @!p0 s5, $0x0  }
0x1f: {  	s9 =	smul.u32 $0xF7A, s1;
	s8 =	simm.s32 @!p0 $0x1BF5;
	p2 =	por !p2, p0  }
0x20: {  	[sflag:s8] =	ssyncset.s32 @!p0 $0xFFFFF086;
	s6 =	sadd.s32 @!p0 s3, s7;
	s7 =	simm.s32 @!p0 $0x108  }
0x21: {  	s3 =	sadd.s32 s3, s9;
	s6 =	sadd.s32 @!p0 $0x88, s6;
	s7 =	simm.s32 @p2 $0x1082  }
0x22: {  	[simem:s7], [sflag:s8] =	dma.local @!p0 [hbm:s6], $0xF7A  }
0x23: {  	s9 =	sor.u32 $0xD0000000, s2;
	s6 =	simm.s32 $0x108;
	_ =	swait.ge @!p0 [sflag:s8], $0x0  }
0x24: {  	s3 =	sadd.s32 $0x88, s3;
	s6 =	simm.s32 @!p1 $0x1082;
	[sflag:s4] =	ssyncset.s32 $0xFFFFF086  }
0x25: {  	[simem:s6], [sflag:s4] =	dma.local [hbm:s3], $0xF7A  }
0x26: {  	[smem:$0x3F9D] =	sst s1;
	(tag) =	ssettag s2;
	_ =	strace s9  }
0x27: {  	s1 =	sld [smem:$0x3FAD]  }
0x28: {  	s2 =	sld [smem:$0x3FAE]  }
0x29: {  	s4 =	sld [smem:$0x3FB0]  }
0x2a: {  	p0 =	seq.s32 s5, $0x0;
	s5 =	sld [smem:$0x3FB1]  }
0x2b: {  	s6 =	sld [smem:$0x3FB2]  }
0x2c: {  	s7 =	sld [smem:$0x3FB3]  }
0x2d: {  	s3 =	simm.s32 $0x108;
	s8 =	sld [smem:$0x3FB4]  }
0x2e: {  	s3 =	simm.s32 @!p0 $0x1082;
	s9 =	sld [smem:$0x3FB5]  }
0x2f: {  	lr =	sadd.s32 s0, s3;
	s0 =	sld [smem:$0x3FAC]  }
0x30: {  	s3 =	sld [smem:$0x3FAF]  }
0x31: {  	[smem:$0x3FB8] =	sst s10  }
0x32: {  	s10 =	sld [smem:$0x3FB6];
	_ =	sdelay $0x3  }
0x33: {  	p0 =	seq.s32 s10, $0x1;
	s10 =	sld [smem:$0x3FB8];
	_ =	sdelay $0x3  }
0x34: {  	[smem:$0x3FB8] =	sst s10  }
0x35: {  	s10 =	sld [smem:$0x3FB7];
	_ =	sdelay $0x3  }
0x36: {  	p1 =	seq.s32 s10, $0x1;
	s10 =	sld [smem:$0x3FB8];
	_ =	sdelay $0x3  }
0x37: {  	[smem:$0x3FB8] =	sst s10  }
0x38: {  	s10 =	sld [smem:$0x3FB9]  }
0x39: {  	_ = 	snop;
	(pc) =	sbr.ind lr, $3  }
0x3a: {  	_ = 	snop  }
0x3b: {  	_ = 	snop  }
0x3c: {  	p2 =	seq.s32 s10, $0x1;
	s10 =	sld [smem:$0x3FB8]  }
0x3d: {  	_ =	shalt  }
0x3e: {  	_ =	shalt  }
0x3f: {  	_ =	shalt  }
0x40: {  	_ =	shalt  }
0x41: {  	_ =	shalt  }
0x42: {  	_ =	shalt  }
0x43: {  	_ =	shalt  }
0x44: {  	_ =	shalt  }
0x45: {  	_ =	shalt  }
0x46: {  	_ =	shalt  }
0x47: {  	_ =	shalt  }
0x48: {  	_ =	shalt  }
0x49: {  	_ =	shalt  }
0x4a: {  	_ =	shalt  }
0x4b: {  	_ =	shalt  }
0x4c: {  	_ =	shalt  }
0x4d: {  	_ =	shalt  }
0x4e: {  	_ =	shalt  }
0x4f: {  	_ =	shalt  }
0x50: {  	_ =	shalt  }
0x51: {  	_ =	shalt  }
0x52: {  	_ =	shalt  }
0x53: {  	_ =	shalt  }
0x54: {  	_ =	shalt  }
0x55: {  	_ =	shalt  }
0x56: {  	_ =	shalt  }
0x57: {  	_ =	shalt  }
0x58: {  	_ =	shalt  }
0x59: {  	_ =	shalt  }
0x5a: {  	_ =	shalt  }
0x5b: {  	_ =	shalt  }
0x5c: {  	_ =	shalt  }
0x5d: {  	_ =	shalt  }
0x5e: {  	_ =	shalt  }
0x5f: {  	_ =	shalt  }
0x60: {  	_ =	shalt  }
0x61: {  	_ =	shalt  }
0x62: {  	_ =	shalt  }
0x63: {  	_ =	shalt  }
0x64: {  	_ =	shalt  }
0x65: {  	_ =	shalt  }
0x66: {  	_ =	shalt  }
0x67: {  	_ =	shalt  }
0x68: {  	_ =	shalt  }
0x69: {  	_ =	shalt  }
0x6a: {  	_ =	shalt  }
0x6b: {  	_ =	shalt  }
0x6c: {  	_ =	shalt  }
0x6d: {  	_ =	shalt  }
0x6e: {  	_ =	shalt  }
0x6f: {  	_ =	shalt  }
0x70: {  	_ =	shalt  }
0x71: {  	_ =	shalt  }
0x72: {  	_ =	shalt  }
0x73: {  	_ =	shalt  }
0x74: {  	_ =	shalt  }
0x75: {  	_ =	shalt  }
0x76: {  	_ =	shalt  }
0x77: {  	_ =	shalt  }
0x78: {  	_ =	shalt  }
0x79: {  	_ =	shalt  }
0x7a: {  	_ =	shalt  }
0x7b: {  	_ =	shalt  }
0x7c: {  	_ =	shalt  }
0x7d: {  	_ =	shalt  }
0x7e: {  	_ =	shalt  }
0x7f: {  	_ =	shalt  }
0x80: {  	_ =	shalt  }
0x81: {  	_ =	shalt  }
0x82: {  	_ =	shalt  }
0x83: {  	_ =	shalt  }
0x84: {  	_ =	shalt  }
0x85: {  	_ =	shalt  }
0x86: {  	_ =	shalt  }
0x87: {  	_ =	shalt  }
.Lfunc_end0:
.L_simem_size_0:
called_computation_lowered:
.L_overlay_start_0:
0x88: {  	s2 =	sld [smem:$0x3FD9]  }
0x89: {  	s3 =	sld [smem:$0x3FFE];
	_ =	sdelay $0x1  }
0x8a: {  	s1 =	srdreg.scid  }
0x8b: {  	s0 =	sand.u32 $0x1, s1  }
0x8c: {  	s18 =	sshll.u32 s0, $0xA;
	s2 =	sadd.s32 s3, s2  }
0x8d: {  	s2 =	sadd.s32 s2, s18  }
0x8e: {  	[smem:$0x3FC4] =	sst s2  }
0x8f: {  	_ = 	snop  }
0x90: {  	s2 =	sld [smem:$0x3FC9]  }
0x91: {  	s19 =	sld [smem:$0x3FC8]  }
0x92: {  	s4 =	sld [smem:$0x3FC7]  }
0x93: {  	s5 =	sld [smem:$0x3FC6]  }
0x94: {  	s6 =	sld [smem:$0x3FD0];
	(tm) =	ssettm $0x1  }
0x95: {  	s7 =	sld [smem:$0x3FFB];
	_ =	sdelay $0x3  }
0x96: {  	_ =	strace s7  }
0x97: {  	s7 =	sld [smem:$0x3FFC];
	_ =	sdelay $0x3  }
0x98: {  	_ =	strace s7  }
0x99: {  	s7 =	sld [smem:$0x3FFD];
	_ =	sdelay $0x3  }
0x9a: {  	_ =	strace s7  }
0x9b: {  	_ =	strace $0x8FFFFFFF  }
0x9c: {  	s20 =	sld [smem:$0x3FDB];
	_ =	sdelay $0x1  }
0x9d: {  	s8 =	simm.s32 $_scs_section_size  }
0x9e: {  	s9 =	simm.s32 $_size__tile_overlayer_lowered;
	s10 =	simm.s32 $_tile_overlayer_lowered  }
0x9f: {  	s23 =	simm.s32 $0x1BFF;
	s22 =	sshll.u32 s10, $0x1;
	s7 =	sadd.s32 s8, s20  }
0xa0: {  	s11 =	simm.s32 $0x0;
	s21 =	sshll.u32 s9, $0x1;
	s9 =	sadd.s32 s22, s7  }
0xa1: {  	[timem:s11], [sflag:s23] =	dma.local [hbm:s9], s21  }
0xa2: {  	_ =	swait.ge [sflag:s23], s21  }
0xa3: {  	s8 =	ssub.s32 $0x0, s21;
	[sflag:s23] =	ssyncset.done $0x0  }
0xa4: {  	[sflag:s23] =	ssyncadd.s32 s8;
	_ =	sdelay $0x1  }
0xa5: {  	s24 =	simm.s32 $0x1B8B  }
0xa6: {  	_ =	swait.ge [sflag:s24], $0x1  }
0xa7: {  	[sflag:s24] =	ssyncset.done $0x0  }
0xa8: {  	s25 =	simm.s32 $0x1B8E;
	[sflag:s24] =	ssyncadd.s32 $0xFFFFFFFF  }
0xa9: {  	s26 =	simm.s32 $execute0_lowered;
	[smem:$0x3FD2] =	sst s25  }
0xaa: {  	s8 =	sshll.u32 s26, $0x1;
	_ =	strace $0x80000046;
	[dreg:$0x1] =	wrdreg $0xFFFFFFFF  }
0xab: {  	s28 =	simm.s32 $_size_execute0_lowered;
	s7 =	sadd.s32 s7, s8;
	[dreg:$0x0] =	wrdreg $0x0  }
0xac: {  	s8 =	sshll.u32 s28, $0x1;
	[dreg:$0x2] =	wrdreg s7  }
0xad: {  	[dreg:$0x3] =	wrdreg s8  }
0xae: {  	[dreg:$0x4] =	wrdreg $0xC0  }
0xaf: {  	_ =	task [dreg:s11], $0x5FFFF  }
0xb0: {  	[dreg:$0x1] =	wrdreg $0xFFFFFFFF  }
0xb1: {  	[dreg:$0x0] =	wrdreg $0x60  }
0xb2: {  	[dreg:$0x2] =	wrdreg s2  }
0xb3: {  	[dreg:$0x3] =	wrdreg s19  }
0xb4: {  	[dreg:$0x4] =	wrdreg s4  }
0xb5: {  	[dreg:$0x5] =	wrdreg s5  }
0xb6: {  	[dreg:$0x6] =	wrdreg s6  }
0xb7: {  	[dreg:$0x7] =	wrdreg $0x9  }
0xb8: {  	_ =	task.clear_ibuf [dreg:s11], $0x8FFFF;
	_ =	strace $0x90000046  }
0xb9: {  	s29 =	simm.s32 $0x9;
	_ =	strace $0x80000048  }
0xba: {  	_ =	swait.ge [sflag:s29], $0x1  }
0xbb: {  	[sflag:s29] =	ssyncadd.s32 $0xFFFFFFFF  }
0xbc: {  	_ =	strace $0x90000048  }
0xbd: {  	_ =	sfence  }
0xbe: {  	s30 =	sld [smem:$0x0];
	_ =	sdelay $0x2  }
0xbf: {  	s31 =	sshll.u32 s1, $0xD;
	s1 =	sshrl.u32 s1, $0x2  }
0xc0: {  	s3 =	sand.u32 $0x4000, s31;
	s1 =	sadd.s32 s1, s30  }
0xc1: {  	s0 =	sor.u32 s3, s0;
	s1 =	sshll.u32 s1, $0x11  }
0xc2: {  	s0 =	sor.u32 s1, s0  }
0xc3: {  	s0 =	sadd.s32 $0x8F2B, s0  }
0xc4: {  	[sflag:s0] =	ssyncadd.remote.s32 $0x1  }
0xc5: {  	_ =	sfence.sel $0xFFFF  }
0xc6: {  	[dreg:$0x0] =	wrdreg $0xFFFFFFFF;
	(pc) =	sbr.abs _section_cstart, $3  }
0xc7: {  	[dreg:$0x1] =	wrdreg $0xFFFFFFFF  }
0xc8: {  	_ =	task.clear_ibuf [dreg:s11], $0x2FFFF;
	_ =	strace $0x9FFFFFFF  }
0xc9: {  	(tm) =	ssettm $0x7FFFFFFF  }
tec
execute0_lowered:
.L_overlay_start_1:
0x0: {  	(tag) =	ssettag $0x1  }
0x1: {  	s0 =	rddreg [dreg:$0x0]  }
0x2: {  	s2 =	rddreg [dreg:$0x1]  }
0x3: {  	s31 =	rddreg [dreg:$0x2]  }
0x4: {  	s18 =	rddreg [dreg:$0x3]  }
0x5: {  	s4 =	rddreg [dreg:$0x4]  }
0x6: {  	s5 =	srdreg.scid;
	s1 =	stileid.u32  }
0x7: {  	s3 =	simm.s32 $0x0;
	s12 =	simm.s32 $0xE0;
	s13 =	simm.s32 $0x3A00  }
0x8: {  	s14 =	simm.s32 $0xAA00;
	s15 =	simm.s32 $0x1;
	s16 =	simm.s32 $0x80  }
0x9: {  	s17 =	simm.s32 $0x100000;
	s25 =	simm.s32 $0x3800;
	s26 =	simm.s32 $0x3900  }
0xa: {  	s28 =	simm.s32 $0xFE00;
	s29 =	simm.s32 $0x4;
	s30 =	simm.s32 $0x6  }
0xb: {  	s5 =	sand.u32 $0x1, s5;
	s6 =	sshll.u32 s1, $0x1;
	[smem:$0x7FF] =	sst s3  }
0xc: {  	s19 =	sshll.u32 s1, $0xC;
	s9 =	smul.u32 $0x22, s1;
	s7 =	ssub.s32 $0x2, s5  }
0xd: {  	s6 =	sor.u32 s5, s6;
	_ =	strace $0x80000047;
	s10 =	sadd.s32 s19, s4  }
0xe: {  	s11 =	sshll.u32 s5, $0xB;
	s5 =	smul.u32 $0x11, s5;
	[dreg:$0x9] =	wrdreg s25  }
0xf: {  	[dreg:$0xa] =	wrdreg s26;
	s25 =	simm.s32 $0xC600;
	s26 =	simm.s32 $0xE200  }
0x10: {  	s8 =	sshrl.u32 s7, $0x1;
	s6 =	smul.u32 $0x380, s6;
	s21 =	sadd.s32 s11, s10  }
0x11: {  	s10 =	simm.s32 $0x5600;
	[dreg:$0x6] =	wrdreg s21;
	s22 =	sadd.s32 s5, s9  }
0x12: {  	s7 =	ssub.s32 s7, s8;
	s0 =	sadd.s32 s0, s6;
	[dreg:$0x7] =	wrdreg s22  }
0x13: {  	s8 =	sor.u32 s11, s19;
	s20 =	sadd.s32 s2, s6;
	[dreg:$0xb] =	wrdreg s0  }
0x14: {  	s19 =	simm.s32 $0x7200;
	s23 =	smax.u32 s7, $0x1;
	[dreg:$0xc] =	wrdreg s20  }
0x15: {  	s21 =	simm.s32 $0x3;
	s24 =	sadd.s32 s8, s4;
	[dreg:$0xd] =	wrdreg s23  }
0x16: {  	s22 =	simm.s32 $0x5;
	s2 =	simm.s32 $0x0;
	[dreg:$0x8] =	wrdreg s24  }
0x17: {  	v0 =	vlaneseq.u32;
	s20 =	simm.s32 $0x8E00;
	s23 =	simm.s32 $0x7;
	s24 =	simm.s32 $0x2  }
.LBB2_1:
0x18: {  	[dreg:$0xe] =	wrdreg s2  }
0x19: {  	s0 =	simm.s32 $0x0;
	s1 =	rddreg [dreg:$0xb];
	s9 =	simm.s32 $0x9  }
0x1a: {  	[tilespmem:s0], [sflag:$0x9] =	stream.linear.gather [hbm4b:s1+s0], $0x1C00, $0x38;
	[tilespmem:$0x11A00] =	vst v63  }
0x1b: {  	_ =	swait.ge [sflag:s9], $0x1C00  }
0x1c: {  	[sflag:s9] =	ssyncset.done $0x0  }
0x1d: {  	s3 =	simm.s32 $0x1C00;
	s11 =	rddreg [dreg:$0xc];
	[sflag:s9] =	ssyncadd.s32 $0xFFFFE400  }
0x1e: {  	[tilespmem:s3], [sflag:$0x9] =	stream.linear.gather [hbm4b:s11+s0], $0x1C00, $0x38;
	[tilespmem:$0x11A00] =	vst v63  }
0x1f: {  	_ =	swait.ge [sflag:s9], $0x1C00  }
0x20: {  	[sflag:s9] =	ssyncset.done $0x0  }
0x21: {  	s2 =	simm.s32 $0x1CE0;
	[sflag:s9] =	ssyncadd.s32 $0xFFFFE400  }
0x22: {  	[tilespmem:s13], [sflag:$0x1] =	stream.indirect.gather [hbm4b:s31+s12], $0x80, s0, s12, $0xb8;
	[tilespmem:$0x11A00] =	vst v63  }
0x23: {  	v1 =	vld [tilespmem:s2+$0xFFFFFF20];
	_ =	sdelay $0x1  }
0x24: {  	s5 =	rddreg [dreg:$0x7]  }
0x25: {  	s5 =	sadd.s32 $0x0, s5  }
0x26: {  	v2 =	vadd.s32 s5, v0  }
0x27: {  	v2 =	vand.u32 $0x1FF, v2;
	v1 =	vshll.u32 v1, $0x9  }
0x28: {  	v1 =	vor.u32 v2, v1  }
0x29: {  	[tilespmem:$0x3800] =	vst v1  }
0x2a: {  	v1 =	vld [tilespmem:s2+$0xFFFFFF30];
	_ =	sdelay $0x2  }
0x2b: {  	s6 =	sadd.s32 $0x10, s5  }
0x2c: {  	v2 =	vadd.s32 s6, v0  }
0x2d: {  	v2 =	vand.u32 $0x1FF, v2;
	v1 =	vshll.u32 v1, $0x9  }
0x2e: {  	v1 =	vor.u32 v2, v1  }
0x2f: {  	[tilespmem:$0x3810] =	vst v1  }
0x30: {  	v1 =	vld [tilespmem:s2+$0xFFFFFF40];
	_ =	sdelay $0x2  }
0x31: {  	s1 =	sadd.s32 $0x20, s5  }
0x32: {  	v2 =	vadd.s32 s1, v0  }
0x33: {  	v2 =	vand.u32 $0x1FF, v2;
	v1 =	vshll.u32 v1, $0x9  }
0x34: {  	v1 =	vor.u32 v2, v1  }
0x35: {  	[tilespmem:$0x3820] =	vst v1  }
0x36: {  	v1 =	vld [tilespmem:s2+$0xFFFFFF50];
	_ =	sdelay $0x2  }
0x37: {  	s3 =	sadd.s32 $0x30, s5  }
0x38: {  	v2 =	vadd.s32 s3, v0  }
0x39: {  	v2 =	vand.u32 $0x1FF, v2;
	v1 =	vshll.u32 v1, $0x9  }
0x3a: {  	v1 =	vor.u32 v2, v1  }
0x3b: {  	[tilespmem:$0x3830] =	vst v1  }
0x3c: {  	v1 =	vld [tilespmem:s2+$0xFFFFFF60];
	_ =	sdelay $0x2  }
0x3d: {  	s7 =	sadd.s32 $0x40, s5  }
0x3e: {  	v2 =	vadd.s32 s7, v0  }
0x3f: {  	v2 =	vand.u32 $0x1FF, v2;
	v1 =	vshll.u32 v1, $0x9  }
0x40: {  	v1 =	vor.u32 v2, v1  }
0x41: {  	[tilespmem:$0x3840] =	vst v1  }
0x42: {  	v1 =	vld [tilespmem:s2+$0xFFFFFF70];
	_ =	sdelay $0x2  }
0x43: {  	s9 =	sadd.s32 $0x50, s5  }
0x44: {  	v2 =	vadd.s32 s9, v0  }
0x45: {  	v2 =	vand.u32 $0x1FF, v2;
	v1 =	vshll.u32 v1, $0x9  }
0x46: {  	v1 =	vor.u32 v2, v1  }
0x47: {  	[tilespmem:$0x3850] =	vst v1  }
0x48: {  	v1 =	vld [tilespmem:s2+$0xFFFFFF80];
	_ =	sdelay $0x2  }
0x49: {  	s11 =	sadd.s32 $0x60, s5  }
0x4a: {  	v2 =	vadd.s32 s11, v0  }
0x4b: {  	v2 =	vand.u32 $0x1FF, v2;
	v1 =	vshll.u32 v1, $0x9  }
0x4c: {  	v1 =	vor.u32 v2, v1  }
0x4d: {  	[tilespmem:$0x3860] =	vst v1  }
0x4e: {  	v1 =	vld [tilespmem:s2+$0xFFFFFF90];
	_ =	sdelay $0x2  }
0x4f: {  	s1 =	sadd.s32 $0x70, s5  }
0x50: {  	v2 =	vadd.s32 s1, v0  }
0x51: {  	v2 =	vand.u32 $0x1FF, v2;
	v1 =	vshll.u32 v1, $0x9  }
0x52: {  	v1 =	vor.u32 v2, v1  }
0x53: {  	s3 =	sand.u32 $0x1FC0, s0;
	[tilespmem:$0x3870] =	vst v1  }
0x54: {  	v1 =	vld [tilespmem:s3+$0x1C80];
	_ =	sdelay $0x2  }
0x55: {  	s7 =	sadd.s32 $0x80, s5  }
0x56: {  	v2 =	vadd.s32 s7, v0  }
0x57: {  	v2 =	vand.u32 $0x1FF, v2;
	v1 =	vshll.u32 v1, $0x9  }
0x58: {  	v1 =	vor.u32 v2, v1  }
0x59: {  	[tilespmem:$0x3880] =	vst v1  }
0x5a: {  	v1 =	vld [tilespmem:s2+$0xFFFFFFB0];
	_ =	sdelay $0x2  }
0x5b: {  	s9 =	sadd.s32 $0x90, s5  }
0x5c: {  	v2 =	vadd.s32 s9, v0  }
0x5d: {  	v2 =	vand.u32 $0x1FF, v2;
	v1 =	vshll.u32 v1, $0x9  }
0x5e: {  	v1 =	vor.u32 v2, v1  }
0x5f: {  	[tilespmem:$0x3890] =	vst v1  }
0x60: {  	v1 =	vld [tilespmem:s2+$0xFFFFFFC0];
	_ =	sdelay $0x2  }
0x61: {  	s11 =	sadd.s32 $0xA0, s5  }
0x62: {  	v2 =	vadd.s32 s11, v0  }
0x63: {  	v2 =	vand.u32 $0x1FF, v2;
	v1 =	vshll.u32 v1, $0x9  }
0x64: {  	v1 =	vor.u32 v2, v1  }
0x65: {  	[tilespmem:$0x38A0] =	vst v1  }
0x66: {  	v1 =	vld [tilespmem:s2+$0xFFFFFFD0];
	_ =	sdelay $0x2  }
0x67: {  	s0 =	sadd.s32 $0xB0, s5  }
0x68: {  	v2 =	vadd.s32 s0, v0  }
0x69: {  	v2 =	vand.u32 $0x1FF, v2;
	v1 =	vshll.u32 v1, $0x9  }
0x6a: {  	v1 =	vor.u32 v2, v1  }
0x6b: {  	[tilespmem:$0x38B0] =	vst v1  }
0x6c: {  	v1 =	vld [tilespmem:s2+$0xFFFFFFE0];
	_ =	sdelay $0x2  }
0x6d: {  	s1 =	sadd.s32 $0xC0, s5  }
0x6e: {  	v2 =	vadd.s32 s1, v0  }
0x6f: {  	v2 =	vand.u32 $0x1FF, v2;
	v1 =	vshll.u32 v1, $0x9  }
0x70: {  	v1 =	vor.u32 v2, v1  }
0x71: {  	[tilespmem:$0x38C0] =	vst v1  }
0x72: {  	v1 =	vld [tilespmem:s2+$0xFFFFFFF0];
	_ =	sdelay $0x2  }
0x73: {  	s3 =	sadd.s32 $0xD0, s5  }
0x74: {  	v2 =	vadd.s32 s3, v0  }
0x75: {  	v2 =	vand.u32 $0x1FF, v2;
	v1 =	vshll.u32 v1, $0x9  }
0x76: {  	p0 =	por $0x1, $0x1;
	v1 =	vor.u32 v2, v1  }
0x77: {  	s6 =	simm.s32 @!p0 $0x8;
	[tilespmem:$0x38D0] =	vst v1  }
0x78: {  	_ =	swait.ge @!p0 [sflag:s6], $0x1900  }
0x79: {  	[sflag:s6] =	ssyncset.done @!p0 $0x0  }
0x7a: {  	[sflag:s6] =	ssyncadd.s32 @!p0 $0xFFFFE700  }
0x7b: {  	_ =	swait.ge @!p0 [sflag:s6], $0x1900  }
0x7c: {  	[sflag:s6] =	ssyncset.done @!p0 $0x0  }
0x7d: {  	[sflag:s6] =	ssyncadd.s32 @!p0 $0xFFFFE700  }
0x7e: {  	_ =	swait.ge @!p0 [sflag:s6], $0x1900  }
0x7f: {  	[sflag:s6] =	ssyncset.done @!p0 $0x0  }
0x80: {  	[sflag:s6] =	ssyncadd.s32 @!p0 $0xFFFFE700  }
0x81: {  	_ =	swait.ge @!p0 [sflag:s6], $0x1900  }
0x82: {  	[sflag:s6] =	ssyncset.done @!p0 $0x0  }
0x83: {  	s7 =	simm.s32 $0xE0;
	[sflag:s6] =	ssyncadd.s32 @!p0 $0xFFFFE700  }
0x84: {  	[tilespmem:s14], [sflag:$0x2] =	stream.indirect.gather [hbm4b:s31+s12], $0x80, s7, s12, $0xb8;
	[tilespmem:$0x11A00] =	vst v63  }
0x85: {  	_ =	swait.ge [sflag:s15], $0x7000  }
0x86: {  	s9 =	rddreg [dreg:$0x6];
	[sflag:s15] =	ssyncset.done $0x0  }
0x87: {  	[sflag:s15] =	ssyncadd.s32 $0xFFFF9000;
	s6 =	sadd.s32 $0x0, s9  }
0x88: {  	[hbm4b:s6+s16] =	stream.strided.scatter [tilespmem:s13], [sflag:$0x3], $0x1900, s17, s16, $0x38;
	[tilespmem:$0x11A00] =	vst v63  }
0x89: {  	s7 =	sadd.s32 $0x10, s6  }
0x8a: {  	[hbm4b:s7+s16] =	stream.strided.scatter [tilespmem:s10], [sflag:$0x3], $0x1900, s17, s16, $0x38;
	[tilespmem:$0x11A00] =	vst v63  }
0x8b: {  	s11 =	sadd.s32 $0x20, s6  }
0x8c: {  	[hbm4b:s11+s16] =	stream.strided.scatter [tilespmem:s19], [sflag:$0x3], $0x1900, s17, s16, $0x38;
	[tilespmem:$0x11A00] =	vst v63  }
0x8d: {  	s0 =	sadd.s32 $0x30, s6  }
0x8e: {  	[hbm4b:s0+s16] =	stream.strided.scatter [tilespmem:s20], [sflag:$0x3], $0x1900, s17, s16, $0x38;
	[tilespmem:$0x11A00] =	vst v63  }
0x8f: {  	_ =	swait.ge [sflag:s21], $0x1900  }
0x90: {  	[sflag:s21] =	ssyncset.done $0x0  }
0x91: {  	[sflag:s21] =	ssyncadd.s32 $0xFFFFE700  }
0x92: {  	_ =	swait.ge [sflag:s21], $0x1900  }
0x93: {  	[sflag:s21] =	ssyncset.done $0x0  }
0x94: {  	[sflag:s21] =	ssyncadd.s32 $0xFFFFE700  }
0x95: {  	_ =	swait.ge [sflag:s21], $0x1900  }
0x96: {  	[sflag:s21] =	ssyncset.done $0x0  }
0x97: {  	[sflag:s21] =	ssyncadd.s32 $0xFFFFE700  }
0x98: {  	_ =	swait.ge [sflag:s21], $0x1900  }
0x99: {  	[sflag:s21] =	ssyncset.done $0x0  }
0x9a: {  	s1 =	rddreg [dreg:$0x9];
	[sflag:s21] =	ssyncadd.s32 $0xFFFFE700  }
0x9b: {  	[tilespmem:s13], [sflag:$0x5] =	stream.indirect.gather.add.f32 [hbm:s18], $0x80, s1, s12, $0xb8;
	[tilespmem:$0x11A00] =	vst v63  }
0x9c: {  	_ =	swait.ge [sflag:s22], $0x7000  }
0x9d: {  	[sflag:s22] =	ssyncset.done $0x0  }
0x9e: {  	s3 =	sadd.s32 $0x10000, s6;
	[sflag:s22] =	ssyncadd.s32 $0xFFFF9000  }
0x9f: {  	[hbm4b:s3+s16] =	stream.strided.scatter [tilespmem:s13], [sflag:$0x7], $0x1900, s17, s16, $0x38;
	[tilespmem:$0x11A00] =	vst v63  }
0xa0: {  	s9 =	sadd.s32 $0x10010, s6  }
0xa1: {  	[hbm4b:s9+s16] =	stream.strided.scatter [tilespmem:s10], [sflag:$0x7], $0x1900, s17, s16, $0x38;
	[tilespmem:$0x11A00] =	vst v63  }
0xa2: {  	s11 =	sadd.s32 $0x10020, s6  }
0xa3: {  	[hbm4b:s11+s16] =	stream.strided.scatter [tilespmem:s19], [sflag:$0x7], $0x1900, s17, s16, $0x38;
	[tilespmem:$0x11A00] =	vst v63  }
0xa4: {  	s0 =	sadd.s32 $0x10030, s6  }
0xa5: {  	[hbm4b:s0+s16] =	stream.strided.scatter [tilespmem:s20], [sflag:$0x7], $0x1900, s17, s16, $0x38;
	[tilespmem:$0x11A00] =	vst v63  }
0xa6: {  	v1 =	vld [tilespmem:s2+$0x0];
	_ =	sdelay $0x2  }
0xa7: {  	s1 =	sadd.s32 $0xE0, s5  }
0xa8: {  	v2 =	vadd.s32 s1, v0  }
0xa9: {  	v2 =	vand.u32 $0x1FF, v2;
	v1 =	vshll.u32 v1, $0x9  }
0xaa: {  	v1 =	vor.u32 v2, v1  }
0xab: {  	[tilespmem:$0x3900] =	vst v1  }
0xac: {  	v1 =	vld [tilespmem:s2+$0x10];
	_ =	sdelay $0x2  }
0xad: {  	s3 =	sadd.s32 $0xF0, s5  }
0xae: {  	v2 =	vadd.s32 s3, v0  }
0xaf: {  	v2 =	vand.u32 $0x1FF, v2;
	v1 =	vshll.u32 v1, $0x9  }
0xb0: {  	v1 =	vor.u32 v2, v1  }
0xb1: {  	[tilespmem:$0x3910] =	vst v1  }
0xb2: {  	v1 =	vld [tilespmem:s2+$0x20];
	_ =	sdelay $0x2  }
0xb3: {  	s9 =	sadd.s32 $0x100, s5  }
0xb4: {  	v2 =	vadd.s32 s9, v0  }
0xb5: {  	v2 =	vand.u32 $0x1FF, v2;
	v1 =	vshll.u32 v1, $0x9  }
0xb6: {  	v1 =	vor.u32 v2, v1  }
0xb7: {  	[tilespmem:$0x3920] =	vst v1  }
0xb8: {  	v1 =	vld [tilespmem:s2+$0x30];
	_ =	sdelay $0x2  }
0xb9: {  	s10 =	sadd.s32 $0x110, s5  }
0xba: {  	v2 =	vadd.s32 s10, v0  }
0xbb: {  	v2 =	vand.u32 $0x1FF, v2;
	v1 =	vshll.u32 v1, $0x9  }
0xbc: {  	v1 =	vor.u32 v2, v1  }
0xbd: {  	[tilespmem:$0x3930] =	vst v1  }
0xbe: {  	v1 =	vld [tilespmem:s2+$0x40];
	_ =	sdelay $0x2  }
0xbf: {  	s11 =	sadd.s32 $0x120, s5  }
0xc0: {  	v2 =	vadd.s32 s11, v0  }
0xc1: {  	v2 =	vand.u32 $0x1FF, v2;
	v1 =	vshll.u32 v1, $0x9  }
0xc2: {  	v1 =	vor.u32 v2, v1  }
0xc3: {  	[tilespmem:$0x3940] =	vst v1  }
0xc4: {  	v1 =	vld [tilespmem:s2+$0x50];
	_ =	sdelay $0x2  }
0xc5: {  	s19 =	sadd.s32 $0x130, s5  }
0xc6: {  	v2 =	vadd.s32 s19, v0  }
0xc7: {  	v2 =	vand.u32 $0x1FF, v2;
	v1 =	vshll.u32 v1, $0x9  }
0xc8: {  	v1 =	vor.u32 v2, v1  }
0xc9: {  	[tilespmem:$0x3950] =	vst v1  }
0xca: {  	v1 =	vld [tilespmem:s2+$0x60];
	_ =	sdelay $0x2  }
0xcb: {  	s20 =	sadd.s32 $0x140, s5  }
0xcc: {  	v2 =	vadd.s32 s20, v0  }
0xcd: {  	v2 =	vand.u32 $0x1FF, v2;
	v1 =	vshll.u32 v1, $0x9  }
0xce: {  	v1 =	vor.u32 v2, v1  }
0xcf: {  	[tilespmem:$0x3960] =	vst v1  }
0xd0: {  	v1 =	vld [tilespmem:s2+$0x70];
	_ =	sdelay $0x2  }
0xd1: {  	s0 =	sadd.s32 $0x150, s5  }
0xd2: {  	v2 =	vadd.s32 s0, v0  }
0xd3: {  	v2 =	vand.u32 $0x1FF, v2;
	v1 =	vshll.u32 v1, $0x9  }
0xd4: {  	s1 =	simm.s32 $0xE0;
	v1 =	vor.u32 v2, v1  }
0xd5: {  	s7 =	sand.u32 $0x1FE0, s1;
	[tilespmem:$0x3970] =	vst v1  }
0xd6: {  	v1 =	vld [tilespmem:s7+$0x1C80];
	_ =	sdelay $0x2  }
0xd7: {  	s3 =	sadd.s32 $0x160, s5  }
0xd8: {  	v2 =	vadd.s32 s3, v0  }
0xd9: {  	v2 =	vand.u32 $0x1FF, v2;
	v1 =	vshll.u32 v1, $0x9  }
0xda: {  	v1 =	vor.u32 v2, v1  }
0xdb: {  	[tilespmem:$0x3980] =	vst v1  }
0xdc: {  	v1 =	vld [tilespmem:s2+$0x90];
	_ =	sdelay $0x2  }
0xdd: {  	s9 =	sadd.s32 $0x170, s5  }
0xde: {  	v2 =	vadd.s32 s9, v0  }
0xdf: {  	v2 =	vand.u32 $0x1FF, v2;
	v1 =	vshll.u32 v1, $0x9  }
0xe0: {  	v1 =	vor.u32 v2, v1  }
0xe1: {  	[tilespmem:$0x3990] =	vst v1  }
0xe2: {  	v1 =	vld [tilespmem:s2+$0xA0];
	_ =	sdelay $0x2  }
0xe3: {  	s10 =	sadd.s32 $0x180, s5  }
0xe4: {  	v2 =	vadd.s32 s10, v0  }
0xe5: {  	v2 =	vand.u32 $0x1FF, v2;
	v1 =	vshll.u32 v1, $0x9  }
0xe6: {  	v1 =	vor.u32 v2, v1  }
0xe7: {  	[tilespmem:$0x39A0] =	vst v1  }
0xe8: {  	v1 =	vld [tilespmem:s2+$0xB0];
	_ =	sdelay $0x2  }
0xe9: {  	s11 =	sadd.s32 $0x190, s5  }
0xea: {  	v2 =	vadd.s32 s11, v0  }
0xeb: {  	v2 =	vand.u32 $0x1FF, v2;
	v1 =	vshll.u32 v1, $0x9  }
0xec: {  	v1 =	vor.u32 v2, v1  }
0xed: {  	[tilespmem:$0x39B0] =	vst v1  }
0xee: {  	v1 =	vld [tilespmem:s2+$0xC0];
	_ =	sdelay $0x2  }
0xef: {  	s19 =	sadd.s32 $0x1A0, s5  }
0xf0: {  	v2 =	vadd.s32 s19, v0  }
0xf1: {  	v2 =	vand.u32 $0x1FF, v2;
	v1 =	vshll.u32 v1, $0x9  }
0xf2: {  	v1 =	vor.u32 v2, v1  }
0xf3: {  	[tilespmem:$0x39C0] =	vst v1  }
0xf4: {  	v1 =	vld [tilespmem:s2+$0xD0];
	_ =	sdelay $0x2  }
0xf5: {  	s20 =	sadd.s32 $0x1B0, s5  }
0xf6: {  	v2 =	vadd.s32 s20, v0  }
0xf7: {  	v2 =	vand.u32 $0x1FF, v2;
	v1 =	vshll.u32 v1, $0x9  }
0xf8: {  	v1 =	vor.u32 v2, v1  }
0xf9: {  	[tilespmem:$0x39D0] =	vst v1  }
0xfa: {  	_ =	swait.ge [sflag:s23], $0x1900  }
0xfb: {  	[sflag:s23] =	ssyncset.done $0x0  }
0xfc: {  	[sflag:s23] =	ssyncadd.s32 $0xFFFFE700  }
0xfd: {  	_ =	swait.ge [sflag:s23], $0x1900  }
0xfe: {  	[sflag:s23] =	ssyncset.done $0x0  }
0xff: {  	[sflag:s23] =	ssyncadd.s32 $0xFFFFE700  }
0x100: {  	_ =	swait.ge [sflag:s23], $0x1900  }
0x101: {  	[sflag:s23] =	ssyncset.done $0x0  }
0x102: {  	[sflag:s23] =	ssyncadd.s32 $0xFFFFE700  }
0x103: {  	p0 =	por $0x0, $0x0;
	_ =	swait.ge [sflag:s23], $0x1900  }
0x104: {  	s5 =	simm.s32 @!p0 $0xE0;
	[sflag:s23] =	ssyncset.done $0x0  }
0x105: {  	s7 =	simm.s32 @!p0 $0x3A00;
	s2 =	simm.s32 $0x1C0;
	[sflag:s23] =	ssyncadd.s32 $0xFFFFE700  }
0x106: {  	[tilespmem:s7], [sflag:$0x1] =	stream.indirect.gather @!p0 [hbm4b:s31+s5], $0x80, s2, s5, $0xb8;
	[tilespmem:$0x11A00] =	vst v63  }
0x107: {  	s0 =	sadd.s32 $0x0, s8;
	_ =	swait.ge [sflag:s24], $0x7000  }
0x108: {  	s5 =	sadd.s32 $0x40, s0;
	[sflag:s24] =	ssyncset.done $0x0  }
0x109: {  	s6 =	sadd.s32 $0x40, s6;
	s1 =	sor.u32 $0x50, s5;
	[sflag:s24] =	ssyncadd.s32 $0xFFFF9000  }
0x10a: {  	[hbm4b:s6+s16] =	stream.strided.scatter [tilespmem:s14], [sflag:$0x4], $0x1900, s17, s16, $0x38;
	[tilespmem:$0x11A00] =	vst v63  }
0x10b: {  	s3 =	sor.u32 $0x60, s5;
	s6 =	sadd.s32 s4, s1  }
0x10c: {  	[hbm4b:s6+s16] =	stream.strided.scatter [tilespmem:s25], [sflag:$0x4], $0x1900, s17, s16, $0x38;
	[tilespmem:$0x11A00] =	vst v63  }
0x10d: {  	s5 =	sor.u32 $0x70, s5;
	s7 =	sadd.s32 s4, s3  }
0x10e: {  	[hbm4b:s7+s16] =	stream.strided.scatter [tilespmem:s26], [sflag:$0x4], $0x1900, s17, s16, $0x38;
	[tilespmem:$0x11A00] =	vst v63  }
0x10f: {  	s5 =	sadd.s32 s4, s5  }
0x110: {  	[hbm4b:s5+s16] =	stream.strided.scatter [tilespmem:s28], [sflag:$0x4], $0x1900, s17, s16, $0x38;
	[tilespmem:$0x11A00] =	vst v63  }
0x111: {  	_ =	swait.ge [sflag:s29], $0x1900  }
0x112: {  	[sflag:s29] =	ssyncset.done $0x0  }
0x113: {  	[sflag:s29] =	ssyncadd.s32 $0xFFFFE700  }
0x114: {  	_ =	swait.ge [sflag:s29], $0x1900  }
0x115: {  	[sflag:s29] =	ssyncset.done $0x0  }
0x116: {  	[sflag:s29] =	ssyncadd.s32 $0xFFFFE700  }
0x117: {  	_ =	swait.ge [sflag:s29], $0x1900  }
0x118: {  	[sflag:s29] =	ssyncset.done $0x0  }
0x119: {  	[sflag:s29] =	ssyncadd.s32 $0xFFFFE700  }
0x11a: {  	_ =	swait.ge [sflag:s29], $0x1900  }
0x11b: {  	[sflag:s29] =	ssyncset.done $0x0  }
0x11c: {  	s9 =	rddreg [dreg:$0xa];
	[sflag:s29] =	ssyncadd.s32 $0xFFFFE700  }
0x11d: {  	[tilespmem:s14], [sflag:$0x6] =	stream.indirect.gather.add.f32 [hbm:s18], $0x80, s9, s12, $0xb8;
	[tilespmem:$0x11A00] =	vst v63  }
0x11e: {  	_ =	swait.ge [sflag:s30], $0x7000  }
0x11f: {  	s10 =	rddreg [dreg:$0x8]  }
0x120: {  	[sflag:s30] =	ssyncset.done $0x0;
	s5 =	sadd.s32 $0x0, s10  }
0x121: {  	[sflag:s30] =	ssyncadd.s32 $0xFFFF9000;
	s11 =	sadd.s32 $0x10040, s5  }
0x122: {  	[hbm4b:s11+s16] =	stream.strided.scatter [tilespmem:s14], [sflag:$0x8], $0x1900, s17, s16, $0x38;
	[tilespmem:$0x11A00] =	vst v63  }
0x123: {  	s6 =	simm.s32 $0x1EA0;
	s7 =	simm.s32 $0x0;
	s19 =	sadd.s32 $0x10050, s5  }
0x124: {  	[hbm4b:s19+s16] =	stream.strided.scatter [tilespmem:s25], [sflag:$0x8], $0x1900, s17, s16, $0x38;
	[tilespmem:$0x11A00] =	vst v63  }
0x125: {  	s20 =	sadd.s32 $0x10060, s5;
	s5 =	sadd.s32 $0x10070, s5;
	s11 =	simm.s32 $0x1C0  }
0x126: {  	[hbm4b:s20+s16] =	stream.strided.scatter [tilespmem:s26], [sflag:$0x8], $0x1900, s17, s16, $0x38;
	[tilespmem:$0x11A00] =	vst v63  }
.LBB2_2:
0x127: {  	[hbm4b:s5+s16] =	stream.strided.scatter [tilespmem:s28], [sflag:$0x8], $0x1900, s17, s16, $0x38;
	[tilespmem:$0x11A00] =	vst v63  }
0x128: {  	v1 =	vld [tilespmem:s6+$0xFFFFFF20];
	_ =	sdelay $0x1  }
0x129: {  	s9 =	smov.u32 s11;
	s1 =	rddreg [dreg:$0x7]  }
0x12a: {  	s5 =	sadd.s32 s9, s1  }
0x12b: {  	v2 =	vadd.s32 s5, v0  }
0x12c: {  	v2 =	vand.u32 $0x1FF, v2;
	v1 =	vshll.u32 v1, $0x9  }
0x12d: {  	v1 =	vor.u32 v2, v1  }
0x12e: {  	[tilespmem:$0x3800] =	vst v1  }
0x12f: {  	v1 =	vld [tilespmem:s6+$0xFFFFFF30];
	_ =	sdelay $0x2  }
0x130: {  	s10 =	sadd.s32 $0x10, s5  }
0x131: {  	v3 =	vadd.s32 s10, v0  }
0x132: {  	v2 =	vand.u32 $0x1FF, v3;
	v1 =	vshll.u32 v1, $0x9  }
0x133: {  	v1 =	vor.u32 v2, v1  }
0x134: {  	[tilespmem:$0x3810] =	vst v1  }
0x135: {  	v27 =	vld [tilespmem:s6+$0xFFFFFF40];
	_ =	sdelay $0x2  }
0x136: {  	s19 =	smov.u32 s18;
	s18 =	smov.u32 s31;
	s31 =	sadd.s32 $0x20, s5  }
0x137: {  	v21 =	vadd.s32 s31, v0  }
0x138: {  	v21 =	vand.u32 $0x1FF, v21;
	v27 =	vshll.u32 v27, $0x9  }
0x139: {  	v21 =	vor.u32 v21, v27  }
0x13a: {  	[tilespmem:$0x3820] =	vst v21  }
0x13b: {  	v21 =	vld [tilespmem:s6+$0xFFFFFF50];
	_ =	sdelay $0x2  }
0x13c: {  	s0 =	sadd.s32 $0x30, s5  }
0x13d: {  	v22 =	vadd.s32 s0, v0  }
0x13e: {  	v22 =	vand.u32 $0x1FF, v22;
	v21 =	vshll.u32 v21, $0x9  }
0x13f: {  	v21 =	vor.u32 v22, v21  }
0x140: {  	[tilespmem:$0x3830] =	vst v21  }
0x141: {  	v21 =	vld [tilespmem:s6+$0xFFFFFF60];
	_ =	sdelay $0x2  }
0x142: {  	s10 =	sadd.s32 $0x40, s5  }
0x143: {  	v23 =	vadd.s32 s10, v0  }
0x144: {  	v59 =	vand.u32 $0x1FF, v23;
	v21 =	vshll.u32 v21, $0x9  }
0x145: {  	v21 =	vor.u32 v59, v21  }
0x146: {  	[tilespmem:$0x3840] =	vst v21  }
0x147: {  	v21 =	vld [tilespmem:s6+$0xFFFFFF70];
	_ =	sdelay $0x2  }
0x148: {  	s1 =	sadd.s32 $0x50, s5  }
0x149: {  	v24 =	vadd.s32 s1, v0  }
0x14a: {  	v60 =	vand.u32 $0x1FF, v24;
	v21 =	vshll.u32 v21, $0x9  }
0x14b: {  	v21 =	vor.u32 v60, v21  }
0x14c: {  	[tilespmem:$0x3850] =	vst v21  }
0x14d: {  	v21 =	vld [tilespmem:s6+$0xFFFFFF80];
	_ =	sdelay $0x2  }
0x14e: {  	s3 =	sadd.s32 $0x60, s5  }
0x14f: {  	v25 =	vadd.s32 s3, v0  }
0x150: {  	v61 =	vand.u32 $0x1FF, v25;
	v21 =	vshll.u32 v21, $0x9  }
0x151: {  	v21 =	vor.u32 v61, v21  }
0x152: {  	[tilespmem:$0x3860] =	vst v21  }
0x153: {  	v21 =	vld [tilespmem:s6+$0xFFFFFF90];
	_ =	sdelay $0x2  }
0x154: {  	s0 =	sadd.s32 $0x70, s5  }
0x155: {  	s3 =	sadd.s32 $0xB0, s5;
	v26 =	vadd.s32 s0, v0  }
0x156: {  	v17 =	vadd.s32 s3, v0;
	s3 =	sadd.s32 $0x110, s5;
	v62 =	vand.u32 $0x1FF, v26;
	v21 =	vshll.u32 v21, $0x9  }
0x157: {  	v11 =	vadd.s32 s3, v0;
	s3 =	sadd.s32 $0x170, s5;
	v21 =	vor.u32 v62, v21  }
0x158: {  	v5 =	vadd.s32 s3, v0;
	s3 =	sand.u32 $0x1FC0, s9;
	[tilespmem:$0x3870] =	vst v21  }
0x159: {  	v21 =	vld [tilespmem:s3+$0x1C80];
	_ =	sdelay $0x2  }
0x15a: {  	s31 =	sadd.s32 $0x80, s5  }
0x15b: {  	v20 =	vadd.s32 s31, v0  }
0x15c: {  	v20 =	vand.u32 $0x1FF, v20;
	v21 =	vshll.u32 v21, $0x9  }
0x15d: {  	v20 =	vor.u32 v20, v21  }
0x15e: {  	[tilespmem:$0x3880] =	vst v20  }
0x15f: {  	v20 =	vld [tilespmem:s6+$0xFFFFFFB0];
	_ =	sdelay $0x2  }
0x160: {  	s20 =	smov.u32 s8;
	s8 =	sadd.s32 $0x90, s5  }
0x161: {  	v19 =	vadd.s32 s8, v0  }
0x162: {  	v19 =	vand.u32 $0x1FF, v19;
	v20 =	vshll.u32 v20, $0x9  }
0x163: {  	v19 =	vor.u32 v19, v20  }
0x164: {  	[tilespmem:$0x3890] =	vst v19  }
0x165: {  	v19 =	vld [tilespmem:s6+$0xFFFFFFC0];
	_ =	sdelay $0x2  }
0x166: {  	s1 =	sadd.s32 $0xA0, s5  }
0x167: {  	v18 =	vadd.s32 s1, v0  }
0x168: {  	v18 =	vand.u32 $0x1FF, v18;
	v19 =	vshll.u32 v19, $0x9  }
0x169: {  	v18 =	vor.u32 v18, v19  }
0x16a: {  	[tilespmem:$0x38A0] =	vst v18  }
0x16b: {  	v18 =	vld [tilespmem:s6+$0xFFFFFFD0];
	_ =	sdelay $0x4  }
0x16c: {  	v17 =	vand.u32 $0x1FF, v17;
	v18 =	vshll.u32 v18, $0x9  }
0x16d: {  	v17 =	vor.u32 v17, v18  }
0x16e: {  	[tilespmem:$0x38B0] =	vst v17  }
0x16f: {  	v17 =	vld [tilespmem:s6+$0xFFFFFFE0];
	_ =	sdelay $0x2  }
0x170: {  	s10 =	sadd.s32 $0xC0, s5  }
0x171: {  	v16 =	vadd.s32 s10, v0  }
0x172: {  	v16 =	vand.u32 $0x1FF, v16;
	v17 =	vshll.u32 v17, $0x9  }
0x173: {  	v16 =	vor.u32 v16, v17  }
0x174: {  	[tilespmem:$0x38C0] =	vst v16  }
0x175: {  	v16 =	vld [tilespmem:s6+$0xFFFFFFF0];
	_ =	sdelay $0x2  }
0x176: {  	s0 =	sadd.s32 $0xD0, s5  }
0x177: {  	v15 =	vadd.s32 s0, v0  }
0x178: {  	s0 =	sadd.s32 $0x130, s5;
	v15 =	vand.u32 $0x1FF, v15;
	v16 =	vshll.u32 v16, $0x9  }
0x179: {  	p1 =	seq.s32 s9, $0x0;
	v9 =	vadd.s32 s0, v0;
	s0 =	sadd.s32 $0x190, s5;
	v15 =	vor.u32 v15, v16  }
0x17a: {  	v3 =	vadd.s32 s0, v0;
	s0 =	simm.s32 @!p1 $0x8;
	[tilespmem:$0x38D0] =	vst v15  }
0x17b: {  	_ =	swait.ge @!p1 [sflag:s0], $0x1900  }
0x17c: {  	[sflag:s0] =	ssyncset.done @!p1 $0x0  }
0x17d: {  	[sflag:s0] =	ssyncadd.s32 @!p1 $0xFFFFE700  }
0x17e: {  	_ =	swait.ge @!p1 [sflag:s0], $0x1900  }
0x17f: {  	[sflag:s0] =	ssyncset.done @!p1 $0x0  }
0x180: {  	s2 =	sadd.s32 $0x1C0, s2;
	[sflag:s0] =	ssyncadd.s32 @!p1 $0xFFFFE700  }
0x181: {  	s8 =	sadd.s32 $0xE0, s5;
	s31 =	sadd.s32 $0xF0, s5;
	_ =	swait.ge @!p1 [sflag:s0], $0x1900  }
0x182: {  	s1 =	sadd.s32 $0x100, s5;
	v14 =	vadd.s32 s8, v0;
	s8 =	sadd.s32 $0x140, s5;
	[sflag:s0] =	ssyncset.done @!p1 $0x0  }
0x183: {  	s10 =	sadd.s32 $0x120, s5;
	v13 =	vadd.s32 s31, v0;
	s31 =	sadd.s32 $0x150, s5;
	[sflag:s0] =	ssyncadd.s32 @!p1 $0xFFFFE700  }
0x184: {  	v12 =	vadd.s32 s1, v0;
	s1 =	sadd.s32 $0x160, s5;
	v8 =	vadd.s32 s8, v0;
	s8 =	sadd.s32 $0x1A0, s5;
	_ =	swait.ge @!p1 [sflag:s0], $0x1900  }
0x185: {  	v10 =	vadd.s32 s10, v0;
	s10 =	sadd.s32 $0x180, s5;
	s5 =	sadd.s32 $0x1B0, s5;
	[sflag:s0] =	ssyncset.done @!p1 $0x0  }
0x186: {  	v7 =	vadd.s32 s31, v0;
	s31 =	smov.u32 s18;
	v1 =	vadd.s32 s5, v0;
	s5 =	sadd.s32 $0xFFFFFF20, s2;
	[sflag:s0] =	ssyncadd.s32 @!p1 $0xFFFFE700  }
0x187: {  	[tilespmem:s14], [sflag:$0x2] =	stream.indirect.gather [hbm4b:s31+s12], $0x80, s5, s12, $0xb8;
	[tilespmem:$0x11A00] =	vst v63  }
0x188: {  	_ =	swait.ge [sflag:s15], $0x7000  }
0x189: {  	s7 =	sadd.s32 $0x80, s7;
	v6 =	vadd.s32 s1, v0;
	s1 =	rddreg [dreg:$0x6];
	[sflag:s15] =	ssyncset.done $0x0  }
0x18a: {  	[sflag:s15] =	ssyncadd.s32 $0xFFFF9000;
	s5 =	sadd.s32 s7, s1  }
0x18b: {  	[hbm4b:s5+s16] =	stream.strided.scatter [tilespmem:s13], [sflag:$0x3], $0x1900, s17, s16, $0x38;
	[tilespmem:$0x11A00] =	vst v63  }
0x18c: {  	v4 =	vadd.s32 s10, v0;
	s10 =	simm.s32 $0x5600;
	s0 =	sadd.s32 $0x10, s5  }
0x18d: {  	[hbm4b:s0+s16] =	stream.strided.scatter [tilespmem:s10], [sflag:$0x3], $0x1900, s17, s16, $0x38;
	[tilespmem:$0x11A00] =	vst v63  }
0x18e: {  	s18 =	smov.u32 s19;
	s19 =	simm.s32 $0x7200;
	s3 =	sadd.s32 $0x20, s5  }
0x18f: {  	[hbm4b:s3+s16] =	stream.strided.scatter [tilespmem:s19], [sflag:$0x3], $0x1900, s17, s16, $0x38;
	[tilespmem:$0x11A00] =	vst v63  }
0x190: {  	v2 =	vadd.s32 s8, v0;
	s8 =	smov.u32 s20;
	s20 =	simm.s32 $0x8E00;
	s1 =	sadd.s32 $0x30, s5  }
0x191: {  	[hbm4b:s1+s16] =	stream.strided.scatter [tilespmem:s20], [sflag:$0x3], $0x1900, s17, s16, $0x38;
	[tilespmem:$0x11A00] =	vst v63  }
0x192: {  	_ =	swait.ge [sflag:s21], $0x1900  }
0x193: {  	[sflag:s21] =	ssyncset.done $0x0  }
0x194: {  	[sflag:s21] =	ssyncadd.s32 $0xFFFFE700  }
0x195: {  	_ =	swait.ge [sflag:s21], $0x1900  }
0x196: {  	[sflag:s21] =	ssyncset.done $0x0  }
0x197: {  	[sflag:s21] =	ssyncadd.s32 $0xFFFFE700  }
0x198: {  	_ =	swait.ge [sflag:s21], $0x1900  }
0x199: {  	[sflag:s21] =	ssyncset.done $0x0  }
0x19a: {  	[sflag:s21] =	ssyncadd.s32 $0xFFFFE700  }
0x19b: {  	_ =	swait.ge [sflag:s21], $0x1900  }
0x19c: {  	[sflag:s21] =	ssyncset.done $0x0  }
0x19d: {  	s3 =	rddreg [dreg:$0x9];
	[sflag:s21] =	ssyncadd.s32 $0xFFFFE700  }
0x19e: {  	[tilespmem:s13], [sflag:$0x5] =	stream.indirect.gather.add.f32 [hbm:s18], $0x80, s3, s12, $0xb8;
	[tilespmem:$0x11A00] =	vst v63  }
0x19f: {  	_ =	swait.ge [sflag:s22], $0x7000  }
0x1a0: {  	[sflag:s22] =	ssyncset.done $0x0  }
0x1a1: {  	s1 =	sadd.s32 $0x10000, s5;
	[sflag:s22] =	ssyncadd.s32 $0xFFFF9000  }
0x1a2: {  	[hbm4b:s1+s16] =	stream.strided.scatter [tilespmem:s13], [sflag:$0x7], $0x1900, s17, s16, $0x38;
	[tilespmem:$0x11A00] =	vst v63  }
0x1a3: {  	s3 =	sadd.s32 $0x10010, s5  }
0x1a4: {  	[hbm4b:s3+s16] =	stream.strided.scatter [tilespmem:s10], [sflag:$0x7], $0x1900, s17, s16, $0x38;
	[tilespmem:$0x11A00] =	vst v63  }
0x1a5: {  	s1 =	sadd.s32 $0x10020, s5  }
0x1a6: {  	[hbm4b:s1+s16] =	stream.strided.scatter [tilespmem:s19], [sflag:$0x7], $0x1900, s17, s16, $0x38;
	[tilespmem:$0x11A00] =	vst v63  }
0x1a7: {  	s3 =	sadd.s32 $0x10030, s5  }
0x1a8: {  	[hbm4b:s3+s16] =	stream.strided.scatter [tilespmem:s20], [sflag:$0x7], $0x1900, s17, s16, $0x38;
	[tilespmem:$0x11A00] =	vst v63  }
0x1a9: {  	v63 =	vld [tilespmem:s6+$0x0];
	_ =	sdelay $0x4  }
0x1aa: {  	v14 =	vand.u32 $0x1FF, v14;
	v15 =	vshll.u32 v63, $0x9  }
0x1ab: {  	v14 =	vor.u32 v14, v15  }
0x1ac: {  	[tilespmem:$0x3900] =	vst v14  }
0x1ad: {  	v14 =	vld [tilespmem:s6+$0x10];
	_ =	sdelay $0x4  }
0x1ae: {  	v13 =	vand.u32 $0x1FF, v13;
	v14 =	vshll.u32 v14, $0x9  }
0x1af: {  	v13 =	vor.u32 v13, v14  }
0x1b0: {  	[tilespmem:$0x3910] =	vst v13  }
0x1b1: {  	v13 =	vld [tilespmem:s6+$0x20];
	_ =	sdelay $0x4  }
0x1b2: {  	v12 =	vand.u32 $0x1FF, v12;
	v13 =	vshll.u32 v13, $0x9  }
0x1b3: {  	v12 =	vor.u32 v12, v13  }
0x1b4: {  	[tilespmem:$0x3920] =	vst v12  }
0x1b5: {  	v12 =	vld [tilespmem:s6+$0x30];
	_ =	sdelay $0x4  }
0x1b6: {  	v11 =	vand.u32 $0x1FF, v11;
	v12 =	vshll.u32 v12, $0x9  }
0x1b7: {  	v11 =	vor.u32 v11, v12  }
0x1b8: {  	[tilespmem:$0x3930] =	vst v11  }
0x1b9: {  	v11 =	vld [tilespmem:s6+$0x40];
	_ =	sdelay $0x4  }
0x1ba: {  	v10 =	vand.u32 $0x1FF, v10;
	v11 =	vshll.u32 v11, $0x9  }
0x1bb: {  	v10 =	vor.u32 v10, v11  }
0x1bc: {  	[tilespmem:$0x3940] =	vst v10  }
0x1bd: {  	v10 =	vld [tilespmem:s6+$0x50];
	_ =	sdelay $0x4  }
0x1be: {  	v9 =	vand.u32 $0x1FF, v9;
	v10 =	vshll.u32 v10, $0x9  }
0x1bf: {  	v9 =	vor.u32 v9, v10  }
0x1c0: {  	[tilespmem:$0x3950] =	vst v9  }
0x1c1: {  	v9 =	vld [tilespmem:s6+$0x60];
	_ =	sdelay $0x4  }
0x1c2: {  	v8 =	vand.u32 $0x1FF, v8;
	v9 =	vshll.u32 v9, $0x9  }
0x1c3: {  	v8 =	vor.u32 v8, v9  }
0x1c4: {  	[tilespmem:$0x3960] =	vst v8  }
0x1c5: {  	v8 =	vld [tilespmem:s6+$0x70];
	_ =	sdelay $0x4  }
0x1c6: {  	v7 =	vand.u32 $0x1FF, v7;
	v8 =	vshll.u32 v8, $0x9  }
0x1c7: {  	s1 =	sadd.s32 $0xE0, s9;
	v7 =	vor.u32 v7, v8  }
0x1c8: {  	s0 =	sand.u32 $0x1FE0, s1;
	[tilespmem:$0x3970] =	vst v7  }
0x1c9: {  	v7 =	vld [tilespmem:s0+$0x1C80];
	_ =	sdelay $0x4  }
0x1ca: {  	v6 =	vand.u32 $0x1FF, v6;
	v7 =	vshll.u32 v7, $0x9  }
0x1cb: {  	v6 =	vor.u32 v6, v7  }
0x1cc: {  	[tilespmem:$0x3980] =	vst v6  }
0x1cd: {  	v6 =	vld [tilespmem:s6+$0x90];
	_ =	sdelay $0x4  }
0x1ce: {  	v5 =	vand.u32 $0x1FF, v5;
	v6 =	vshll.u32 v6, $0x9  }
0x1cf: {  	v5 =	vor.u32 v5, v6  }
0x1d0: {  	[tilespmem:$0x3990] =	vst v5  }
0x1d1: {  	v5 =	vld [tilespmem:s6+$0xA0];
	_ =	sdelay $0x4  }
0x1d2: {  	v4 =	vand.u32 $0x1FF, v4;
	v5 =	vshll.u32 v5, $0x9  }
0x1d3: {  	v4 =	vor.u32 v4, v5  }
0x1d4: {  	[tilespmem:$0x39A0] =	vst v4  }
0x1d5: {  	v4 =	vld [tilespmem:s6+$0xB0];
	_ =	sdelay $0x4  }
0x1d6: {  	v3 =	vand.u32 $0x1FF, v3;
	v4 =	vshll.u32 v4, $0x9  }
0x1d7: {  	v3 =	vor.u32 v3, v4  }
0x1d8: {  	[tilespmem:$0x39B0] =	vst v3  }
0x1d9: {  	v3 =	vld [tilespmem:s6+$0xC0];
	_ =	sdelay $0x4  }
0x1da: {  	v2 =	vand.u32 $0x1FF, v2;
	v3 =	vshll.u32 v3, $0x9  }
0x1db: {  	v2 =	vor.u32 v2, v3  }
0x1dc: {  	[tilespmem:$0x39C0] =	vst v2  }
0x1dd: {  	v2 =	vld [tilespmem:s6+$0xD0];
	_ =	sdelay $0x4  }
0x1de: {  	v1 =	vand.u32 $0x1FF, v1;
	v2 =	vshll.u32 v2, $0x9  }
0x1df: {  	v1 =	vor.u32 v1, v2  }
0x1e0: {  	[tilespmem:$0x39D0] =	vst v1  }
0x1e1: {  	_ =	swait.ge [sflag:s23], $0x1900  }
0x1e2: {  	[sflag:s23] =	ssyncset.done $0x0  }
0x1e3: {  	[sflag:s23] =	ssyncadd.s32 $0xFFFFE700  }
0x1e4: {  	_ =	swait.ge [sflag:s23], $0x1900  }
0x1e5: {  	[sflag:s23] =	ssyncset.done $0x0  }
0x1e6: {  	[sflag:s23] =	ssyncadd.s32 $0xFFFFE700  }
0x1e7: {  	_ =	swait.ge [sflag:s23], $0x1900  }
0x1e8: {  	[sflag:s23] =	ssyncset.done $0x0  }
0x1e9: {  	[sflag:s23] =	ssyncadd.s32 $0xFFFFE700  }
0x1ea: {  	_ =	swait.ge [sflag:s23], $0x1900  }
0x1eb: {  	p1 =	seq.s32 s9, $0x1A40;
	[sflag:s23] =	ssyncset.done $0x0  }
0x1ec: {  	s1 =	simm.s32 @!p1 $0x3A00;
	s0 =	simm.s32 @!p1 $0xE0;
	[sflag:s23] =	ssyncadd.s32 $0xFFFFE700  }
0x1ed: {  	[tilespmem:s1], [sflag:$0x1] =	stream.indirect.gather @!p1 [hbm4b:s31+s0], $0x80, s2, s0, $0xb8;
	[tilespmem:$0x11A00] =	vst v63  }
0x1ee: {  	s3 =	sadd.s32 s7, s8;
	_ =	swait.ge [sflag:s24], $0x7000  }
0x1ef: {  	s0 =	sadd.s32 $0x40, s3;
	[sflag:s24] =	ssyncset.done $0x0  }
0x1f0: {  	s9 =	sadd.s32 $0x40, s5;
	s3 =	sor.u32 $0x50, s0;
	[sflag:s24] =	ssyncadd.s32 $0xFFFF9000  }
0x1f1: {  	[hbm4b:s9+s16] =	stream.strided.scatter [tilespmem:s14], [sflag:$0x4], $0x1900, s17, s16, $0x38;
	[tilespmem:$0x11A00] =	vst v63  }
0x1f2: {  	s5 =	sor.u32 $0x60, s0;
	s1 =	sadd.s32 s4, s3  }
0x1f3: {  	[hbm4b:s1+s16] =	stream.strided.scatter [tilespmem:s25], [sflag:$0x4], $0x1900, s17, s16, $0x38;
	[tilespmem:$0x11A00] =	vst v63  }
0x1f4: {  	s0 =	sor.u32 $0x70, s0;
	s3 =	sadd.s32 s4, s5  }
0x1f5: {  	[hbm4b:s3+s16] =	stream.strided.scatter [tilespmem:s26], [sflag:$0x4], $0x1900, s17, s16, $0x38;
	[tilespmem:$0x11A00] =	vst v63  }
0x1f6: {  	s0 =	sadd.s32 s4, s0  }
0x1f7: {  	[hbm4b:s0+s16] =	stream.strided.scatter [tilespmem:s28], [sflag:$0x4], $0x1900, s17, s16, $0x38;
	[tilespmem:$0x11A00] =	vst v63  }
0x1f8: {  	_ =	swait.ge [sflag:s29], $0x1900  }
0x1f9: {  	[sflag:s29] =	ssyncset.done $0x0  }
0x1fa: {  	[sflag:s29] =	ssyncadd.s32 $0xFFFFE700  }
0x1fb: {  	_ =	swait.ge [sflag:s29], $0x1900  }
0x1fc: {  	[sflag:s29] =	ssyncset.done $0x0  }
0x1fd: {  	[sflag:s29] =	ssyncadd.s32 $0xFFFFE700  }
0x1fe: {  	_ =	swait.ge [sflag:s29], $0x1900  }
0x1ff: {  	[sflag:s29] =	ssyncset.done $0x0  }
0x200: {  	[sflag:s29] =	ssyncadd.s32 $0xFFFFE700  }
0x201: {  	_ =	swait.ge [sflag:s29], $0x1900  }
0x202: {  	[sflag:s29] =	ssyncset.done $0x0  }
0x203: {  	s9 =	rddreg [dreg:$0xa];
	[sflag:s29] =	ssyncadd.s32 $0xFFFFE700  }
0x204: {  	[tilespmem:s14], [sflag:$0x6] =	stream.indirect.gather.add.f32 [hbm:s18], $0x80, s9, s12, $0xb8;
	[tilespmem:$0x11A00] =	vst v63  }
0x205: {  	_ =	swait.ge [sflag:s30], $0x7000  }
0x206: {  	s1 =	rddreg [dreg:$0x8]  }
0x207: {  	s11 =	sadd.s32 $0x1C0, s11;
	[sflag:s30] =	ssyncset.done $0x0;
	s0 =	sadd.s32 s7, s1  }
0x208: {  	p0 =	sne.s32 s11, $0x1C00;
	[sflag:s30] =	ssyncadd.s32 $0xFFFF9000;
	s3 =	sadd.s32 $0x10040, s0  }
0x209: {  	[hbm4b:s3+s16] =	stream.strided.scatter [tilespmem:s14], [sflag:$0x8], $0x1900, s17, s16, $0x38;
	[tilespmem:$0x11A00] =	vst v63  }
.Ltmp0:
0x20a: {  	_ = 	snop;
	(pc) =	sbr.rel @p0 .LBB2_2-.Ltmp0, $4  }
0x20b: {  	s5 =	sadd.s32 $0x10050, s0  }
0x20c: {  	[hbm4b:s5+s16] =	stream.strided.scatter [tilespmem:s25], [sflag:$0x8], $0x1900, s17, s16, $0x38;
	[tilespmem:$0x11A00] =	vst v63  }
0x20d: {  	s6 =	sadd.s32 $0x1C0, s6;
	s9 =	sadd.s32 $0x10060, s0;
	s5 =	sadd.s32 $0x10070, s0  }
0x20e: {  	[hbm4b:s9+s16] =	stream.strided.scatter [tilespmem:s26], [sflag:$0x8], $0x1900, s17, s16, $0x38;
	[tilespmem:$0x11A00] =	vst v63  }
0x20f: {  	[hbm4b:s5+s16] =	stream.strided.scatter [tilespmem:s28], [sflag:$0x8], $0x1900, s17, s16, $0x38;
	[tilespmem:$0x11A00] =	vst v63  }
0x210: {  	s1 =	simm.s32 $0x8  }
0x211: {  	_ =	swait.ge [sflag:s1], $0x1900  }
0x212: {  	[sflag:s1] =	ssyncset.done $0x0  }
0x213: {  	[sflag:s1] =	ssyncadd.s32 $0xFFFFE700  }
0x214: {  	_ =	swait.ge [sflag:s1], $0x1900  }
0x215: {  	[sflag:s1] =	ssyncset.done $0x0  }
0x216: {  	[sflag:s1] =	ssyncadd.s32 $0xFFFFE700  }
0x217: {  	_ =	swait.ge [sflag:s1], $0x1900  }
0x218: {  	[sflag:s1] =	ssyncset.done $0x0  }
0x219: {  	[sflag:s1] =	ssyncadd.s32 $0xFFFFE700  }
0x21a: {  	_ =	swait.ge [sflag:s1], $0x1900  }
0x21b: {  	s2 =	rddreg [dreg:$0xe]  }
0x21c: {  	s0 =	rddreg [dreg:$0xd];
	s2 =	sadd.s32 $0x1, s2  }
0x21d: {  	p0 =	sne.s32 s2, s0  }
.Ltmp1:
0x21e: {  	_ = 	snop;
	(pc) =	sbr.rel @p0 .LBB2_1-.Ltmp1, $3  }
0x21f: {  	_ =	sdelay $0x1  }
0x220: {  	[sflag:s1] =	ssyncset.done $0x0  }
0x221: {  	[sflag:s1] =	ssyncadd.s32 $0xFFFFE700  }
0x222: {  	_ =	sfence.sel $0x180000  }
0x223: {  	[bflag:$0x0] =	sbarrier.arrive $0xFFFF  }
0x224: {  	_ =	strace $0x90000047  }
0x225: {  	s0 =	stileid.u32;
	[bflag:$0x2] =	sbarrier.arrive $0xFFFF  }
0x226: {  	p0 =	sne.s32 s0, $0x0;
	s0 =	rddreg [dreg:$0x5]  }
0x227: {  	s0 =	sadd.s32 @!p0 $0x100000, s0  }
0x228: {  	[sflag:s0] =	ssyncadd.tile.s32 @!p0 $0x1;
	_ =	shalt  }
.Lfunc_end2:
_tile_overlayer_lowered:
.L_overlay_start_2:
0x229: {  	(tag) =	ssettag $0x2  }
0x22a: {  	s0 =	rddreg [dreg:$0x0];
	s2 =	stileid.u32  }
0x22b: {  	s1 =	rddreg [dreg:$0x1];
	p0 =	sne.s32 s2, $0x0  }
0x22c: {  	s3 =	rddreg [dreg:$0x2];
	[bflag:$0x3] =	sbarrier.arrive $0xFFFF;
	s2 =	simm.s32 @!p0 $0x1C09  }
0x22d: {  	[timem:s3], [sflag:s2] =	dma.local @!p0 [hbm:s0], s1  }
0x22e: {  	s0 =	simm.s32 @!p0 $0x9  }
0x22f: {  	_ =	swait.ge @!p0 [sflag:s0], s1  }
0x230: {  	s1 =	ssub.s32 @!p0 $0x0, s1;
	[sflag:s0] =	ssyncset.done @!p0 $0x0  }
0x231: {  	[sflag:s0] =	ssyncadd.s32 @!p0 s1  }
0x232: {  	[bflag:$0x3] =	sbarrier.arrive $0xFFFF  }
0x233: {  	_ =	shalt  }

</sc_bundles>
